<compile_context>
chip_gen: v7x
topology: tpu7x:2x2x1
jax: 0.10.2.dev20260603
libtpu: 0.0.44.dev20260713+nightly
codegen_flags: <defaults>
</compile_context>

<pallas_src>
import functools

import jax
import jax.numpy as jnp
from jax import lax
from jax.experimental import pallas as pl
from jax.experimental.pallas import tpu as pltpu
from jax.experimental.pallas import tpu_sc as plsc

_B, _T, _D, _DH = 16, 4096, 1024, 64
_N = _B * _T
_NC, _NS = 2, 16
_NW = _NC * _NS
_RPW = _N // _NW
_CH = 128
_NCH = _RPW // _CH

_ROWS = 2048


def _gather_body(tab_hbm, ids_hbm, out_hbm, idx_v, rows_v, gsem0, gsem1):
    wid = lax.axis_index("s") * _NC + lax.axis_index("c")
    base = wid * _RPW
    pltpu.sync_copy(ids_hbm.at[wid], idx_v)
    sems = (gsem0, gsem1)
    cps = [None, None]
    cps[0] = pltpu.async_copy(tab_hbm.at[idx_v.at[0]], rows_v.at[0], sems[0])
    for j in range(_NCH):
        if j + 1 < _NCH:
            b = (j + 1) % 2
            cps[b] = pltpu.async_copy(
                tab_hbm.at[idx_v.at[j + 1]], rows_v.at[b], sems[b])
        cps[j % 2].wait()
        pltpu.sync_copy(rows_v.at[j % 2],
                        out_hbm.at[pl.ds(base + j * _CH, _CH)])


_TCOL = 16000


def _transpose_body(tt, out):
    out[:, 0:_DH] = tt[...].T


def _widen_table(token_table):
    return pl.pallas_call(
        _transpose_body,
        grid=(TOKEN_ROWS // _TCOL,),
        in_specs=[pl.BlockSpec((_DH, _TCOL), lambda i: (0, i))],
        out_specs=pl.BlockSpec((_TCOL, 128), lambda i: (i, 0)),
        out_shape=jax.ShapeDtypeStruct((TOKEN_ROWS, 128), jnp.float32),
    )(token_table.T)


TOKEN_ROWS = 400000


def _token_gather(token_table, token_ids):
    tabp = _widen_table(token_table)
    ids3 = token_ids.reshape(_NW, _NCH, _CH)
    mesh = plsc.VectorSubcoreMesh(core_axis_name="c", subcore_axis_name="s")
    run = pl.kernel(
        _gather_body,
        out_type=jax.ShapeDtypeStruct((_N, 128), jnp.float32),
        mesh=mesh,
        scratch_types=[
            pltpu.VMEM((_NCH, _CH), jnp.int32),
            pltpu.VMEM((2, _CH, 128), jnp.float32),
            pltpu.SemaphoreType.DMA,
            pltpu.SemaphoreType.DMA,
        ],
        compiler_params=pltpu.CompilerParams(use_tc_tiling_on_sc=False),
    )
    return run(tabp, ids3)


_SUB = 256


def _mlp_body(tok, feat, ids, M74, W2, b2, W3, b3, g, beta, out):
    m74 = M74[...]
    w2 = W2[...]
    w3 = W3[...]
    b2v = b2[...].astype(jnp.bfloat16)
    b3v = b3[...]
    gv = g[...]
    bv = beta[...]
    for s in range(_ROWS // _SUB):
        sl = pl.ds(s * _SUB, _SUB)
        tk = tok[sl, 0:_DH].astype(jnp.bfloat16)
        f = feat[sl, 0:4].astype(jnp.bfloat16)
        idv = ids[sl, 0:3]
        order = (idv[:, 0:1] == idv[:, 1:2]).astype(jnp.bfloat16)
        iot = lax.broadcasted_iota(jnp.int32, (_SUB, 4), 1)
        oh = (idv[:, 2:3] == iot).astype(jnp.bfloat16)
        ones = jnp.ones((_SUB, 1), jnp.bfloat16)
        small = jnp.concatenate([f, order, oh, ones], axis=1)
        x = jnp.concatenate([tk, small], axis=1)
        p = jnp.dot(x, m74,
                    preferred_element_type=jnp.float32).astype(jnp.bfloat16)
        h = jnp.where(p >= 0, p, jnp.bfloat16(0.01) * p)
        h = jnp.dot(h, w2,
                    preferred_element_type=jnp.float32).astype(jnp.bfloat16)
        h = h + b2v
        h = jnp.where(h >= 0, h, jnp.bfloat16(0.01) * h)
        h = jnp.dot(h, w3, preferred_element_type=jnp.float32) + b3v
        mu = jnp.mean(h, axis=1, keepdims=True)
        hc = h - mu
        var = jnp.mean(hc * hc, axis=1, keepdims=True)
        out[sl, :] = hc * lax.rsqrt(var + 1e-15) * gv + bv


def _mlp_call(tok, feat2, ids2, M74, W2, b2, W3, b3, g, beta):
    row = lambda i: (i, 0)
    rep = lambda i: (0, 0)
    return pl.pallas_call(
        _mlp_body,
        grid=(_N // _ROWS,),
        in_specs=[
            pl.BlockSpec((_ROWS, 128), row),
            pl.BlockSpec((_ROWS, 16), row),
            pl.BlockSpec((_ROWS, 16), row),
            pl.BlockSpec((74, _D // 2), rep),
            pl.BlockSpec((_D // 2, _D), rep),
            pl.BlockSpec((1, _D), rep),
            pl.BlockSpec((_D, _D), rep),
            pl.BlockSpec((1, _D), rep),
            pl.BlockSpec((1, _D), rep),
            pl.BlockSpec((1, _D), rep),
        ],
        out_specs=pl.BlockSpec((_ROWS, _D), row),
        out_shape=jax.ShapeDtypeStruct((_N, _D), jnp.float32),
    )(tok, feat2, ids2, M74, W2, b2, W3, b3, g, beta)


def kernel(feat, padded_index, etype_ids, token_ids, edge_W, edge_b,
           order_table, etype_table, token_table,
           W1, b1, W2, b2, W3, b3, ln_gamma, ln_beta):
    tok = _token_gather(token_table, token_ids)

    W1a, W1b, W1c, W1d = W1[:64], W1[64:128], W1[128:192], W1[192:]
    Wf = edge_W @ W1a
    dWo = ((order_table[1] - order_table[0]) @ W1b)[None, :]
    We = etype_table @ W1c
    bias1 = (b1 + edge_b @ W1a + order_table[0] @ W1b)[None, :]
    M74 = jnp.concatenate([W1d, Wf, dWo, We, bias1],
                          axis=0).astype(jnp.bfloat16)

    feat2 = jnp.pad(feat.reshape(_N, 4), ((0, 0), (0, 12)))
    ids2 = jnp.concatenate(
        [padded_index.reshape(_N, 2), etype_ids.reshape(_N, 1),
         jnp.zeros((_N, 13), jnp.int32)], axis=1)

    out = _mlp_call(tok, feat2, ids2, M74,
                    W2.astype(jnp.bfloat16), b2[None, :],
                    W3.astype(jnp.bfloat16), b3[None, :],
                    ln_gamma[None, :], ln_beta[None, :])
    return out.reshape(_B, _T, _D)

# --- scband reference (transcript-rebuilt; emitter-appended) ---
"""Pipeline reference for scband-finetune-embedding-55662776156392 (READ-ONLY COPY).

The authoritative reference and input builder live on the scoring server;
editing this copy changes nothing except your own understanding.
"""

import jax, jax.numpy as jnp
import numpy as np

B, T, D, DH = 16, 4096, 1024, 64
TOKEN_VOCAB, ETYPE_VOCAB = 400000, 4

def setup_inputs(seed: int = 0) -> dict:
    key = jax.random.key(seed)
    ks = jax.random.split(key, 16)
    std = 0.2 / np.sqrt(12.0)
    feat = jax.random.normal(ks[0], (B, T, 4), dtype=jnp.float32)
    padded_index = jax.random.randint(ks[1], (B, T, 2), 0, 4096)
    etype_ids = jax.random.randint(ks[2], (B, T), 0, ETYPE_VOCAB)
    token_ids = jax.random.randint(ks[3], (B, T), 0, TOKEN_VOCAB)
    edge_W = jax.random.normal(ks[4], (4, DH), dtype=jnp.float32) * std
    edge_b = jnp.zeros((DH,), dtype=jnp.float32)
    order_table = jax.random.normal(ks[5], (2, DH), dtype=jnp.float32) * 0.02
    order_table = order_table.at[0].set(0.0)  # padding_idx=0
    etype_table = jax.random.normal(ks[6], (ETYPE_VOCAB, DH), dtype=jnp.float32) * 0.02
    token_table = jax.random.normal(ks[7], (TOKEN_VOCAB, DH), dtype=jnp.float32) * 0.02
    W1 = jax.random.normal(ks[8], (4 * DH, D // 2), dtype=jnp.float32) * std
    b1 = jnp.zeros((D // 2,), dtype=jnp.float32)
    W2 = jax.random.normal(ks[9], (D // 2, D), dtype=jnp.float32) * std
    b2 = jnp.zeros((D,), dtype=jnp.float32)
    W3 = jax.random.normal(ks[10], (D, D), dtype=jnp.float32) * std
    b3 = jnp.zeros((D,), dtype=jnp.float32)
    ln_gamma = jnp.ones((D,), dtype=jnp.float32)
    ln_beta = jnp.zeros((D,), dtype=jnp.float32)
    return {
        "feat": feat, "padded_index": padded_index, "etype_ids": etype_ids,
        "token_ids": token_ids, "edge_W": edge_W, "edge_b": edge_b,
        "order_table": order_table, "etype_table": etype_table,
        "token_table": token_table, "W1": W1, "b1": b1, "W2": W2, "b2": b2,
        "W3": W3, "b3": b3, "ln_gamma": ln_gamma, "ln_beta": ln_beta,
    }

def _leaky_relu(x):
    return jnp.where(x >= 0, x, 0.01 * x)

def reference(feat, padded_index, etype_ids, token_ids, edge_W, edge_b,
              order_table, etype_table, token_table,
              W1, b1, W2, b2, W3, b3, ln_gamma, ln_beta):
    # feature encoder (edge/node Linear(4, hidden//heads))
    feat_enc = feat @ edge_W + edge_b  # [B,T,DH]
    # type embed: order = (src == dst), padding_idx=0 row is zero
    order = (padded_index[..., 0] == padded_index[..., 1]).astype(jnp.int32)
    order_embed = jnp.take(order_table, order, axis=0)  # [B,T,DH]
    # etype embedding lookup
    etype_embed = jnp.take(etype_table, etype_ids, axis=0)  # [B,T,DH]
    # token embedding lookup (400k vocab -> memory-bound gather)
    token_embed = jnp.take(token_table, token_ids, axis=0)  # [B,T,DH]
    x = jnp.concatenate([feat_enc, order_embed, etype_embed, token_embed], axis=-1)  # [B,T,4*DH]
    # encoding MLP: Linear -> (dropout, eval=identity) -> LeakyReLU -> Linear -> LeakyReLU -> Linear
    h = _leaky_relu(x @ W1 + b1)
    h = _leaky_relu(h @ W2 + b2)
    h = h @ W3 + b3  # [B,T,D]
    # LayerNorm(eps=1e-15), biased variance as in torch
    mu = jnp.mean(h, axis=-1, keepdims=True)
    var = jnp.mean((h - mu) ** 2, axis=-1, keepdims=True)
    out = (h - mu) / jnp.sqrt(var + 1e-15) * ln_gamma + ln_beta
    return out

if __name__ == "__main__":
    import jax
    _d = setup_inputs()
    print(jax.jit(kernel)(*tuple(_d.values())))

</pallas_src>

<mosaic_0001>
#map = affine_map<(d0, d1) -> (0, 0)>
#map1 = affine_map<(d0, d1) -> (0, 0, 0)>
module attributes {stable_mosaic.version = 14 : i64} {
  func.func @_gather_body(%arg0: i32, %arg1: i32, %arg2: memref<400000x128xf32, #tpu.memory_space<hbm>>, %arg3: memref<32x16x128xi32, #tpu.memory_space<hbm>>, %arg4: memref<65536x128xf32, #tpu.memory_space<hbm>>, %arg5: memref<16x128xi32, #tpu.memory_space<vmem>>, %arg6: memref<2x128x128xf32, #tpu.memory_space<vmem>>, %arg7: memref<!tpu.dma_semaphore, #tpu.memory_space<semaphore_mem>>, %arg8: memref<!tpu.dma_semaphore, #tpu.memory_space<semaphore_mem>>) attributes {dimension_semantics = [#tpu.dimension_semantics<core_parallel>, #tpu.dimension_semantics<subcore_parallel>], iteration_bounds = array<i64: 2, 16>, scalar_prefetch = 0 : i64, scratch_operands = 4 : i64, tpu.core_type = #tpu.core_type<sc_vector_subcore>, window_params = [{transform_indices = #map}, {transform_indices = #map1}, {transform_indices = #map}]} {
    %mul3A = arith.constant 2 : i32
    %mul3A_0 = arith.muli %arg1, %mul3A : i32
    %add3A = arith.addi %mul3A_0, %arg0 : i32
    %mul3A_1 = arith.constant 2048 : i32
    %mul3A_2 = arith.muli %add3A, %mul3A_1 : i32
    "tpu.region"() ({
      %run_scoped3A_432 = tpu.sem_alloc : memref<!tpu.dma_semaphore, #tpu.memory_space<semaphore_mem>>
      %dma_start3A_433 = arith.constant 0 : i32
      %dma_start3A_434 = arith.constant 0 : i32
      %dma_start3A_435 = tpu.memref_slice %arg3[%add3A, %dma_start3A_433, %dma_start3A_434] : memref<32x16x128xi32, #tpu.memory_space<hbm>> -> memref<1x16x128xi32, #tpu.memory_space<hbm>>
      %dma_start3A_436 = tpu.memref_squeeze %dma_start3A_435 : memref<1x16x128xi32, #tpu.memory_space<hbm>> -> memref<16x128xi32, #tpu.memory_space<hbm>>
      %dma_start3A_437 = arith.constant 0 : i32
      %dma_start3A_438 = arith.constant 0 : i32
      %dma_start3A_439 = tpu.memref_slice %arg3[%add3A, %dma_start3A_437, %dma_start3A_438] : memref<32x16x128xi32, #tpu.memory_space<hbm>> -> memref<1x16x128xi32, #tpu.memory_space<hbm>>
      %dma_start3A_440 = tpu.memref_squeeze %dma_start3A_439 : memref<1x16x128xi32, #tpu.memory_space<hbm>> -> memref<16x128xi32, #tpu.memory_space<hbm>>
      tpu.enqueue_dma source(%dma_start3A_440 : memref<16x128xi32, #tpu.memory_space<hbm>>) target(%arg5 : memref<16x128xi32, #tpu.memory_space<vmem>>) target_semaphore(%run_scoped3A_432 : memref<!tpu.dma_semaphore, #tpu.memory_space<semaphore_mem>>)
      %dma_wait3A_441 = arith.constant 0 : i32
      %dma_wait3A_442 = arith.constant 0 : i32
      %dma_wait3A_443 = tpu.memref_slice %arg3[%add3A, %dma_wait3A_441, %dma_wait3A_442] : memref<32x16x128xi32, #tpu.memory_space<hbm>> -> memref<1x16x128xi32, #tpu.memory_space<hbm>>
      %dma_wait3A_444 = tpu.memref_squeeze %dma_wait3A_443 : memref<1x16x128xi32, #tpu.memory_space<hbm>> -> memref<16x128xi32, #tpu.memory_space<hbm>>
      %dma_wait3A_445 = arith.constant 0 : i32
      %dma_wait3A_446 = arith.constant 0 : i32
      %dma_wait3A_447 = tpu.memref_slice %arg3[%add3A, %dma_wait3A_445, %dma_wait3A_446] : memref<32x16x128xi32, #tpu.memory_space<hbm>> -> memref<1x16x128xi32, #tpu.memory_space<hbm>>
      %dma_wait3A_448 = tpu.memref_squeeze %dma_wait3A_447 : memref<1x16x128xi32, #tpu.memory_space<hbm>> -> memref<16x128xi32, #tpu.memory_space<hbm>>
      tpu.wait_dma2 semaphore(%run_scoped3A_432 : memref<!tpu.dma_semaphore, #tpu.memory_space<semaphore_mem>>) src(%dma_wait3A_448 : memref<16x128xi32, #tpu.memory_space<hbm>>) dst(%arg5 : memref<16x128xi32, #tpu.memory_space<vmem>>)
      tpu.yield
    }) : () -> ()
    %dma_start3A = arith.constant 0 : i32
    %dma_start3A_3 = arith.constant 0 : i32
    %dma_start3A_4 = arith.constant 0 : i32
    %dma_start3A_5 = arith.constant 0 : i32
    %dma_start3A_6 = tpu.memref_slice %arg6[%dma_start3A_3, %dma_start3A_4, %dma_start3A_5] : memref<2x128x128xf32, #tpu.memory_space<vmem>> -> memref<1x128x128xf32, #tpu.memory_space<vmem>>
    %dma_start3A_7 = tpu.memref_squeeze %dma_start3A_6 : memref<1x128x128xf32, #tpu.memory_space<vmem>> -> memref<128x128xf32, #tpu.memory_space<vmem>>
    %dma_start3A_8 = arith.constant 0 : i32
    %dma_start3A_9 = tpu.memref_slice %arg5[%dma_start3A, %dma_start3A_8] : memref<16x128xi32, #tpu.memory_space<vmem>> -> memref<1x128xi32, #tpu.memory_space<vmem>>
    %dma_start3A_10 = tpu.memref_squeeze %dma_start3A_9 : memref<1x128xi32, #tpu.memory_space<vmem>> -> memref<128xi32, #tpu.memory_space<vmem>>
    %dma_start3A_11 = arith.constant 0 : i32
    %dma_start3A_12 = arith.constant 0 : i32
    %dma_start3A_13 = tpu.memref_slice %arg2[%dma_start3A_11, %dma_start3A_12] : memref<400000x128xf32, #tpu.memory_space<hbm>> -> memref<400000x128xf32, #tpu.memory_space<hbm>>
    tpu.enqueue_indirect_dma source(%dma_start3A_13 : memref<400000x128xf32, #tpu.memory_space<hbm>>) target(%dma_start3A_7 : memref<128x128xf32, #tpu.memory_space<vmem>>) offsets(%dma_start3A_10 : memref<128xi32, #tpu.memory_space<vmem>>) semaphore(%arg7 : memref<!tpu.dma_semaphore, #tpu.memory_space<semaphore_mem>>)
    %dma_start3A_14 = arith.constant 1 : i32
    %dma_start3A_15 = arith.constant 1 : i32
    %dma_start3A_16 = arith.constant 0 : i32
    %dma_start3A_17 = arith.constant 0 : i32
    %dma_start3A_18 = tpu.memref_slice %arg6[%dma_start3A_15, %dma_start3A_16, %dma_start3A_17] : memref<2x128x128xf32, #tpu.memory_space<vmem>> -> memref<1x128x128xf32, #tpu.memory_space<vmem>>
    %dma_start3A_19 = tpu.memref_squeeze %dma_start3A_18 : memref<1x128x128xf32, #tpu.memory_space<vmem>> -> memref<128x128xf32, #tpu.memory_space<vmem>>
    %dma_start3A_20 = arith.constant 0 : i32
    %dma_start3A_21 = tpu.memref_slice %arg5[%dma_start3A_14, %dma_start3A_20] : memref<16x128xi32, #tpu.memory_space<vmem>> -> memref<1x128xi32, #tpu.memory_space<vmem>>
    %dma_start3A_22 = tpu.memref_squeeze %dma_start3A_21 : memref<1x128xi32, #tpu.memory_space<vmem>> -> memref<128xi32, #tpu.memory_space<vmem>>
    %dma_start3A_23 = arith.constant 0 : i32
    %dma_start3A_24 = arith.constant 0 : i32
    %dma_start3A_25 = tpu.memref_slice %arg2[%dma_start3A_23, %dma_start3A_24] : memref<400000x128xf32, #tpu.memory_space<hbm>> -> memref<400000x128xf32, #tpu.memory_space<hbm>>
    tpu.enqueue_indirect_dma source(%dma_start3A_25 : memref<400000x128xf32, #tpu.memory_space<hbm>>) target(%dma_start3A_19 : memref<128x128xf32, #tpu.memory_space<vmem>>) offsets(%dma_start3A_22 : memref<128xi32, #tpu.memory_space<vmem>>) semaphore(%arg8 : memref<!tpu.dma_semaphore, #tpu.memory_space<semaphore_mem>>)
    %dma_wait3A = arith.constant 0 : i32
    %dma_wait3A_26 = arith.constant 0 : i32
    %dma_wait3A_27 = arith.constant 0 : i32
    %dma_wait3A_28 = arith.constant 0 : i32
    %dma_wait3A_29 = tpu.memref_slice %arg6[%dma_wait3A_26, %dma_wait3A_27, %dma_wait3A_28] : memref<2x128x128xf32, #tpu.memory_space<vmem>> -> memref<1x128x128xf32, #tpu.memory_space<vmem>>
    %dma_wait3A_30 = tpu.memref_squeeze %dma_wait3A_29 : memref<1x128x128xf32, #tpu.memory_space<vmem>> -> memref<128x128xf32, #tpu.memory_space<vmem>>
    %dma_wait3A_31 = arith.constant 0 : i32
    %dma_wait3A_32 = tpu.memref_slice %arg5[%dma_wait3A, %dma_wait3A_31] : memref<16x128xi32, #tpu.memory_space<vmem>> -> memref<1x128xi32, #tpu.memory_space<vmem>>
    %dma_wait3A_33 = tpu.memref_squeeze %dma_wait3A_32 : memref<1x128xi32, #tpu.memory_space<vmem>> -> memref<128xi32, #tpu.memory_space<vmem>>
    %dma_wait3A_34 = arith.constant 0 : i32
    %dma_wait3A_35 = arith.constant 0 : i32
    %dma_wait3A_36 = tpu.memref_slice %arg2[%dma_wait3A_34, %dma_wait3A_35] : memref<400000x128xf32, #tpu.memory_space<hbm>> -> memref<400000x128xf32, #tpu.memory_space<hbm>>
    tpu.wait_indirect_dma semaphore(%arg7 : memref<!tpu.dma_semaphore, #tpu.memory_space<semaphore_mem>>) src(%dma_wait3A_36 : memref<400000x128xf32, #tpu.memory_space<hbm>>) dst(%dma_wait3A_30 : memref<128x128xf32, #tpu.memory_space<vmem>>)
    %add3A_37 = arith.constant 0 : i32
    %add3A_38 = arith.addi %mul3A_2, %add3A_37 : i32
    %run_scoped3A = arith.constant 0 : i32
    "tpu.region"() ({
      %run_scoped3A_432 = tpu.sem_alloc : memref<!tpu.dma_semaphore, #tpu.memory_space<semaphore_mem>>
      %dma_start3A_433 = arith.constant 0 : i32
      %dma_start3A_434 = arith.constant 0 : i32
      %dma_start3A_435 = tpu.memref_slice %arg6[%run_scoped3A, %dma_start3A_433, %dma_start3A_434] : memref<2x128x128xf32, #tpu.memory_space<vmem>> -> memref<1x128x128xf32, #tpu.memory_space<vmem>>
      %dma_start3A_436 = tpu.memref_squeeze %dma_start3A_435 : memref<1x128x128xf32, #tpu.memory_space<vmem>> -> memref<128x128xf32, #tpu.memory_space<vmem>>
      %dma_start3A_437 = arith.constant 0 : i32
      %dma_start3A_438 = tpu.memref_slice %arg4[%add3A_38, %dma_start3A_437] : memref<65536x128xf32, #tpu.memory_space<hbm>> -> memref<128x128xf32, #tpu.memory_space<hbm>>
      %dma_start3A_439 = arith.constant 0 : i32
      %dma_start3A_440 = tpu.memref_slice %arg4[%add3A_38, %dma_start3A_439] : memref<65536x128xf32, #tpu.memory_space<hbm>> -> memref<128x128xf32, #tpu.memory_space<hbm>>
      %dma_start3A_441 = arith.constant 0 : i32
      %dma_start3A_442 = arith.constant 0 : i32
      %dma_start3A_443 = tpu.memref_slice %arg6[%run_scoped3A, %dma_start3A_441, %dma_start3A_442] : memref<2x128x128xf32, #tpu.memory_space<vmem>> -> memref<1x128x128xf32, #tpu.memory_space<vmem>>
      %dma_start3A_444 = tpu.memref_squeeze %dma_start3A_443 : memref<1x128x128xf32, #tpu.memory_space<vmem>> -> memref<128x128xf32, #tpu.memory_space<vmem>>
      tpu.enqueue_dma source(%dma_start3A_444 : memref<128x128xf32, #tpu.memory_space<vmem>>) target(%dma_start3A_440 : memref<128x128xf32, #tpu.memory_space<hbm>>) target_semaphore(%run_scoped3A_432 : memref<!tpu.dma_semaphore, #tpu.memory_space<semaphore_mem>>)
      %dma_wait3A_445 = arith.constant 0 : i32
      %dma_wait3A_446 = arith.constant 0 : i32
      %dma_wait3A_447 = tpu.memref_slice %arg6[%run_scoped3A, %dma_wait3A_445, %dma_wait3A_446] : memref<2x128x128xf32, #tpu.memory_space<vmem>> -> memref<1x128x128xf32, #tpu.memory_space<vmem>>
      %dma_wait3A_448 = tpu.memref_squeeze %dma_wait3A_447 : memref<1x128x128xf32, #tpu.memory_space<vmem>> -> memref<128x128xf32, #tpu.memory_space<vmem>>
      %dma_wait3A_449 = arith.constant 0 : i32
      %dma_wait3A_450 = tpu.memref_slice %arg4[%add3A_38, %dma_wait3A_449] : memref<65536x128xf32, #tpu.memory_space<hbm>> -> memref<128x128xf32, #tpu.memory_space<hbm>>
      %dma_wait3A_451 = arith.constant 0 : i32
      %dma_wait3A_452 = tpu.memref_slice %arg4[%add3A_38, %dma_wait3A_451] : memref<65536x128xf32, #tpu.memory_space<hbm>> -> memref<128x128xf32, #tpu.memory_space<hbm>>
      %dma_wait3A_453 = arith.constant 0 : i32
      %dma_wait3A_454 = arith.constant 0 : i32
      %dma_wait3A_455 = tpu.memref_slice %arg6[%run_scoped3A, %dma_wait3A_453, %dma_wait3A_454] : memref<2x128x128xf32, #tpu.memory_space<vmem>> -> memref<1x128x128xf32, #tpu.memory_space<vmem>>
      %dma_wait3A_456 = tpu.memref_squeeze %dma_wait3A_455 : memref<1x128x128xf32, #tpu.memory_space<vmem>> -> memref<128x128xf32, #tpu.memory_space<vmem>>
      tpu.wait_dma2 semaphore(%run_scoped3A_432 : memref<!tpu.dma_semaphore, #tpu.memory_space<semaphore_mem>>) src(%dma_wait3A_456 : memref<128x128xf32, #tpu.memory_space<vmem>>) dst(%dma_wait3A_452 : memref<128x128xf32, #tpu.memory_space<hbm>>)
      tpu.yield
    }) : () -> ()
    %dma_start3A_39 = arith.constant 2 : i32
    %dma_start3A_40 = arith.constant 0 : i32
    %dma_start3A_41 = arith.constant 0 : i32
    %dma_start3A_42 = arith.constant 0 : i32
    %dma_start3A_43 = tpu.memref_slice %arg6[%dma_start3A_40, %dma_start3A_41, %dma_start3A_42] : memref<2x128x128xf32, #tpu.memory_space<vmem>> -> memref<1x128x128xf32, #tpu.memory_space<vmem>>
    %dma_start3A_44 = tpu.memref_squeeze %dma_start3A_43 : memref<1x128x128xf32, #tpu.memory_space<vmem>> -> memref<128x128xf32, #tpu.memory_space<vmem>>
    %dma_start3A_45 = arith.constant 0 : i32
    %dma_start3A_46 = tpu.memref_slice %arg5[%dma_start3A_39, %dma_start3A_45] : memref<16x128xi32, #tpu.memory_space<vmem>> -> memref<1x128xi32, #tpu.memory_space<vmem>>
    %dma_start3A_47 = tpu.memref_squeeze %dma_start3A_46 : memref<1x128xi32, #tpu.memory_space<vmem>> -> memref<128xi32, #tpu.memory_space<vmem>>
    %dma_start3A_48 = arith.constant 0 : i32
    %dma_start3A_49 = arith.constant 0 : i32
    %dma_start3A_50 = tpu.memref_slice %arg2[%dma_start3A_48, %dma_start3A_49] : memref<400000x128xf32, #tpu.memory_space<hbm>> -> memref<400000x128xf32, #tpu.memory_space<hbm>>
    tpu.enqueue_indirect_dma source(%dma_start3A_50 : memref<400000x128xf32, #tpu.memory_space<hbm>>) target(%dma_start3A_44 : memref<128x128xf32, #tpu.memory_space<vmem>>) offsets(%dma_start3A_47 : memref<128xi32, #tpu.memory_space<vmem>>) semaphore(%arg7 : memref<!tpu.dma_semaphore, #tpu.memory_space<semaphore_mem>>)
    %dma_wait3A_51 = arith.constant 1 : i32
    %dma_wait3A_52 = arith.constant 1 : i32
    %dma_wait3A_53 = arith.constant 0 : i32
    %dma_wait3A_54 = arith.constant 0 : i32
    %dma_wait3A_55 = tpu.memref_slice %arg6[%dma_wait3A_52, %dma_wait3A_53, %dma_wait3A_54] : memref<2x128x128xf32, #tpu.memory_space<vmem>> -> memref<1x128x128xf32, #tpu.memory_space<vmem>>
    %dma_wait3A_56 = tpu.memref_squeeze %dma_wait3A_55 : memref<1x128x128xf32, #tpu.memory_space<vmem>> -> memref<128x128xf32, #tpu.memory_space<vmem>>
    %dma_wait3A_57 = arith.constant 0 : i32
    %dma_wait3A_58 = tpu.memref_slice %arg5[%dma_wait3A_51, %dma_wait3A_57] : memref<16x128xi32, #tpu.memory_space<vmem>> -> memref<1x128xi32, #tpu.memory_space<vmem>>
    %dma_wait3A_59 = tpu.memref_squeeze %dma_wait3A_58 : memref<1x128xi32, #tpu.memory_space<vmem>> -> memref<128xi32, #tpu.memory_space<vmem>>
    %dma_wait3A_60 = arith.constant 0 : i32
    %dma_wait3A_61 = arith.constant 0 : i32
    %dma_wait3A_62 = tpu.memref_slice %arg2[%dma_wait3A_60, %dma_wait3A_61] : memref<400000x128xf32, #tpu.memory_space<hbm>> -> memref<400000x128xf32, #tpu.memory_space<hbm>>
    tpu.wait_indirect_dma semaphore(%arg8 : memref<!tpu.dma_semaphore, #tpu.memory_space<semaphore_mem>>) src(%dma_wait3A_62 : memref<400000x128xf32, #tpu.memory_space<hbm>>) dst(%dma_wait3A_56 : memref<128x128xf32, #tpu.memory_space<vmem>>)
    %add3A_63 = arith.constant 128 : i32
    %add3A_64 = arith.addi %mul3A_2, %add3A_63 : i32
    %run_scoped3A_65 = arith.constant 1 : i32
    "tpu.region"() ({
      %run_scoped3A_432 = tpu.sem_alloc : memref<!tpu.dma_semaphore, #tpu.memory_space<semaphore_mem>>
      %dma_start3A_433 = arith.constant 0 : i32
      %dma_start3A_434 = arith.constant 0 : i32
      %dma_start3A_435 = tpu.memref_slice %arg6[%run_scoped3A_65, %dma_start3A_433, %dma_start3A_434] : memref<2x128x128xf32, #tpu.memory_space<vmem>> -> memref<1x128x128xf32, #tpu.memory_space<vmem>>
      %dma_start3A_436 = tpu.memref_squeeze %dma_start3A_435 : memref<1x128x128xf32, #tpu.memory_space<vmem>> -> memref<128x128xf32, #tpu.memory_space<vmem>>
      %dma_start3A_437 = arith.constant 0 : i32
      %dma_start3A_438 = tpu.memref_slice %arg4[%add3A_64, %dma_start3A_437] : memref<65536x128xf32, #tpu.memory_space<hbm>> -> memref<128x128xf32, #tpu.memory_space<hbm>>
      %dma_start3A_439 = arith.constant 0 : i32
      %dma_start3A_440 = tpu.memref_slice %arg4[%add3A_64, %dma_start3A_439] : memref<65536x128xf32, #tpu.memory_space<hbm>> -> memref<128x128xf32, #tpu.memory_space<hbm>>
      %dma_start3A_441 = arith.constant 0 : i32
      %dma_start3A_442 = arith.constant 0 : i32
      %dma_start3A_443 = tpu.memref_slice %arg6[%run_scoped3A_65, %dma_start3A_441, %dma_start3A_442] : memref<2x128x128xf32, #tpu.memory_space<vmem>> -> memref<1x128x128xf32, #tpu.memory_space<vmem>>
      %dma_start3A_444 = tpu.memref_squeeze %dma_start3A_443 : memref<1x128x128xf32, #tpu.memory_space<vmem>> -> memref<128x128xf32, #tpu.memory_space<vmem>>
      tpu.enqueue_dma source(%dma_start3A_444 : memref<128x128xf32, #tpu.memory_space<vmem>>) target(%dma_start3A_440 : memref<128x128xf32, #tpu.memory_space<hbm>>) target_semaphore(%run_scoped3A_432 : memref<!tpu.dma_semaphore, #tpu.memory_space<semaphore_mem>>)
      %dma_wait3A_445 = arith.constant 0 : i32
      %dma_wait3A_446 = arith.constant 0 : i32
      %dma_wait3A_447 = tpu.memref_slice %arg6[%run_scoped3A_65, %dma_wait3A_445, %dma_wait3A_446] : memref<2x128x128xf32, #tpu.memory_space<vmem>> -> memref<1x128x128xf32, #tpu.memory_space<vmem>>
      %dma_wait3A_448 = tpu.memref_squeeze %dma_wait3A_447 : memref<1x128x128xf32, #tpu.memory_space<vmem>> -> memref<128x128xf32, #tpu.memory_space<vmem>>
      %dma_wait3A_449 = arith.constant 0 : i32
      %dma_wait3A_450 = tpu.memref_slice %arg4[%add3A_64, %dma_wait3A_449] : memref<65536x128xf32, #tpu.memory_space<hbm>> -> memref<128x128xf32, #tpu.memory_space<hbm>>
      %dma_wait3A_451 = arith.constant 0 : i32
      %dma_wait3A_452 = tpu.memref_slice %arg4[%add3A_64, %dma_wait3A_451] : memref<65536x128xf32, #tpu.memory_space<hbm>> -> memref<128x128xf32, #tpu.memory_space<hbm>>
      %dma_wait3A_453 = arith.constant 0 : i32
      %dma_wait3A_454 = arith.constant 0 : i32
      %dma_wait3A_455 = tpu.memref_slice %arg6[%run_scoped3A_65, %dma_wait3A_453, %dma_wait3A_454] : memref<2x128x128xf32, #tpu.memory_space<vmem>> -> memref<1x128x128xf32, #tpu.memory_space<vmem>>
      %dma_wait3A_456 = tpu.memref_squeeze %dma_wait3A_455 : memref<1x128x128xf32, #tpu.memory_space<vmem>> -> memref<128x128xf32, #tpu.memory_space<vmem>>
      tpu.wait_dma2 semaphore(%run_scoped3A_432 : memref<!tpu.dma_semaphore, #tpu.memory_space<semaphore_mem>>) src(%dma_wait3A_456 : memref<128x128xf32, #tpu.memory_space<vmem>>) dst(%dma_wait3A_452 : memref<128x128xf32, #tpu.memory_space<hbm>>)
      tpu.yield
    }) : () -> ()
    %dma_start3A_66 = arith.constant 3 : i32
    %dma_start3A_67 = arith.constant 1 : i32
    %dma_start3A_68 = arith.constant 0 : i32
    %dma_start3A_69 = arith.constant 0 : i32
    %dma_start3A_70 = tpu.memref_slice %arg6[%dma_start3A_67, %dma_start3A_68, %dma_start3A_69] : memref<2x128x128xf32, #tpu.memory_space<vmem>> -> memref<1x128x128xf32, #tpu.memory_space<vmem>>
    %dma_start3A_71 = tpu.memref_squeeze %dma_start3A_70 : memref<1x128x128xf32, #tpu.memory_space<vmem>> -> memref<128x128xf32, #tpu.memory_space<vmem>>
    %dma_start3A_72 = arith.constant 0 : i32
    %dma_start3A_73 = tpu.memref_slice %arg5[%dma_start3A_66, %dma_start3A_72] : memref<16x128xi32, #tpu.memory_space<vmem>> -> memref<1x128xi32, #tpu.memory_space<vmem>>
    %dma_start3A_74 = tpu.memref_squeeze %dma_start3A_73 : memref<1x128xi32, #tpu.memory_space<vmem>> -> memref<128xi32, #tpu.memory_space<vmem>>
    %dma_start3A_75 = arith.constant 0 : i32
    %dma_start3A_76 = arith.constant 0 : i32
    %dma_start3A_77 = tpu.memref_slice %arg2[%dma_start3A_75, %dma_start3A_76] : memref<400000x128xf32, #tpu.memory_space<hbm>> -> memref<400000x128xf32, #tpu.memory_space<hbm>>
    tpu.enqueue_indirect_dma source(%dma_start3A_77 : memref<400000x128xf32, #tpu.memory_space<hbm>>) target(%dma_start3A_71 : memref<128x128xf32, #tpu.memory_space<vmem>>) offsets(%dma_start3A_74 : memref<128xi32, #tpu.memory_space<vmem>>) semaphore(%arg8 : memref<!tpu.dma_semaphore, #tpu.memory_space<semaphore_mem>>)
    %dma_wait3A_78 = arith.constant 2 : i32
    %dma_wait3A_79 = arith.constant 0 : i32
    %dma_wait3A_80 = arith.constant 0 : i32
    %dma_wait3A_81 = arith.constant 0 : i32
    %dma_wait3A_82 = tpu.memref_slice %arg6[%dma_wait3A_79, %dma_wait3A_80, %dma_wait3A_81] : memref<2x128x128xf32, #tpu.memory_space<vmem>> -> memref<1x128x128xf32, #tpu.memory_space<vmem>>
    %dma_wait3A_83 = tpu.memref_squeeze %dma_wait3A_82 : memref<1x128x128xf32, #tpu.memory_space<vmem>> -> memref<128x128xf32, #tpu.memory_space<vmem>>
    %dma_wait3A_84 = arith.constant 0 : i32
    %dma_wait3A_85 = tpu.memref_slice %arg5[%dma_wait3A_78, %dma_wait3A_84] : memref<16x128xi32, #tpu.memory_space<vmem>> -> memref<1x128xi32, #tpu.memory_space<vmem>>
    %dma_wait3A_86 = tpu.memref_squeeze %dma_wait3A_85 : memref<1x128xi32, #tpu.memory_space<vmem>> -> memref<128xi32, #tpu.memory_space<vmem>>
    %dma_wait3A_87 = arith.constant 0 : i32
    %dma_wait3A_88 = arith.constant 0 : i32
    %dma_wait3A_89 = tpu.memref_slice %arg2[%dma_wait3A_87, %dma_wait3A_88] : memref<400000x128xf32, #tpu.memory_space<hbm>> -> memref<400000x128xf32, #tpu.memory_space<hbm>>
    tpu.wait_indirect_dma semaphore(%arg7 : memref<!tpu.dma_semaphore, #tpu.memory_space<semaphore_mem>>) src(%dma_wait3A_89 : memref<400000x128xf32, #tpu.memory_space<hbm>>) dst(%dma_wait3A_83 : memref<128x128xf32, #tpu.memory_space<vmem>>)
    %add3A_90 = arith.constant 256 : i32
    %add3A_91 = arith.addi %mul3A_2, %add3A_90 : i32
    %run_scoped3A_92 = arith.constant 0 : i32
    "tpu.region"() ({
      %run_scoped3A_432 = tpu.sem_alloc : memref<!tpu.dma_semaphore, #tpu.memory_space<semaphore_mem>>
      %dma_start3A_433 = arith.constant 0 : i32
      %dma_start3A_434 = arith.constant 0 : i32
      %dma_start3A_435 = tpu.memref_slice %arg6[%run_scoped3A_92, %dma_start3A_433, %dma_start3A_434] : memref<2x128x128xf32, #tpu.memory_space<vmem>> -> memref<1x128x128xf32, #tpu.memory_space<vmem>>
      %dma_start3A_436 = tpu.memref_squeeze %dma_start3A_435 : memref<1x128x128xf32, #tpu.memory_space<vmem>> -> memref<128x128xf32, #tpu.memory_space<vmem>>
      %dma_start3A_437 = arith.constant 0 : i32
      %dma_start3A_438 = tpu.memref_slice %arg4[%add3A_91, %dma_start3A_437] : memref<65536x128xf32, #tpu.memory_space<hbm>> -> memref<128x128xf32, #tpu.memory_space<hbm>>
      %dma_start3A_439 = arith.constant 0 : i32
      %dma_start3A_440 = tpu.memref_slice %arg4[%add3A_91, %dma_start3A_439] : memref<65536x128xf32, #tpu.memory_space<hbm>> -> memref<128x128xf32, #tpu.memory_space<hbm>>
      %dma_start3A_441 = arith.constant 0 : i32
      %dma_start3A_442 = arith.constant 0 : i32
      %dma_start3A_443 = tpu.memref_slice %arg6[%run_scoped3A_92, %dma_start3A_441, %dma_start3A_442] : memref<2x128x128xf32, #tpu.memory_space<vmem>> -> memref<1x128x128xf32, #tpu.memory_space<vmem>>
      %dma_start3A_444 = tpu.memref_squeeze %dma_start3A_443 : memref<1x128x128xf32, #tpu.memory_space<vmem>> -> memref<128x128xf32, #tpu.memory_space<vmem>>
      tpu.enqueue_dma source(%dma_start3A_444 : memref<128x128xf32, #tpu.memory_space<vmem>>) target(%dma_start3A_440 : memref<128x128xf32, #tpu.memory_space<hbm>>) target_semaphore(%run_scoped3A_432 : memref<!tpu.dma_semaphore, #tpu.memory_space<semaphore_mem>>)
      %dma_wait3A_445 = arith.constant 0 : i32
      %dma_wait3A_446 = arith.constant 0 : i32
      %dma_wait3A_447 = tpu.memref_slice %arg6[%run_scoped3A_92, %dma_wait3A_445, %dma_wait3A_446] : memref<2x128x128xf32, #tpu.memory_space<vmem>> -> memref<1x128x128xf32, #tpu.memory_space<vmem>>
      %dma_wait3A_448 = tpu.memref_squeeze %dma_wait3A_447 : memref<1x128x128xf32, #tpu.memory_space<vmem>> -> memref<128x128xf32, #tpu.memory_space<vmem>>
      %dma_wait3A_449 = arith.constant 0 : i32
      %dma_wait3A_450 = tpu.memref_slice %arg4[%add3A_91, %dma_wait3A_449] : memref<65536x128xf32, #tpu.memory_space<hbm>> -> memref<128x128xf32, #tpu.memory_space<hbm>>
      %dma_wait3A_451 = arith.constant 0 : i32
      %dma_wait3A_452 = tpu.memref_slice %arg4[%add3A_91, %dma_wait3A_451] : memref<65536x128xf32, #tpu.memory_space<hbm>> -> memref<128x128xf32, #tpu.memory_space<hbm>>
      %dma_wait3A_453 = arith.constant 0 : i32
      %dma_wait3A_454 = arith.constant 0 : i32
      %dma_wait3A_455 = tpu.memref_slice %arg6[%run_scoped3A_92, %dma_wait3A_453, %dma_wait3A_454] : memref<2x128x128xf32, #tpu.memory_space<vmem>> -> memref<1x128x128xf32, #tpu.memory_space<vmem>>
      %dma_wait3A_456 = tpu.memref_squeeze %dma_wait3A_455 : memref<1x128x128xf32, #tpu.memory_space<vmem>> -> memref<128x128xf32, #tpu.memory_space<vmem>>
      tpu.wait_dma2 semaphore(%run_scoped3A_432 : memref<!tpu.dma_semaphore, #tpu.memory_space<semaphore_mem>>) src(%dma_wait3A_456 : memref<128x128xf32, #tpu.memory_space<vmem>>) dst(%dma_wait3A_452 : memref<128x128xf32, #tpu.memory_space<hbm>>)
      tpu.yield
    }) : () -> ()
    %dma_start3A_93 = arith.constant 4 : i32
    %dma_start3A_94 = arith.constant 0 : i32
    %dma_start3A_95 = arith.constant 0 : i32
    %dma_start3A_96 = arith.constant 0 : i32
    %dma_start3A_97 = tpu.memref_slice %arg6[%dma_start3A_94, %dma_start3A_95, %dma_start3A_96] : memref<2x128x128xf32, #tpu.memory_space<vmem>> -> memref<1x128x128xf32, #tpu.memory_space<vmem>>
    %dma_start3A_98 = tpu.memref_squeeze %dma_start3A_97 : memref<1x128x128xf32, #tpu.memory_space<vmem>> -> memref<128x128xf32, #tpu.memory_space<vmem>>
    %dma_start3A_99 = arith.constant 0 : i32
    %dma_start3A_100 = tpu.memref_slice %arg5[%dma_start3A_93, %dma_start3A_99] : memref<16x128xi32, #tpu.memory_space<vmem>> -> memref<1x128xi32, #tpu.memory_space<vmem>>
    %dma_start3A_101 = tpu.memref_squeeze %dma_start3A_100 : memref<1x128xi32, #tpu.memory_space<vmem>> -> memref<128xi32, #tpu.memory_space<vmem>>
    %dma_start3A_102 = arith.constant 0 : i32
    %dma_start3A_103 = arith.constant 0 : i32
    %dma_start3A_104 = tpu.memref_slice %arg2[%dma_start3A_102, %dma_start3A_103] : memref<400000x128xf32, #tpu.memory_space<hbm>> -> memref<400000x128xf32, #tpu.memory_space<hbm>>
    tpu.enqueue_indirect_dma source(%dma_start3A_104 : memref<400000x128xf32, #tpu.memory_space<hbm>>) target(%dma_start3A_98 : memref<128x128xf32, #tpu.memory_space<vmem>>) offsets(%dma_start3A_101 : memref<128xi32, #tpu.memory_space<vmem>>) semaphore(%arg7 : memref<!tpu.dma_semaphore, #tpu.memory_space<semaphore_mem>>)
    %dma_wait3A_105 = arith.constant 3 : i32
    %dma_wait3A_106 = arith.constant 1 : i32
    %dma_wait3A_107 = arith.constant 0 : i32
    %dma_wait3A_108 = arith.constant 0 : i32
    %dma_wait3A_109 = tpu.memref_slice %arg6[%dma_wait3A_106, %dma_wait3A_107, %dma_wait3A_108] : memref<2x128x128xf32, #tpu.memory_space<vmem>> -> memref<1x128x128xf32, #tpu.memory_space<vmem>>
    %dma_wait3A_110 = tpu.memref_squeeze %dma_wait3A_109 : memref<1x128x128xf32, #tpu.memory_space<vmem>> -> memref<128x128xf32, #tpu.memory_space<vmem>>
    %dma_wait3A_111 = arith.constant 0 : i32
    %dma_wait3A_112 = tpu.memref_slice %arg5[%dma_wait3A_105, %dma_wait3A_111] : memref<16x128xi32, #tpu.memory_space<vmem>> -> memref<1x128xi32, #tpu.memory_space<vmem>>
    %dma_wait3A_113 = tpu.memref_squeeze %dma_wait3A_112 : memref<1x128xi32, #tpu.memory_space<vmem>> -> memref<128xi32, #tpu.memory_space<vmem>>
    %dma_wait3A_114 = arith.constant 0 : i32
    %dma_wait3A_115 = arith.constant 0 : i32
    %dma_wait3A_116 = tpu.memref_slice %arg2[%dma_wait3A_114, %dma_wait3A_115] : memref<400000x128xf32, #tpu.memory_space<hbm>> -> memref<400000x128xf32, #tpu.memory_space<hbm>>
    tpu.wait_indirect_dma semaphore(%arg8 : memref<!tpu.dma_semaphore, #tpu.memory_space<semaphore_mem>>) src(%dma_wait3A_116 : memref<400000x128xf32, #tpu.memory_space<hbm>>) dst(%dma_wait3A_110 : memref<128x128xf32, #tpu.memory_space<vmem>>)
    %add3A_117 = arith.constant 384 : i32
    %add3A_118 = arith.addi %mul3A_2, %add3A_117 : i32
    %run_scoped3A_119 = arith.constant 1 : i32
    "tpu.region"() ({
      %run_scoped3A_432 = tpu.sem_alloc : memref<!tpu.dma_semaphore, #tpu.memory_space<semaphore_mem>>
      %dma_start3A_433 = arith.constant 0 : i32
      %dma_start3A_434 = arith.constant 0 : i32
      %dma_start3A_435 = tpu.memref_slice %arg6[%run_scoped3A_119, %dma_start3A_433, %dma_start3A_434] : memref<2x128x128xf32, #tpu.memory_space<vmem>> -> memref<1x128x128xf32, #tpu.memory_space<vmem>>
      %dma_start3A_436 = tpu.memref_squeeze %dma_start3A_435 : memref<1x128x128xf32, #tpu.memory_space<vmem>> -> memref<128x128xf32, #tpu.memory_space<vmem>>
      %dma_start3A_437 = arith.constant 0 : i32
      %dma_start3A_438 = tpu.memref_slice %arg4[%add3A_118, %dma_start3A_437] : memref<65536x128xf32, #tpu.memory_space<hbm>> -> memref<128x128xf32, #tpu.memory_space<hbm>>
      %dma_start3A_439 = arith.constant 0 : i32
      %dma_start3A_440 = tpu.memref_slice %arg4[%add3A_118, %dma_start3A_439] : memref<65536x128xf32, #tpu.memory_space<hbm>> -> memref<128x128xf32, #tpu.memory_space<hbm>>
      %dma_start3A_441 = arith.constant 0 : i32
      %dma_start3A_442 = arith.constant 0 : i32
      %dma_start3A_443 = tpu.memref_slice %arg6[%run_scoped3A_119, %dma_start3A_441, %dma_start3A_442] : memref<2x128x128xf32, #tpu.memory_space<vmem>> -> memref<1x128x128xf32, #tpu.memory_space<vmem>>
      %dma_start3A_444 = tpu.memref_squeeze %dma_start3A_443 : memref<1x128x128xf32, #tpu.memory_space<vmem>> -> memref<128x128xf32, #tpu.memory_space<vmem>>
      tpu.enqueue_dma source(%dma_start3A_444 : memref<128x128xf32, #tpu.memory_space<vmem>>) target(%dma_start3A_440 : memref<128x128xf32, #tpu.memory_space<hbm>>) target_semaphore(%run_scoped3A_432 : memref<!tpu.dma_semaphore, #tpu.memory_space<semaphore_mem>>)
      %dma_wait3A_445 = arith.constant 0 : i32
      %dma_wait3A_446 = arith.constant 0 : i32
      %dma_wait3A_447 = tpu.memref_slice %arg6[%run_scoped3A_119, %dma_wait3A_445, %dma_wait3A_446] : memref<2x128x128xf32, #tpu.memory_space<vmem>> -> memref<1x128x128xf32, #tpu.memory_space<vmem>>
      %dma_wait3A_448 = tpu.memref_squeeze %dma_wait3A_447 : memref<1x128x128xf32, #tpu.memory_space<vmem>> -> memref<128x128xf32, #tpu.memory_space<vmem>>
      %dma_wait3A_449 = arith.constant 0 : i32
      %dma_wait3A_450 = tpu.memref_slice %arg4[%add3A_118, %dma_wait3A_449] : memref<65536x128xf32, #tpu.memory_space<hbm>> -> memref<128x128xf32, #tpu.memory_space<hbm>>
      %dma_wait3A_451 = arith.constant 0 : i32
      %dma_wait3A_452 = tpu.memref_slice %arg4[%add3A_118, %dma_wait3A_451] : memref<65536x128xf32, #tpu.memory_space<hbm>> -> memref<128x128xf32, #tpu.memory_space<hbm>>
      %dma_wait3A_453 = arith.constant 0 : i32
      %dma_wait3A_454 = arith.constant 0 : i32
      %dma_wait3A_455 = tpu.memref_slice %arg6[%run_scoped3A_119, %dma_wait3A_453, %dma_wait3A_454] : memref<2x128x128xf32, #tpu.memory_space<vmem>> -> memref<1x128x128xf32, #tpu.memory_space<vmem>>
      %dma_wait3A_456 = tpu.memref_squeeze %dma_wait3A_455 : memref<1x128x128xf32, #tpu.memory_space<vmem>> -> memref<128x128xf32, #tpu.memory_space<vmem>>
      tpu.wait_dma2 semaphore(%run_scoped3A_432 : memref<!tpu.dma_semaphore, #tpu.memory_space<semaphore_mem>>) src(%dma_wait3A_456 : memref<128x128xf32, #tpu.memory_space<vmem>>) dst(%dma_wait3A_452 : memref<128x128xf32, #tpu.memory_space<hbm>>)
      tpu.yield
    }) : () -> ()
    %dma_start3A_120 = arith.constant 5 : i32
    %dma_start3A_121 = arith.constant 1 : i32
    %dma_start3A_122 = arith.constant 0 : i32
    %dma_start3A_123 = arith.constant 0 : i32
    %dma_start3A_124 = tpu.memref_slice %arg6[%dma_start3A_121, %dma_start3A_122, %dma_start3A_123] : memref<2x128x128xf32, #tpu.memory_space<vmem>> -> memref<1x128x128xf32, #tpu.memory_space<vmem>>
    %dma_start3A_125 = tpu.memref_squeeze %dma_start3A_124 : memref<1x128x128xf32, #tpu.memory_space<vmem>> -> memref<128x128xf32, #tpu.memory_space<vmem>>
    %dma_start3A_126 = arith.constant 0 : i32
    %dma_start3A_127 = tpu.memref_slice %arg5[%dma_start3A_120, %dma_start3A_126] : memref<16x128xi32, #tpu.memory_space<vmem>> -> memref<1x128xi32, #tpu.memory_space<vmem>>
    %dma_start3A_128 = tpu.memref_squeeze %dma_start3A_127 : memref<1x128xi32, #tpu.memory_space<vmem>> -> memref<128xi32, #tpu.memory_space<vmem>>
    %dma_start3A_129 = arith.constant 0 : i32
    %dma_start3A_130 = arith.constant 0 : i32
    %dma_start3A_131 = tpu.memref_slice %arg2[%dma_start3A_129, %dma_start3A_130] : memref<400000x128xf32, #tpu.memory_space<hbm>> -> memref<400000x128xf32, #tpu.memory_space<hbm>>
    tpu.enqueue_indirect_dma source(%dma_start3A_131 : memref<400000x128xf32, #tpu.memory_space<hbm>>) target(%dma_start3A_125 : memref<128x128xf32, #tpu.memory_space<vmem>>) offsets(%dma_start3A_128 : memref<128xi32, #tpu.memory_space<vmem>>) semaphore(%arg8 : memref<!tpu.dma_semaphore, #tpu.memory_space<semaphore_mem>>)
    %dma_wait3A_132 = arith.constant 4 : i32
    %dma_wait3A_133 = arith.constant 0 : i32
    %dma_wait3A_134 = arith.constant 0 : i32
    %dma_wait3A_135 = arith.constant 0 : i32
    %dma_wait3A_136 = tpu.memref_slice %arg6[%dma_wait3A_133, %dma_wait3A_134, %dma_wait3A_135] : memref<2x128x128xf32, #tpu.memory_space<vmem>> -> memref<1x128x128xf32, #tpu.memory_space<vmem>>
    %dma_wait3A_137 = tpu.memref_squeeze %dma_wait3A_136 : memref<1x128x128xf32, #tpu.memory_space<vmem>> -> memref<128x128xf32, #tpu.memory_space<vmem>>
    %dma_wait3A_138 = arith.constant 0 : i32
    %dma_wait3A_139 = tpu.memref_slice %arg5[%dma_wait3A_132, %dma_wait3A_138] : memref<16x128xi32, #tpu.memory_space<vmem>> -> memref<1x128xi32, #tpu.memory_space<vmem>>
    %dma_wait3A_140 = tpu.memref_squeeze %dma_wait3A_139 : memref<1x128xi32, #tpu.memory_space<vmem>> -> memref<128xi32, #tpu.memory_space<vmem>>
    %dma_wait3A_141 = arith.constant 0 : i32
    %dma_wait3A_142 = arith.constant 0 : i32
    %dma_wait3A_143 = tpu.memref_slice %arg2[%dma_wait3A_141, %dma_wait3A_142] : memref<400000x128xf32, #tpu.memory_space<hbm>> -> memref<400000x128xf32, #tpu.memory_space<hbm>>
    tpu.wait_indirect_dma semaphore(%arg7 : memref<!tpu.dma_semaphore, #tpu.memory_space<semaphore_mem>>) src(%dma_wait3A_143 : memref<400000x128xf32, #tpu.memory_space<hbm>>) dst(%dma_wait3A_137 : memref<128x128xf32, #tpu.memory_space<vmem>>)
    %add3A_144 = arith.constant 512 : i32
    %add3A_145 = arith.addi %mul3A_2, %add3A_144 : i32
    %run_scoped3A_146 = arith.constant 0 : i32
    "tpu.region"() ({
      %run_scoped3A_432 = tpu.sem_alloc : memref<!tpu.dma_semaphore, #tpu.memory_space<semaphore_mem>>
      %dma_start3A_433 = arith.constant 0 : i32
      %dma_start3A_434 = arith.constant 0 : i32
      %dma_start3A_435 = tpu.memref_slice %arg6[%run_scoped3A_146, %dma_start3A_433, %dma_start3A_434] : memref<2x128x128xf32, #tpu.memory_space<vmem>> -> memref<1x128x128xf32, #tpu.memory_space<vmem>>
      %dma_start3A_436 = tpu.memref_squeeze %dma_start3A_435 : memref<1x128x128xf32, #tpu.memory_space<vmem>> -> memref<128x128xf32, #tpu.memory_space<vmem>>
      %dma_start3A_437 = arith.constant 0 : i32
      %dma_start3A_438 = tpu.memref_slice %arg4[%add3A_145, %dma_start3A_437] : memref<65536x128xf32, #tpu.memory_space<hbm>> -> memref<128x128xf32, #tpu.memory_space<hbm>>
      %dma_start3A_439 = arith.constant 0 : i32
      %dma_start3A_440 = tpu.memref_slice %arg4[%add3A_145, %dma_start3A_439] : memref<65536x128xf32, #tpu.memory_space<hbm>> -> memref<128x128xf32, #tpu.memory_space<hbm>>
      %dma_start3A_441 = arith.constant 0 : i32
      %dma_start3A_442 = arith.constant 0 : i32
      %dma_start3A_443 = tpu.memref_slice %arg6[%run_scoped3A_146, %dma_start3A_441, %dma_start3A_442] : memref<2x128x128xf32, #tpu.memory_space<vmem>> -> memref<1x128x128xf32, #tpu.memory_space<vmem>>
      %dma_start3A_444 = tpu.memref_squeeze %dma_start3A_443 : memref<1x128x128xf32, #tpu.memory_space<vmem>> -> memref<128x128xf32, #tpu.memory_space<vmem>>
      tpu.enqueue_dma source(%dma_start3A_444 : memref<128x128xf32, #tpu.memory_space<vmem>>) target(%dma_start3A_440 : memref<128x128xf32, #tpu.memory_space<hbm>>) target_semaphore(%run_scoped3A_432 : memref<!tpu.dma_semaphore, #tpu.memory_space<semaphore_mem>>)
      %dma_wait3A_445 = arith.constant 0 : i32
      %dma_wait3A_446 = arith.constant 0 : i32
      %dma_wait3A_447 = tpu.memref_slice %arg6[%run_scoped3A_146, %dma_wait3A_445, %dma_wait3A_446] : memref<2x128x128xf32, #tpu.memory_space<vmem>> -> memref<1x128x128xf32, #tpu.memory_space<vmem>>
      %dma_wait3A_448 = tpu.memref_squeeze %dma_wait3A_447 : memref<1x128x128xf32, #tpu.memory_space<vmem>> -> memref<128x128xf32, #tpu.memory_space<vmem>>
      %dma_wait3A_449 = arith.constant 0 : i32
      %dma_wait3A_450 = tpu.memref_slice %arg4[%add3A_145, %dma_wait3A_449] : memref<65536x128xf32, #tpu.memory_space<hbm>> -> memref<128x128xf32, #tpu.memory_space<hbm>>
      %dma_wait3A_451 = arith.constant 0 : i32
      %dma_wait3A_452 = tpu.memref_slice %arg4[%add3A_145, %dma_wait3A_451] : memref<65536x128xf32, #tpu.memory_space<hbm>> -> memref<128x128xf32, #tpu.memory_space<hbm>>
      %dma_wait3A_453 = arith.constant 0 : i32
      %dma_wait3A_454 = arith.constant 0 : i32
      %dma_wait3A_455 = tpu.memref_slice %arg6[%run_scoped3A_146, %dma_wait3A_453, %dma_wait3A_454] : memref<2x128x128xf32, #tpu.memory_space<vmem>> -> memref<1x128x128xf32, #tpu.memory_space<vmem>>
      %dma_wait3A_456 = tpu.memref_squeeze %dma_wait3A_455 : memref<1x128x128xf32, #tpu.memory_space<vmem>> -> memref<128x128xf32, #tpu.memory_space<vmem>>
      tpu.wait_dma2 semaphore(%run_scoped3A_432 : memref<!tpu.dma_semaphore, #tpu.memory_space<semaphore_mem>>) src(%dma_wait3A_456 : memref<128x128xf32, #tpu.memory_space<vmem>>) dst(%dma_wait3A_452 : memref<128x128xf32, #tpu.memory_space<hbm>>)
      tpu.yield
    }) : () -> ()
    %dma_start3A_147 = arith.constant 6 : i32
    %dma_start3A_148 = arith.constant 0 : i32
    %dma_start3A_149 = arith.constant 0 : i32
    %dma_start3A_150 = arith.constant 0 : i32
    %dma_start3A_151 = tpu.memref_slice %arg6[%dma_start3A_148, %dma_start3A_149, %dma_start3A_150] : memref<2x128x128xf32, #tpu.memory_space<vmem>> -> memref<1x128x128xf32, #tpu.memory_space<vmem>>
    %dma_start3A_152 = tpu.memref_squeeze %dma_start3A_151 : memref<1x128x128xf32, #tpu.memory_space<vmem>> -> memref<128x128xf32, #tpu.memory_space<vmem>>
    %dma_start3A_153 = arith.constant 0 : i32
    %dma_start3A_154 = tpu.memref_slice %arg5[%dma_start3A_147, %dma_start3A_153] : memref<16x128xi32, #tpu.memory_space<vmem>> -> memref<1x128xi32, #tpu.memory_space<vmem>>
    %dma_start3A_155 = tpu.memref_squeeze %dma_start3A_154 : memref<1x128xi32, #tpu.memory_space<vmem>> -> memref<128xi32, #tpu.memory_space<vmem>>
    %dma_start3A_156 = arith.constant 0 : i32
    %dma_start3A_157 = arith.constant 0 : i32
    %dma_start3A_158 = tpu.memref_slice %arg2[%dma_start3A_156, %dma_start3A_157] : memref<400000x128xf32, #tpu.memory_space<hbm>> -> memref<400000x128xf32, #tpu.memory_space<hbm>>
    tpu.enqueue_indirect_dma source(%dma_start3A_158 : memref<400000x128xf32, #tpu.memory_space<hbm>>) target(%dma_start3A_152 : memref<128x128xf32, #tpu.memory_space<vmem>>) offsets(%dma_start3A_155 : memref<128xi32, #tpu.memory_space<vmem>>) semaphore(%arg7 : memref<!tpu.dma_semaphore, #tpu.memory_space<semaphore_mem>>)
    %dma_wait3A_159 = arith.constant 5 : i32
    %dma_wait3A_160 = arith.constant 1 : i32
    %dma_wait3A_161 = arith.constant 0 : i32
    %dma_wait3A_162 = arith.constant 0 : i32
    %dma_wait3A_163 = tpu.memref_slice %arg6[%dma_wait3A_160, %dma_wait3A_161, %dma_wait3A_162] : memref<2x128x128xf32, #tpu.memory_space<vmem>> -> memref<1x128x128xf32, #tpu.memory_space<vmem>>
    %dma_wait3A_164 = tpu.memref_squeeze %dma_wait3A_163 : memref<1x128x128xf32, #tpu.memory_space<vmem>> -> memref<128x128xf32, #tpu.memory_space<vmem>>
    %dma_wait3A_165 = arith.constant 0 : i32
    %dma_wait3A_166 = tpu.memref_slice %arg5[%dma_wait3A_159, %dma_wait3A_165] : memref<16x128xi32, #tpu.memory_space<vmem>> -> memref<1x128xi32, #tpu.memory_space<vmem>>
    %dma_wait3A_167 = tpu.memref_squeeze %dma_wait3A_166 : memref<1x128xi32, #tpu.memory_space<vmem>> -> memref<128xi32, #tpu.memory_space<vmem>>
    %dma_wait3A_168 = arith.constant 0 : i32
    %dma_wait3A_169 = arith.constant 0 : i32
    %dma_wait3A_170 = tpu.memref_slice %arg2[%dma_wait3A_168, %dma_wait3A_169] : memref<400000x128xf32, #tpu.memory_space<hbm>> -> memref<400000x128xf32, #tpu.memory_space<hbm>>
    tpu.wait_indirect_dma semaphore(%arg8 : memref<!tpu.dma_semaphore, #tpu.memory_space<semaphore_mem>>) src(%dma_wait3A_170 : memref<400000x128xf32, #tpu.memory_space<hbm>>) dst(%dma_wait3A_164 : memref<128x128xf32, #tpu.memory_space<vmem>>)
    %add3A_171 = arith.constant 640 : i32
    %add3A_172 = arith.addi %mul3A_2, %add3A_171 : i32
    %run_scoped3A_173 = arith.constant 1 : i32
    "tpu.region"() ({
      %run_scoped3A_432 = tpu.sem_alloc : memref<!tpu.dma_semaphore, #tpu.memory_space<semaphore_mem>>
      %dma_start3A_433 = arith.constant 0 : i32
      %dma_start3A_434 = arith.constant 0 : i32
      %dma_start3A_435 = tpu.memref_slice %arg6[%run_scoped3A_173, %dma_start3A_433, %dma_start3A_434] : memref<2x128x128xf32, #tpu.memory_space<vmem>> -> memref<1x128x128xf32, #tpu.memory_space<vmem>>
      %dma_start3A_436 = tpu.memref_squeeze %dma_start3A_435 : memref<1x128x128xf32, #tpu.memory_space<vmem>> -> memref<128x128xf32, #tpu.memory_space<vmem>>
      %dma_start3A_437 = arith.constant 0 : i32
      %dma_start3A_438 = tpu.memref_slice %arg4[%add3A_172, %dma_start3A_437] : memref<65536x128xf32, #tpu.memory_space<hbm>> -> memref<128x128xf32, #tpu.memory_space<hbm>>
      %dma_start3A_439 = arith.constant 0 : i32
      %dma_start3A_440 = tpu.memref_slice %arg4[%add3A_172, %dma_start3A_439] : memref<65536x128xf32, #tpu.memory_space<hbm>> -> memref<128x128xf32, #tpu.memory_space<hbm>>
      %dma_start3A_441 = arith.constant 0 : i32
      %dma_start3A_442 = arith.constant 0 : i32
      %dma_start3A_443 = tpu.memref_slice %arg6[%run_scoped3A_173, %dma_start3A_441, %dma_start3A_442] : memref<2x128x128xf32, #tpu.memory_space<vmem>> -> memref<1x128x128xf32, #tpu.memory_space<vmem>>
      %dma_start3A_444 = tpu.memref_squeeze %dma_start3A_443 : memref<1x128x128xf32, #tpu.memory_space<vmem>> -> memref<128x128xf32, #tpu.memory_space<vmem>>
      tpu.enqueue_dma source(%dma_start3A_444 : memref<128x128xf32, #tpu.memory_space<vmem>>) target(%dma_start3A_440 : memref<128x128xf32, #tpu.memory_space<hbm>>) target_semaphore(%run_scoped3A_432 : memref<!tpu.dma_semaphore, #tpu.memory_space<semaphore_mem>>)
      %dma_wait3A_445 = arith.constant 0 : i32
      %dma_wait3A_446 = arith.constant 0 : i32
      %dma_wait3A_447 = tpu.memref_slice %arg6[%run_scoped3A_173, %dma_wait3A_445, %dma_wait3A_446] : memref<2x128x128xf32, #tpu.memory_space<vmem>> -> memref<1x128x128xf32, #tpu.memory_space<vmem>>
      %dma_wait3A_448 = tpu.memref_squeeze %dma_wait3A_447 : memref<1x128x128xf32, #tpu.memory_space<vmem>> -> memref<128x128xf32, #tpu.memory_space<vmem>>
      %dma_wait3A_449 = arith.constant 0 : i32
      %dma_wait3A_450 = tpu.memref_slice %arg4[%add3A_172, %dma_wait3A_449] : memref<65536x128xf32, #tpu.memory_space<hbm>> -> memref<128x128xf32, #tpu.memory_space<hbm>>
      %dma_wait3A_451 = arith.constant 0 : i32
      %dma_wait3A_452 = tpu.memref_slice %arg4[%add3A_172, %dma_wait3A_451] : memref<65536x128xf32, #tpu.memory_space<hbm>> -> memref<128x128xf32, #tpu.memory_space<hbm>>
      %dma_wait3A_453 = arith.constant 0 : i32
      %dma_wait3A_454 = arith.constant 0 : i32
      %dma_wait3A_455 = tpu.memref_slice %arg6[%run_scoped3A_173, %dma_wait3A_453, %dma_wait3A_454] : memref<2x128x128xf32, #tpu.memory_space<vmem>> -> memref<1x128x128xf32, #tpu.memory_space<vmem>>
      %dma_wait3A_456 = tpu.memref_squeeze %dma_wait3A_455 : memref<1x128x128xf32, #tpu.memory_space<vmem>> -> memref<128x128xf32, #tpu.memory_space<vmem>>
      tpu.wait_dma2 semaphore(%run_scoped3A_432 : memref<!tpu.dma_semaphore, #tpu.memory_space<semaphore_mem>>) src(%dma_wait3A_456 : memref<128x128xf32, #tpu.memory_space<vmem>>) dst(%dma_wait3A_452 : memref<128x128xf32, #tpu.memory_space<hbm>>)
      tpu.yield
    }) : () -> ()
    %dma_start3A_174 = arith.constant 7 : i32
    %dma_start3A_175 = arith.constant 1 : i32
    %dma_start3A_176 = arith.constant 0 : i32
    %dma_start3A_177 = arith.constant 0 : i32
    %dma_start3A_178 = tpu.memref_slice %arg6[%dma_start3A_175, %dma_start3A_176, %dma_start3A_177] : memref<2x128x128xf32, #tpu.memory_space<vmem>> -> memref<1x128x128xf32, #tpu.memory_space<vmem>>
    %dma_start3A_179 = tpu.memref_squeeze %dma_start3A_178 : memref<1x128x128xf32, #tpu.memory_space<vmem>> -> memref<128x128xf32, #tpu.memory_space<vmem>>
    %dma_start3A_180 = arith.constant 0 : i32
    %dma_start3A_181 = tpu.memref_slice %arg5[%dma_start3A_174, %dma_start3A_180] : memref<16x128xi32, #tpu.memory_space<vmem>> -> memref<1x128xi32, #tpu.memory_space<vmem>>
    %dma_start3A_182 = tpu.memref_squeeze %dma_start3A_181 : memref<1x128xi32, #tpu.memory_space<vmem>> -> memref<128xi32, #tpu.memory_space<vmem>>
    %dma_start3A_183 = arith.constant 0 : i32
    %dma_start3A_184 = arith.constant 0 : i32
    %dma_start3A_185 = tpu.memref_slice %arg2[%dma_start3A_183, %dma_start3A_184] : memref<400000x128xf32, #tpu.memory_space<hbm>> -> memref<400000x128xf32, #tpu.memory_space<hbm>>
    tpu.enqueue_indirect_dma source(%dma_start3A_185 : memref<400000x128xf32, #tpu.memory_space<hbm>>) target(%dma_start3A_179 : memref<128x128xf32, #tpu.memory_space<vmem>>) offsets(%dma_start3A_182 : memref<128xi32, #tpu.memory_space<vmem>>) semaphore(%arg8 : memref<!tpu.dma_semaphore, #tpu.memory_space<semaphore_mem>>)
    %dma_wait3A_186 = arith.constant 6 : i32
    %dma_wait3A_187 = arith.constant 0 : i32
    %dma_wait3A_188 = arith.constant 0 : i32
    %dma_wait3A_189 = arith.constant 0 : i32
    %dma_wait3A_190 = tpu.memref_slice %arg6[%dma_wait3A_187, %dma_wait3A_188, %dma_wait3A_189] : memref<2x128x128xf32, #tpu.memory_space<vmem>> -> memref<1x128x128xf32, #tpu.memory_space<vmem>>
    %dma_wait3A_191 = tpu.memref_squeeze %dma_wait3A_190 : memref<1x128x128xf32, #tpu.memory_space<vmem>> -> memref<128x128xf32, #tpu.memory_space<vmem>>
    %dma_wait3A_192 = arith.constant 0 : i32
    %dma_wait3A_193 = tpu.memref_slice %arg5[%dma_wait3A_186, %dma_wait3A_192] : memref<16x128xi32, #tpu.memory_space<vmem>> -> memref<1x128xi32, #tpu.memory_space<vmem>>
    %dma_wait3A_194 = tpu.memref_squeeze %dma_wait3A_193 : memref<1x128xi32, #tpu.memory_space<vmem>> -> memref<128xi32, #tpu.memory_space<vmem>>
    %dma_wait3A_195 = arith.constant 0 : i32
    %dma_wait3A_196 = arith.constant 0 : i32
    %dma_wait3A_197 = tpu.memref_slice %arg2[%dma_wait3A_195, %dma_wait3A_196] : memref<400000x128xf32, #tpu.memory_space<hbm>> -> memref<400000x128xf32, #tpu.memory_space<hbm>>
    tpu.wait_indirect_dma semaphore(%arg7 : memref<!tpu.dma_semaphore, #tpu.memory_space<semaphore_mem>>) src(%dma_wait3A_197 : memref<400000x128xf32, #tpu.memory_space<hbm>>) dst(%dma_wait3A_191 : memref<128x128xf32, #tpu.memory_space<vmem>>)
    %add3A_198 = arith.constant 768 : i32
    %add3A_199 = arith.addi %mul3A_2, %add3A_198 : i32
    %run_scoped3A_200 = arith.constant 0 : i32
    "tpu.region"() ({
      %run_scoped3A_432 = tpu.sem_alloc : memref<!tpu.dma_semaphore, #tpu.memory_space<semaphore_mem>>
      %dma_start3A_433 = arith.constant 0 : i32
      %dma_start3A_434 = arith.constant 0 : i32
      %dma_start3A_435 = tpu.memref_slice %arg6[%run_scoped3A_200, %dma_start3A_433, %dma_start3A_434] : memref<2x128x128xf32, #tpu.memory_space<vmem>> -> memref<1x128x128xf32, #tpu.memory_space<vmem>>
      %dma_start3A_436 = tpu.memref_squeeze %dma_start3A_435 : memref<1x128x128xf32, #tpu.memory_space<vmem>> -> memref<128x128xf32, #tpu.memory_space<vmem>>
      %dma_start3A_437 = arith.constant 0 : i32
      %dma_start3A_438 = tpu.memref_slice %arg4[%add3A_199, %dma_start3A_437] : memref<65536x128xf32, #tpu.memory_space<hbm>> -> memref<128x128xf32, #tpu.memory_space<hbm>>
      %dma_start3A_439 = arith.constant 0 : i32
      %dma_start3A_440 = tpu.memref_slice %arg4[%add3A_199, %dma_start3A_439] : memref<65536x128xf32, #tpu.memory_space<hbm>> -> memref<128x128xf32, #tpu.memory_space<hbm>>
      %dma_start3A_441 = arith.constant 0 : i32
      %dma_start3A_442 = arith.constant 0 : i32
      %dma_start3A_443 = tpu.memref_slice %arg6[%run_scoped3A_200, %dma_start3A_441, %dma_start3A_442] : memref<2x128x128xf32, #tpu.memory_space<vmem>> -> memref<1x128x128xf32, #tpu.memory_space<vmem>>
      %dma_start3A_444 = tpu.memref_squeeze %dma_start3A_443 : memref<1x128x128xf32, #tpu.memory_space<vmem>> -> memref<128x128xf32, #tpu.memory_space<vmem>>
      tpu.enqueue_dma source(%dma_start3A_444 : memref<128x128xf32, #tpu.memory_space<vmem>>) target(%dma_start3A_440 : memref<128x128xf32, #tpu.memory_space<hbm>>) target_semaphore(%run_scoped3A_432 : memref<!tpu.dma_semaphore, #tpu.memory_space<semaphore_mem>>)
      %dma_wait3A_445 = arith.constant 0 : i32
      %dma_wait3A_446 = arith.constant 0 : i32
      %dma_wait3A_447 = tpu.memref_slice %arg6[%run_scoped3A_200, %dma_wait3A_445, %dma_wait3A_446] : memref<2x128x128xf32, #tpu.memory_space<vmem>> -> memref<1x128x128xf32, #tpu.memory_space<vmem>>
      %dma_wait3A_448 = tpu.memref_squeeze %dma_wait3A_447 : memref<1x128x128xf32, #tpu.memory_space<vmem>> -> memref<128x128xf32, #tpu.memory_space<vmem>>
      %dma_wait3A_449 = arith.constant 0 : i32
      %dma_wait3A_450 = tpu.memref_slice %arg4[%add3A_199, %dma_wait3A_449] : memref<65536x128xf32, #tpu.memory_space<hbm>> -> memref<128x128xf32, #tpu.memory_space<hbm>>
      %dma_wait3A_451 = arith.constant 0 : i32
      %dma_wait3A_452 = tpu.memref_slice %arg4[%add3A_199, %dma_wait3A_451] : memref<65536x128xf32, #tpu.memory_space<hbm>> -> memref<128x128xf32, #tpu.memory_space<hbm>>
      %dma_wait3A_453 = arith.constant 0 : i32
      %dma_wait3A_454 = arith.constant 0 : i32
      %dma_wait3A_455 = tpu.memref_slice %arg6[%run_scoped3A_200, %dma_wait3A_453, %dma_wait3A_454] : memref<2x128x128xf32, #tpu.memory_space<vmem>> -> memref<1x128x128xf32, #tpu.memory_space<vmem>>
      %dma_wait3A_456 = tpu.memref_squeeze %dma_wait3A_455 : memref<1x128x128xf32, #tpu.memory_space<vmem>> -> memref<128x128xf32, #tpu.memory_space<vmem>>
      tpu.wait_dma2 semaphore(%run_scoped3A_432 : memref<!tpu.dma_semaphore, #tpu.memory_space<semaphore_mem>>) src(%dma_wait3A_456 : memref<128x128xf32, #tpu.memory_space<vmem>>) dst(%dma_wait3A_452 : memref<128x128xf32, #tpu.memory_space<hbm>>)
      tpu.yield
    }) : () -> ()
    %dma_start3A_201 = arith.constant 8 : i32
    %dma_start3A_202 = arith.constant 0 : i32
    %dma_start3A_203 = arith.constant 0 : i32
    %dma_start3A_204 = arith.constant 0 : i32
    %dma_start3A_205 = tpu.memref_slice %arg6[%dma_start3A_202, %dma_start3A_203, %dma_start3A_204] : memref<2x128x128xf32, #tpu.memory_space<vmem>> -> memref<1x128x128xf32, #tpu.memory_space<vmem>>
    %dma_start3A_206 = tpu.memref_squeeze %dma_start3A_205 : memref<1x128x128xf32, #tpu.memory_space<vmem>> -> memref<128x128xf32, #tpu.memory_space<vmem>>
    %dma_start3A_207 = arith.constant 0 : i32
    %dma_start3A_208 = tpu.memref_slice %arg5[%dma_start3A_201, %dma_start3A_207] : memref<16x128xi32, #tpu.memory_space<vmem>> -> memref<1x128xi32, #tpu.memory_space<vmem>>
    %dma_start3A_209 = tpu.memref_squeeze %dma_start3A_208 : memref<1x128xi32, #tpu.memory_space<vmem>> -> memref<128xi32, #tpu.memory_space<vmem>>
    %dma_start3A_210 = arith.constant 0 : i32
    %dma_start3A_211 = arith.constant 0 : i32
    %dma_start3A_212 = tpu.memref_slice %arg2[%dma_start3A_210, %dma_start3A_211] : memref<400000x128xf32, #tpu.memory_space<hbm>> -> memref<400000x128xf32, #tpu.memory_space<hbm>>
    tpu.enqueue_indirect_dma source(%dma_start3A_212 : memref<400000x128xf32, #tpu.memory_space<hbm>>) target(%dma_start3A_206 : memref<128x128xf32, #tpu.memory_space<vmem>>) offsets(%dma_start3A_209 : memref<128xi32, #tpu.memory_space<vmem>>) semaphore(%arg7 : memref<!tpu.dma_semaphore, #tpu.memory_space<semaphore_mem>>)
    %dma_wait3A_213 = arith.constant 7 : i32
    %dma_wait3A_214 = arith.constant 1 : i32
    %dma_wait3A_215 = arith.constant 0 : i32
    %dma_wait3A_216 = arith.constant 0 : i32
    %dma_wait3A_217 = tpu.memref_slice %arg6[%dma_wait3A_214, %dma_wait3A_215, %dma_wait3A_216] : memref<2x128x128xf32, #tpu.memory_space<vmem>> -> memref<1x128x128xf32, #tpu.memory_space<vmem>>
    %dma_wait3A_218 = tpu.memref_squeeze %dma_wait3A_217 : memref<1x128x128xf32, #tpu.memory_space<vmem>> -> memref<128x128xf32, #tpu.memory_space<vmem>>
    %dma_wait3A_219 = arith.constant 0 : i32
    %dma_wait3A_220 = tpu.memref_slice %arg5[%dma_wait3A_213, %dma_wait3A_219] : memref<16x128xi32, #tpu.memory_space<vmem>> -> memref<1x128xi32, #tpu.memory_space<vmem>>
    %dma_wait3A_221 = tpu.memref_squeeze %dma_wait3A_220 : memref<1x128xi32, #tpu.memory_space<vmem>> -> memref<128xi32, #tpu.memory_space<vmem>>
    %dma_wait3A_222 = arith.constant 0 : i32
    %dma_wait3A_223 = arith.constant 0 : i32
    %dma_wait3A_224 = tpu.memref_slice %arg2[%dma_wait3A_222, %dma_wait3A_223] : memref<400000x128xf32, #tpu.memory_space<hbm>> -> memref<400000x128xf32, #tpu.memory_space<hbm>>
    tpu.wait_indirect_dma semaphore(%arg8 : memref<!tpu.dma_semaphore, #tpu.memory_space<semaphore_mem>>) src(%dma_wait3A_224 : memref<400000x128xf32, #tpu.memory_space<hbm>>) dst(%dma_wait3A_218 : memref<128x128xf32, #tpu.memory_space<vmem>>)
    %add3A_225 = arith.constant 896 : i32
    %add3A_226 = arith.addi %mul3A_2, %add3A_225 : i32
    %run_scoped3A_227 = arith.constant 1 : i32
    "tpu.region"() ({
      %run_scoped3A_432 = tpu.sem_alloc : memref<!tpu.dma_semaphore, #tpu.memory_space<semaphore_mem>>
      %dma_start3A_433 = arith.constant 0 : i32
      %dma_start3A_434 = arith.constant 0 : i32
      %dma_start3A_435 = tpu.memref_slice %arg6[%run_scoped3A_227, %dma_start3A_433, %dma_start3A_434] : memref<2x128x128xf32, #tpu.memory_space<vmem>> -> memref<1x128x128xf32, #tpu.memory_space<vmem>>
      %dma_start3A_436 = tpu.memref_squeeze %dma_start3A_435 : memref<1x128x128xf32, #tpu.memory_space<vmem>> -> memref<128x128xf32, #tpu.memory_space<vmem>>
      %dma_start3A_437 = arith.constant 0 : i32
      %dma_start3A_438 = tpu.memref_slice %arg4[%add3A_226, %dma_start3A_437] : memref<65536x128xf32, #tpu.memory_space<hbm>> -> memref<128x128xf32, #tpu.memory_space<hbm>>
      %dma_start3A_439 = arith.constant 0 : i32
      %dma_start3A_440 = tpu.memref_slice %arg4[%add3A_226, %dma_start3A_439] : memref<65536x128xf32, #tpu.memory_space<hbm>> -> memref<128x128xf32, #tpu.memory_space<hbm>>
      %dma_start3A_441 = arith.constant 0 : i32
      %dma_start3A_442 = arith.constant 0 : i32
      %dma_start3A_443 = tpu.memref_slice %arg6[%run_scoped3A_227, %dma_start3A_441, %dma_start3A_442] : memref<2x128x128xf32, #tpu.memory_space<vmem>> -> memref<1x128x128xf32, #tpu.memory_space<vmem>>
      %dma_start3A_444 = tpu.memref_squeeze %dma_start3A_443 : memref<1x128x128xf32, #tpu.memory_space<vmem>> -> memref<128x128xf32, #tpu.memory_space<vmem>>
      tpu.enqueue_dma source(%dma_start3A_444 : memref<128x128xf32, #tpu.memory_space<vmem>>) target(%dma_start3A_440 : memref<128x128xf32, #tpu.memory_space<hbm>>) target_semaphore(%run_scoped3A_432 : memref<!tpu.dma_semaphore, #tpu.memory_space<semaphore_mem>>)
      %dma_wait3A_445 = arith.constant 0 : i32
      %dma_wait3A_446 = arith.constant 0 : i32
      %dma_wait3A_447 = tpu.memref_slice %arg6[%run_scoped3A_227, %dma_wait3A_445, %dma_wait3A_446] : memref<2x128x128xf32, #tpu.memory_space<vmem>> -> memref<1x128x128xf32, #tpu.memory_space<vmem>>
      %dma_wait3A_448 = tpu.memref_squeeze %dma_wait3A_447 : memref<1x128x128xf32, #tpu.memory_space<vmem>> -> memref<128x128xf32, #tpu.memory_space<vmem>>
      %dma_wait3A_449 = arith.constant 0 : i32
      %dma_wait3A_450 = tpu.memref_slice %arg4[%add3A_226, %dma_wait3A_449] : memref<65536x128xf32, #tpu.memory_space<hbm>> -> memref<128x128xf32, #tpu.memory_space<hbm>>
      %dma_wait3A_451 = arith.constant 0 : i32
      %dma_wait3A_452 = tpu.memref_slice %arg4[%add3A_226, %dma_wait3A_451] : memref<65536x128xf32, #tpu.memory_space<hbm>> -> memref<128x128xf32, #tpu.memory_space<hbm>>
      %dma_wait3A_453 = arith.constant 0 : i32
      %dma_wait3A_454 = arith.constant 0 : i32
      %dma_wait3A_455 = tpu.memref_slice %arg6[%run_scoped3A_227, %dma_wait3A_453, %dma_wait3A_454] : memref<2x128x128xf32, #tpu.memory_space<vmem>> -> memref<1x128x128xf32, #tpu.memory_space<vmem>>
      %dma_wait3A_456 = tpu.memref_squeeze %dma_wait3A_455 : memref<1x128x128xf32, #tpu.memory_space<vmem>> -> memref<128x128xf32, #tpu.memory_space<vmem>>
      tpu.wait_dma2 semaphore(%run_scoped3A_432 : memref<!tpu.dma_semaphore, #tpu.memory_space<semaphore_mem>>) src(%dma_wait3A_456 : memref<128x128xf32, #tpu.memory_space<vmem>>) dst(%dma_wait3A_452 : memref<128x128xf32, #tpu.memory_space<hbm>>)
      tpu.yield
    }) : () -> ()
    %dma_start3A_228 = arith.constant 9 : i32
    %dma_start3A_229 = arith.constant 1 : i32
    %dma_start3A_230 = arith.constant 0 : i32
    %dma_start3A_231 = arith.constant 0 : i32
    %dma_start3A_232 = tpu.memref_slice %arg6[%dma_start3A_229, %dma_start3A_230, %dma_start3A_231] : memref<2x128x128xf32, #tpu.memory_space<vmem>> -> memref<1x128x128xf32, #tpu.memory_space<vmem>>
    %dma_start3A_233 = tpu.memref_squeeze %dma_start3A_232 : memref<1x128x128xf32, #tpu.memory_space<vmem>> -> memref<128x128xf32, #tpu.memory_space<vmem>>
    %dma_start3A_234 = arith.constant 0 : i32
    %dma_start3A_235 = tpu.memref_slice %arg5[%dma_start3A_228, %dma_start3A_234] : memref<16x128xi32, #tpu.memory_space<vmem>> -> memref<1x128xi32, #tpu.memory_space<vmem>>
    %dma_start3A_236 = tpu.memref_squeeze %dma_start3A_235 : memref<1x128xi32, #tpu.memory_space<vmem>> -> memref<128xi32, #tpu.memory_space<vmem>>
    %dma_start3A_237 = arith.constant 0 : i32
    %dma_start3A_238 = arith.constant 0 : i32
    %dma_start3A_239 = tpu.memref_slice %arg2[%dma_start3A_237, %dma_start3A_238] : memref<400000x128xf32, #tpu.memory_space<hbm>> -> memref<400000x128xf32, #tpu.memory_space<hbm>>
    tpu.enqueue_indirect_dma source(%dma_start3A_239 : memref<400000x128xf32, #tpu.memory_space<hbm>>) target(%dma_start3A_233 : memref<128x128xf32, #tpu.memory_space<vmem>>) offsets(%dma_start3A_236 : memref<128xi32, #tpu.memory_space<vmem>>) semaphore(%arg8 : memref<!tpu.dma_semaphore, #tpu.memory_space<semaphore_mem>>)
    %dma_wait3A_240 = arith.constant 8 : i32
    %dma_wait3A_241 = arith.constant 0 : i32
    %dma_wait3A_242 = arith.constant 0 : i32
    %dma_wait3A_243 = arith.constant 0 : i32
    %dma_wait3A_244 = tpu.memref_slice %arg6[%dma_wait3A_241, %dma_wait3A_242, %dma_wait3A_243] : memref<2x128x128xf32, #tpu.memory_space<vmem>> -> memref<1x128x128xf32, #tpu.memory_space<vmem>>
    %dma_wait3A_245 = tpu.memref_squeeze %dma_wait3A_244 : memref<1x128x128xf32, #tpu.memory_space<vmem>> -> memref<128x128xf32, #tpu.memory_space<vmem>>
    %dma_wait3A_246 = arith.constant 0 : i32
    %dma_wait3A_247 = tpu.memref_slice %arg5[%dma_wait3A_240, %dma_wait3A_246] : memref<16x128xi32, #tpu.memory_space<vmem>> -> memref<1x128xi32, #tpu.memory_space<vmem>>
    %dma_wait3A_248 = tpu.memref_squeeze %dma_wait3A_247 : memref<1x128xi32, #tpu.memory_space<vmem>> -> memref<128xi32, #tpu.memory_space<vmem>>
    %dma_wait3A_249 = arith.constant 0 : i32
    %dma_wait3A_250 = arith.constant 0 : i32
    %dma_wait3A_251 = tpu.memref_slice %arg2[%dma_wait3A_249, %dma_wait3A_250] : memref<400000x128xf32, #tpu.memory_space<hbm>> -> memref<400000x128xf32, #tpu.memory_space<hbm>>
    tpu.wait_indirect_dma semaphore(%arg7 : memref<!tpu.dma_semaphore, #tpu.memory_space<semaphore_mem>>) src(%dma_wait3A_251 : memref<400000x128xf32, #tpu.memory_space<hbm>>) dst(%dma_wait3A_245 : memref<128x128xf32, #tpu.memory_space<vmem>>)
    %add3A_252 = arith.constant 1024 : i32
    %add3A_253 = arith.addi %mul3A_2, %add3A_252 : i32
    %run_scoped3A_254 = arith.constant 0 : i32
    "tpu.region"() ({
      %run_scoped3A_432 = tpu.sem_alloc : memref<!tpu.dma_semaphore, #tpu.memory_space<semaphore_mem>>
      %dma_start3A_433 = arith.constant 0 : i32
      %dma_start3A_434 = arith.constant 0 : i32
      %dma_start3A_435 = tpu.memref_slice %arg6[%run_scoped3A_254, %dma_start3A_433, %dma_start3A_434] : memref<2x128x128xf32, #tpu.memory_space<vmem>> -> memref<1x128x128xf32, #tpu.memory_space<vmem>>
      %dma_start3A_436 = tpu.memref_squeeze %dma_start3A_435 : memref<1x128x128xf32, #tpu.memory_space<vmem>> -> memref<128x128xf32, #tpu.memory_space<vmem>>
      %dma_start3A_437 = arith.constant 0 : i32
      %dma_start3A_438 = tpu.memref_slice %arg4[%add3A_253, %dma_start3A_437] : memref<65536x128xf32, #tpu.memory_space<hbm>> -> memref<128x128xf32, #tpu.memory_space<hbm>>
      %dma_start3A_439 = arith.constant 0 : i32
      %dma_start3A_440 = tpu.memref_slice %arg4[%add3A_253, %dma_start3A_439] : memref<65536x128xf32, #tpu.memory_space<hbm>> -> memref<128x128xf32, #tpu.memory_space<hbm>>
      %dma_start3A_441 = arith.constant 0 : i32
      %dma_start3A_442 = arith.constant 0 : i32
      %dma_start3A_443 = tpu.memref_slice %arg6[%run_scoped3A_254, %dma_start3A_441, %dma_start3A_442] : memref<2x128x128xf32, #tpu.memory_space<vmem>> -> memref<1x128x128xf32, #tpu.memory_space<vmem>>
      %dma_start3A_444 = tpu.memref_squeeze %dma_start3A_443 : memref<1x128x128xf32, #tpu.memory_space<vmem>> -> memref<128x128xf32, #tpu.memory_space<vmem>>
      tpu.enqueue_dma source(%dma_start3A_444 : memref<128x128xf32, #tpu.memory_space<vmem>>) target(%dma_start3A_440 : memref<128x128xf32, #tpu.memory_space<hbm>>) target_semaphore(%run_scoped3A_432 : memref<!tpu.dma_semaphore, #tpu.memory_space<semaphore_mem>>)
      %dma_wait3A_445 = arith.constant 0 : i32
      %dma_wait3A_446 = arith.constant 0 : i32
      %dma_wait3A_447 = tpu.memref_slice %arg6[%run_scoped3A_254, %dma_wait3A_445, %dma_wait3A_446] : memref<2x128x128xf32, #tpu.memory_space<vmem>> -> memref<1x128x128xf32, #tpu.memory_space<vmem>>
      %dma_wait3A_448 = tpu.memref_squeeze %dma_wait3A_447 : memref<1x128x128xf32, #tpu.memory_space<vmem>> -> memref<128x128xf32, #tpu.memory_space<vmem>>
      %dma_wait3A_449 = arith.constant 0 : i32
      %dma_wait3A_450 = tpu.memref_slice %arg4[%add3A_253, %dma_wait3A_449] : memref<65536x128xf32, #tpu.memory_space<hbm>> -> memref<128x128xf32, #tpu.memory_space<hbm>>
      %dma_wait3A_451 = arith.constant 0 : i32
      %dma_wait3A_452 = tpu.memref_slice %arg4[%add3A_253, %dma_wait3A_451] : memref<65536x128xf32, #tpu.memory_space<hbm>> -> memref<128x128xf32, #tpu.memory_space<hbm>>
      %dma_wait3A_453 = arith.constant 0 : i32
      %dma_wait3A_454 = arith.constant 0 : i32
      %dma_wait3A_455 = tpu.memref_slice %arg6[%run_scoped3A_254, %dma_wait3A_453, %dma_wait3A_454] : memref<2x128x128xf32, #tpu.memory_space<vmem>> -> memref<1x128x128xf32, #tpu.memory_space<vmem>>
      %dma_wait3A_456 = tpu.memref_squeeze %dma_wait3A_455 : memref<1x128x128xf32, #tpu.memory_space<vmem>> -> memref<128x128xf32, #tpu.memory_space<vmem>>
      tpu.wait_dma2 semaphore(%run_scoped3A_432 : memref<!tpu.dma_semaphore, #tpu.memory_space<semaphore_mem>>) src(%dma_wait3A_456 : memref<128x128xf32, #tpu.memory_space<vmem>>) dst(%dma_wait3A_452 : memref<128x128xf32, #tpu.memory_space<hbm>>)
      tpu.yield
    }) : () -> ()
    %dma_start3A_255 = arith.constant 10 : i32
    %dma_start3A_256 = arith.constant 0 : i32
    %dma_start3A_257 = arith.constant 0 : i32
    %dma_start3A_258 = arith.constant 0 : i32
    %dma_start3A_259 = tpu.memref_slice %arg6[%dma_start3A_256, %dma_start3A_257, %dma_start3A_258] : memref<2x128x128xf32, #tpu.memory_space<vmem>> -> memref<1x128x128xf32, #tpu.memory_space<vmem>>
    %dma_start3A_260 = tpu.memref_squeeze %dma_start3A_259 : memref<1x128x128xf32, #tpu.memory_space<vmem>> -> memref<128x128xf32, #tpu.memory_space<vmem>>
    %dma_start3A_261 = arith.constant 0 : i32
    %dma_start3A_262 = tpu.memref_slice %arg5[%dma_start3A_255, %dma_start3A_261] : memref<16x128xi32, #tpu.memory_space<vmem>> -> memref<1x128xi32, #tpu.memory_space<vmem>>
    %dma_start3A_263 = tpu.memref_squeeze %dma_start3A_262 : memref<1x128xi32, #tpu.memory_space<vmem>> -> memref<128xi32, #tpu.memory_space<vmem>>
    %dma_start3A_264 = arith.constant 0 : i32
    %dma_start3A_265 = arith.constant 0 : i32
    %dma_start3A_266 = tpu.memref_slice %arg2[%dma_start3A_264, %dma_start3A_265] : memref<400000x128xf32, #tpu.memory_space<hbm>> -> memref<400000x128xf32, #tpu.memory_space<hbm>>
    tpu.enqueue_indirect_dma source(%dma_start3A_266 : memref<400000x128xf32, #tpu.memory_space<hbm>>) target(%dma_start3A_260 : memref<128x128xf32, #tpu.memory_space<vmem>>) offsets(%dma_start3A_263 : memref<128xi32, #tpu.memory_space<vmem>>) semaphore(%arg7 : memref<!tpu.dma_semaphore, #tpu.memory_space<semaphore_mem>>)
    %dma_wait3A_267 = arith.constant 9 : i32
    %dma_wait3A_268 = arith.constant 1 : i32
    %dma_wait3A_269 = arith.constant 0 : i32
    %dma_wait3A_270 = arith.constant 0 : i32
    %dma_wait3A_271 = tpu.memref_slice %arg6[%dma_wait3A_268, %dma_wait3A_269, %dma_wait3A_270] : memref<2x128x128xf32, #tpu.memory_space<vmem>> -> memref<1x128x128xf32, #tpu.memory_space<vmem>>
    %dma_wait3A_272 = tpu.memref_squeeze %dma_wait3A_271 : memref<1x128x128xf32, #tpu.memory_space<vmem>> -> memref<128x128xf32, #tpu.memory_space<vmem>>
    %dma_wait3A_273 = arith.constant 0 : i32
    %dma_wait3A_274 = tpu.memref_slice %arg5[%dma_wait3A_267, %dma_wait3A_273] : memref<16x128xi32, #tpu.memory_space<vmem>> -> memref<1x128xi32, #tpu.memory_space<vmem>>
    %dma_wait3A_275 = tpu.memref_squeeze %dma_wait3A_274 : memref<1x128xi32, #tpu.memory_space<vmem>> -> memref<128xi32, #tpu.memory_space<vmem>>
    %dma_wait3A_276 = arith.constant 0 : i32
    %dma_wait3A_277 = arith.constant 0 : i32
    %dma_wait3A_278 = tpu.memref_slice %arg2[%dma_wait3A_276, %dma_wait3A_277] : memref<400000x128xf32, #tpu.memory_space<hbm>> -> memref<400000x128xf32, #tpu.memory_space<hbm>>
    tpu.wait_indirect_dma semaphore(%arg8 : memref<!tpu.dma_semaphore, #tpu.memory_space<semaphore_mem>>) src(%dma_wait3A_278 : memref<400000x128xf32, #tpu.memory_space<hbm>>) dst(%dma_wait3A_272 : memref<128x128xf32, #tpu.memory_space<vmem>>)
    %add3A_279 = arith.constant 1152 : i32
    %add3A_280 = arith.addi %mul3A_2, %add3A_279 : i32
    %run_scoped3A_281 = arith.constant 1 : i32
    "tpu.region"() ({
      %run_scoped3A_432 = tpu.sem_alloc : memref<!tpu.dma_semaphore, #tpu.memory_space<semaphore_mem>>
      %dma_start3A_433 = arith.constant 0 : i32
      %dma_start3A_434 = arith.constant 0 : i32
      %dma_start3A_435 = tpu.memref_slice %arg6[%run_scoped3A_281, %dma_start3A_433, %dma_start3A_434] : memref<2x128x128xf32, #tpu.memory_space<vmem>> -> memref<1x128x128xf32, #tpu.memory_space<vmem>>
      %dma_start3A_436 = tpu.memref_squeeze %dma_start3A_435 : memref<1x128x128xf32, #tpu.memory_space<vmem>> -> memref<128x128xf32, #tpu.memory_space<vmem>>
      %dma_start3A_437 = arith.constant 0 : i32
      %dma_start3A_438 = tpu.memref_slice %arg4[%add3A_280, %dma_start3A_437] : memref<65536x128xf32, #tpu.memory_space<hbm>> -> memref<128x128xf32, #tpu.memory_space<hbm>>
      %dma_start3A_439 = arith.constant 0 : i32
      %dma_start3A_440 = tpu.memref_slice %arg4[%add3A_280, %dma_start3A_439] : memref<65536x128xf32, #tpu.memory_space<hbm>> -> memref<128x128xf32, #tpu.memory_space<hbm>>
      %dma_start3A_441 = arith.constant 0 : i32
      %dma_start3A_442 = arith.constant 0 : i32
      %dma_start3A_443 = tpu.memref_slice %arg6[%run_scoped3A_281, %dma_start3A_441, %dma_start3A_442] : memref<2x128x128xf32, #tpu.memory_space<vmem>> -> memref<1x128x128xf32, #tpu.memory_space<vmem>>
      %dma_start3A_444 = tpu.memref_squeeze %dma_start3A_443 : memref<1x128x128xf32, #tpu.memory_space<vmem>> -> memref<128x128xf32, #tpu.memory_space<vmem>>
      tpu.enqueue_dma source(%dma_start3A_444 : memref<128x128xf32, #tpu.memory_space<vmem>>) target(%dma_start3A_440 : memref<128x128xf32, #tpu.memory_space<hbm>>) target_semaphore(%run_scoped3A_432 : memref<!tpu.dma_semaphore, #tpu.memory_space<semaphore_mem>>)
      %dma_wait3A_445 = arith.constant 0 : i32
      %dma_wait3A_446 = arith.constant 0 : i32
      %dma_wait3A_447 = tpu.memref_slice %arg6[%run_scoped3A_281, %dma_wait3A_445, %dma_wait3A_446] : memref<2x128x128xf32, #tpu.memory_space<vmem>> -> memref<1x128x128xf32, #tpu.memory_space<vmem>>
      %dma_wait3A_448 = tpu.memref_squeeze %dma_wait3A_447 : memref<1x128x128xf32, #tpu.memory_space<vmem>> -> memref<128x128xf32, #tpu.memory_space<vmem>>
      %dma_wait3A_449 = arith.constant 0 : i32
      %dma_wait3A_450 = tpu.memref_slice %arg4[%add3A_280, %dma_wait3A_449] : memref<65536x128xf32, #tpu.memory_space<hbm>> -> memref<128x128xf32, #tpu.memory_space<hbm>>
      %dma_wait3A_451 = arith.constant 0 : i32
      %dma_wait3A_452 = tpu.memref_slice %arg4[%add3A_280, %dma_wait3A_451] : memref<65536x128xf32, #tpu.memory_space<hbm>> -> memref<128x128xf32, #tpu.memory_space<hbm>>
      %dma_wait3A_453 = arith.constant 0 : i32
      %dma_wait3A_454 = arith.constant 0 : i32
      %dma_wait3A_455 = tpu.memref_slice %arg6[%run_scoped3A_281, %dma_wait3A_453, %dma_wait3A_454] : memref<2x128x128xf32, #tpu.memory_space<vmem>> -> memref<1x128x128xf32, #tpu.memory_space<vmem>>
      %dma_wait3A_456 = tpu.memref_squeeze %dma_wait3A_455 : memref<1x128x128xf32, #tpu.memory_space<vmem>> -> memref<128x128xf32, #tpu.memory_space<vmem>>
      tpu.wait_dma2 semaphore(%run_scoped3A_432 : memref<!tpu.dma_semaphore, #tpu.memory_space<semaphore_mem>>) src(%dma_wait3A_456 : memref<128x128xf32, #tpu.memory_space<vmem>>) dst(%dma_wait3A_452 : memref<128x128xf32, #tpu.memory_space<hbm>>)
      tpu.yield
    }) : () -> ()
    %dma_start3A_282 = arith.constant 11 : i32
    %dma_start3A_283 = arith.constant 1 : i32
    %dma_start3A_284 = arith.constant 0 : i32
    %dma_start3A_285 = arith.constant 0 : i32
    %dma_start3A_286 = tpu.memref_slice %arg6[%dma_start3A_283, %dma_start3A_284, %dma_start3A_285] : memref<2x128x128xf32, #tpu.memory_space<vmem>> -> memref<1x128x128xf32, #tpu.memory_space<vmem>>
    %dma_start3A_287 = tpu.memref_squeeze %dma_start3A_286 : memref<1x128x128xf32, #tpu.memory_space<vmem>> -> memref<128x128xf32, #tpu.memory_space<vmem>>
    %dma_start3A_288 = arith.constant 0 : i32
    %dma_start3A_289 = tpu.memref_slice %arg5[%dma_start3A_282, %dma_start3A_288] : memref<16x128xi32, #tpu.memory_space<vmem>> -> memref<1x128xi32, #tpu.memory_space<vmem>>
    %dma_start3A_290 = tpu.memref_squeeze %dma_start3A_289 : memref<1x128xi32, #tpu.memory_space<vmem>> -> memref<128xi32, #tpu.memory_space<vmem>>
    %dma_start3A_291 = arith.constant 0 : i32
    %dma_start3A_292 = arith.constant 0 : i32
    %dma_start3A_293 = tpu.memref_slice %arg2[%dma_start3A_291, %dma_start3A_292] : memref<400000x128xf32, #tpu.memory_space<hbm>> -> memref<400000x128xf32, #tpu.memory_space<hbm>>
    tpu.enqueue_indirect_dma source(%dma_start3A_293 : memref<400000x128xf32, #tpu.memory_space<hbm>>) target(%dma_start3A_287 : memref<128x128xf32, #tpu.memory_space<vmem>>) offsets(%dma_start3A_290 : memref<128xi32, #tpu.memory_space<vmem>>) semaphore(%arg8 : memref<!tpu.dma_semaphore, #tpu.memory_space<semaphore_mem>>)
    %dma_wait3A_294 = arith.constant 10 : i32
    %dma_wait3A_295 = arith.constant 0 : i32
    %dma_wait3A_296 = arith.constant 0 : i32
    %dma_wait3A_297 = arith.constant 0 : i32
    %dma_wait3A_298 = tpu.memref_slice %arg6[%dma_wait3A_295, %dma_wait3A_296, %dma_wait3A_297] : memref<2x128x128xf32, #tpu.memory_space<vmem>> -> memref<1x128x128xf32, #tpu.memory_space<vmem>>
    %dma_wait3A_299 = tpu.memref_squeeze %dma_wait3A_298 : memref<1x128x128xf32, #tpu.memory_space<vmem>> -> memref<128x128xf32, #tpu.memory_space<vmem>>
    %dma_wait3A_300 = arith.constant 0 : i32
    %dma_wait3A_301 = tpu.memref_slice %arg5[%dma_wait3A_294, %dma_wait3A_300] : memref<16x128xi32, #tpu.memory_space<vmem>> -> memref<1x128xi32, #tpu.memory_space<vmem>>
    %dma_wait3A_302 = tpu.memref_squeeze %dma_wait3A_301 : memref<1x128xi32, #tpu.memory_space<vmem>> -> memref<128xi32, #tpu.memory_space<vmem>>
    %dma_wait3A_303 = arith.constant 0 : i32
    %dma_wait3A_304 = arith.constant 0 : i32
    %dma_wait3A_305 = tpu.memref_slice %arg2[%dma_wait3A_303, %dma_wait3A_304] : memref<400000x128xf32, #tpu.memory_space<hbm>> -> memref<400000x128xf32, #tpu.memory_space<hbm>>
    tpu.wait_indirect_dma semaphore(%arg7 : memref<!tpu.dma_semaphore, #tpu.memory_space<semaphore_mem>>) src(%dma_wait3A_305 : memref<400000x128xf32, #tpu.memory_space<hbm>>) dst(%dma_wait3A_299 : memref<128x128xf32, #tpu.memory_space<vmem>>)
    %add3A_306 = arith.constant 1280 : i32
    %add3A_307 = arith.addi %mul3A_2, %add3A_306 : i32
    %run_scoped3A_308 = arith.constant 0 : i32
    "tpu.region"() ({
      %run_scoped3A_432 = tpu.sem_alloc : memref<!tpu.dma_semaphore, #tpu.memory_space<semaphore_mem>>
      %dma_start3A_433 = arith.constant 0 : i32
      %dma_start3A_434 = arith.constant 0 : i32
      %dma_start3A_435 = tpu.memref_slice %arg6[%run_scoped3A_308, %dma_start3A_433, %dma_start3A_434] : memref<2x128x128xf32, #tpu.memory_space<vmem>> -> memref<1x128x128xf32, #tpu.memory_space<vmem>>
      %dma_start3A_436 = tpu.memref_squeeze %dma_start3A_435 : memref<1x128x128xf32, #tpu.memory_space<vmem>> -> memref<128x128xf32, #tpu.memory_space<vmem>>
      %dma_start3A_437 = arith.constant 0 : i32
      %dma_start3A_438 = tpu.memref_slice %arg4[%add3A_307, %dma_start3A_437] : memref<65536x128xf32, #tpu.memory_space<hbm>> -> memref<128x128xf32, #tpu.memory_space<hbm>>
      %dma_start3A_439 = arith.constant 0 : i32
      %dma_start3A_440 = tpu.memref_slice %arg4[%add3A_307, %dma_start3A_439] : memref<65536x128xf32, #tpu.memory_space<hbm>> -> memref<128x128xf32, #tpu.memory_space<hbm>>
      %dma_start3A_441 = arith.constant 0 : i32
      %dma_start3A_442 = arith.constant 0 : i32
      %dma_start3A_443 = tpu.memref_slice %arg6[%run_scoped3A_308, %dma_start3A_441, %dma_start3A_442] : memref<2x128x128xf32, #tpu.memory_space<vmem>> -> memref<1x128x128xf32, #tpu.memory_space<vmem>>
      %dma_start3A_444 = tpu.memref_squeeze %dma_start3A_443 : memref<1x128x128xf32, #tpu.memory_space<vmem>> -> memref<128x128xf32, #tpu.memory_space<vmem>>
      tpu.enqueue_dma source(%dma_start3A_444 : memref<128x128xf32, #tpu.memory_space<vmem>>) target(%dma_start3A_440 : memref<128x128xf32, #tpu.memory_space<hbm>>) target_semaphore(%run_scoped3A_432 : memref<!tpu.dma_semaphore, #tpu.memory_space<semaphore_mem>>)
      %dma_wait3A_445 = arith.constant 0 : i32
      %dma_wait3A_446 = arith.constant 0 : i32
      %dma_wait3A_447 = tpu.memref_slice %arg6[%run_scoped3A_308, %dma_wait3A_445, %dma_wait3A_446] : memref<2x128x128xf32, #tpu.memory_space<vmem>> -> memref<1x128x128xf32, #tpu.memory_space<vmem>>
      %dma_wait3A_448 = tpu.memref_squeeze %dma_wait3A_447 : memref<1x128x128xf32, #tpu.memory_space<vmem>> -> memref<128x128xf32, #tpu.memory_space<vmem>>
      %dma_wait3A_449 = arith.constant 0 : i32
      %dma_wait3A_450 = tpu.memref_slice %arg4[%add3A_307, %dma_wait3A_449] : memref<65536x128xf32, #tpu.memory_space<hbm>> -> memref<128x128xf32, #tpu.memory_space<hbm>>
      %dma_wait3A_451 = arith.constant 0 : i32
      %dma_wait3A_452 = tpu.memref_slice %arg4[%add3A_307, %dma_wait3A_451] : memref<65536x128xf32, #tpu.memory_space<hbm>> -> memref<128x128xf32, #tpu.memory_space<hbm>>
      %dma_wait3A_453 = arith.constant 0 : i32
      %dma_wait3A_454 = arith.constant 0 : i32
      %dma_wait3A_455 = tpu.memref_slice %arg6[%run_scoped3A_308, %dma_wait3A_453, %dma_wait3A_454] : memref<2x128x128xf32, #tpu.memory_space<vmem>> -> memref<1x128x128xf32, #tpu.memory_space<vmem>>
      %dma_wait3A_456 = tpu.memref_squeeze %dma_wait3A_455 : memref<1x128x128xf32, #tpu.memory_space<vmem>> -> memref<128x128xf32, #tpu.memory_space<vmem>>
      tpu.wait_dma2 semaphore(%run_scoped3A_432 : memref<!tpu.dma_semaphore, #tpu.memory_space<semaphore_mem>>) src(%dma_wait3A_456 : memref<128x128xf32, #tpu.memory_space<vmem>>) dst(%dma_wait3A_452 : memref<128x128xf32, #tpu.memory_space<hbm>>)
      tpu.yield
    }) : () -> ()
    %dma_start3A_309 = arith.constant 12 : i32
    %dma_start3A_310 = arith.constant 0 : i32
    %dma_start3A_311 = arith.constant 0 : i32
    %dma_start3A_312 = arith.constant 0 : i32
    %dma_start3A_313 = tpu.memref_slice %arg6[%dma_start3A_310, %dma_start3A_311, %dma_start3A_312] : memref<2x128x128xf32, #tpu.memory_space<vmem>> -> memref<1x128x128xf32, #tpu.memory_space<vmem>>
    %dma_start3A_314 = tpu.memref_squeeze %dma_start3A_313 : memref<1x128x128xf32, #tpu.memory_space<vmem>> -> memref<128x128xf32, #tpu.memory_space<vmem>>
    %dma_start3A_315 = arith.constant 0 : i32
    %dma_start3A_316 = tpu.memref_slice %arg5[%dma_start3A_309, %dma_start3A_315] : memref<16x128xi32, #tpu.memory_space<vmem>> -> memref<1x128xi32, #tpu.memory_space<vmem>>
    %dma_start3A_317 = tpu.memref_squeeze %dma_start3A_316 : memref<1x128xi32, #tpu.memory_space<vmem>> -> memref<128xi32, #tpu.memory_space<vmem>>
    %dma_start3A_318 = arith.constant 0 : i32
    %dma_start3A_319 = arith.constant 0 : i32
    %dma_start3A_320 = tpu.memref_slice %arg2[%dma_start3A_318, %dma_start3A_319] : memref<400000x128xf32, #tpu.memory_space<hbm>> -> memref<400000x128xf32, #tpu.memory_space<hbm>>
    tpu.enqueue_indirect_dma source(%dma_start3A_320 : memref<400000x128xf32, #tpu.memory_space<hbm>>) target(%dma_start3A_314 : memref<128x128xf32, #tpu.memory_space<vmem>>) offsets(%dma_start3A_317 : memref<128xi32, #tpu.memory_space<vmem>>) semaphore(%arg7 : memref<!tpu.dma_semaphore, #tpu.memory_space<semaphore_mem>>)
    %dma_wait3A_321 = arith.constant 11 : i32
    %dma_wait3A_322 = arith.constant 1 : i32
    %dma_wait3A_323 = arith.constant 0 : i32
    %dma_wait3A_324 = arith.constant 0 : i32
    %dma_wait3A_325 = tpu.memref_slice %arg6[%dma_wait3A_322, %dma_wait3A_323, %dma_wait3A_324] : memref<2x128x128xf32, #tpu.memory_space<vmem>> -> memref<1x128x128xf32, #tpu.memory_space<vmem>>
    %dma_wait3A_326 = tpu.memref_squeeze %dma_wait3A_325 : memref<1x128x128xf32, #tpu.memory_space<vmem>> -> memref<128x128xf32, #tpu.memory_space<vmem>>
    %dma_wait3A_327 = arith.constant 0 : i32
    %dma_wait3A_328 = tpu.memref_slice %arg5[%dma_wait3A_321, %dma_wait3A_327] : memref<16x128xi32, #tpu.memory_space<vmem>> -> memref<1x128xi32, #tpu.memory_space<vmem>>
    %dma_wait3A_329 = tpu.memref_squeeze %dma_wait3A_328 : memref<1x128xi32, #tpu.memory_space<vmem>> -> memref<128xi32, #tpu.memory_space<vmem>>
    %dma_wait3A_330 = arith.constant 0 : i32
    %dma_wait3A_331 = arith.constant 0 : i32
    %dma_wait3A_332 = tpu.memref_slice %arg2[%dma_wait3A_330, %dma_wait3A_331] : memref<400000x128xf32, #tpu.memory_space<hbm>> -> memref<400000x128xf32, #tpu.memory_space<hbm>>
    tpu.wait_indirect_dma semaphore(%arg8 : memref<!tpu.dma_semaphore, #tpu.memory_space<semaphore_mem>>) src(%dma_wait3A_332 : memref<400000x128xf32, #tpu.memory_space<hbm>>) dst(%dma_wait3A_326 : memref<128x128xf32, #tpu.memory_space<vmem>>)
    %add3A_333 = arith.constant 1408 : i32
    %add3A_334 = arith.addi %mul3A_2, %add3A_333 : i32
    %run_scoped3A_335 = arith.constant 1 : i32
    "tpu.region"() ({
      %run_scoped3A_432 = tpu.sem_alloc : memref<!tpu.dma_semaphore, #tpu.memory_space<semaphore_mem>>
      %dma_start3A_433 = arith.constant 0 : i32
      %dma_start3A_434 = arith.constant 0 : i32
      %dma_start3A_435 = tpu.memref_slice %arg6[%run_scoped3A_335, %dma_start3A_433, %dma_start3A_434] : memref<2x128x128xf32, #tpu.memory_space<vmem>> -> memref<1x128x128xf32, #tpu.memory_space<vmem>>
      %dma_start3A_436 = tpu.memref_squeeze %dma_start3A_435 : memref<1x128x128xf32, #tpu.memory_space<vmem>> -> memref<128x128xf32, #tpu.memory_space<vmem>>
      %dma_start3A_437 = arith.constant 0 : i32
      %dma_start3A_438 = tpu.memref_slice %arg4[%add3A_334, %dma_start3A_437] : memref<65536x128xf32, #tpu.memory_space<hbm>> -> memref<128x128xf32, #tpu.memory_space<hbm>>
      %dma_start3A_439 = arith.constant 0 : i32
      %dma_start3A_440 = tpu.memref_slice %arg4[%add3A_334, %dma_start3A_439] : memref<65536x128xf32, #tpu.memory_space<hbm>> -> memref<128x128xf32, #tpu.memory_space<hbm>>
      %dma_start3A_441 = arith.constant 0 : i32
      %dma_start3A_442 = arith.constant 0 : i32
      %dma_start3A_443 = tpu.memref_slice %arg6[%run_scoped3A_335, %dma_start3A_441, %dma_start3A_442] : memref<2x128x128xf32, #tpu.memory_space<vmem>> -> memref<1x128x128xf32, #tpu.memory_space<vmem>>
      %dma_start3A_444 = tpu.memref_squeeze %dma_start3A_443 : memref<1x128x128xf32, #tpu.memory_space<vmem>> -> memref<128x128xf32, #tpu.memory_space<vmem>>
      tpu.enqueue_dma source(%dma_start3A_444 : memref<128x128xf32, #tpu.memory_space<vmem>>) target(%dma_start3A_440 : memref<128x128xf32, #tpu.memory_space<hbm>>) target_semaphore(%run_scoped3A_432 : memref<!tpu.dma_semaphore, #tpu.memory_space<semaphore_mem>>)
      %dma_wait3A_445 = arith.constant 0 : i32
      %dma_wait3A_446 = arith.constant 0 : i32
      %dma_wait3A_447 = tpu.memref_slice %arg6[%run_scoped3A_335, %dma_wait3A_445, %dma_wait3A_446] : memref<2x128x128xf32, #tpu.memory_space<vmem>> -> memref<1x128x128xf32, #tpu.memory_space<vmem>>
      %dma_wait3A_448 = tpu.memref_squeeze %dma_wait3A_447 : memref<1x128x128xf32, #tpu.memory_space<vmem>> -> memref<128x128xf32, #tpu.memory_space<vmem>>
      %dma_wait3A_449 = arith.constant 0 : i32
      %dma_wait3A_450 = tpu.memref_slice %arg4[%add3A_334, %dma_wait3A_449] : memref<65536x128xf32, #tpu.memory_space<hbm>> -> memref<128x128xf32, #tpu.memory_space<hbm>>
      %dma_wait3A_451 = arith.constant 0 : i32
      %dma_wait3A_452 = tpu.memref_slice %arg4[%add3A_334, %dma_wait3A_451] : memref<65536x128xf32, #tpu.memory_space<hbm>> -> memref<128x128xf32, #tpu.memory_space<hbm>>
      %dma_wait3A_453 = arith.constant 0 : i32
      %dma_wait3A_454 = arith.constant 0 : i32
      %dma_wait3A_455 = tpu.memref_slice %arg6[%run_scoped3A_335, %dma_wait3A_453, %dma_wait3A_454] : memref<2x128x128xf32, #tpu.memory_space<vmem>> -> memref<1x128x128xf32, #tpu.memory_space<vmem>>
      %dma_wait3A_456 = tpu.memref_squeeze %dma_wait3A_455 : memref<1x128x128xf32, #tpu.memory_space<vmem>> -> memref<128x128xf32, #tpu.memory_space<vmem>>
      tpu.wait_dma2 semaphore(%run_scoped3A_432 : memref<!tpu.dma_semaphore, #tpu.memory_space<semaphore_mem>>) src(%dma_wait3A_456 : memref<128x128xf32, #tpu.memory_space<vmem>>) dst(%dma_wait3A_452 : memref<128x128xf32, #tpu.memory_space<hbm>>)
      tpu.yield
    }) : () -> ()
    %dma_start3A_336 = arith.constant 13 : i32
    %dma_start3A_337 = arith.constant 1 : i32
    %dma_start3A_338 = arith.constant 0 : i32
    %dma_start3A_339 = arith.constant 0 : i32
    %dma_start3A_340 = tpu.memref_slice %arg6[%dma_start3A_337, %dma_start3A_338, %dma_start3A_339] : memref<2x128x128xf32, #tpu.memory_space<vmem>> -> memref<1x128x128xf32, #tpu.memory_space<vmem>>
    %dma_start3A_341 = tpu.memref_squeeze %dma_start3A_340 : memref<1x128x128xf32, #tpu.memory_space<vmem>> -> memref<128x128xf32, #tpu.memory_space<vmem>>
    %dma_start3A_342 = arith.constant 0 : i32
    %dma_start3A_343 = tpu.memref_slice %arg5[%dma_start3A_336, %dma_start3A_342] : memref<16x128xi32, #tpu.memory_space<vmem>> -> memref<1x128xi32, #tpu.memory_space<vmem>>
    %dma_start3A_344 = tpu.memref_squeeze %dma_start3A_343 : memref<1x128xi32, #tpu.memory_space<vmem>> -> memref<128xi32, #tpu.memory_space<vmem>>
    %dma_start3A_345 = arith.constant 0 : i32
    %dma_start3A_346 = arith.constant 0 : i32
    %dma_start3A_347 = tpu.memref_slice %arg2[%dma_start3A_345, %dma_start3A_346] : memref<400000x128xf32, #tpu.memory_space<hbm>> -> memref<400000x128xf32, #tpu.memory_space<hbm>>
    tpu.enqueue_indirect_dma source(%dma_start3A_347 : memref<400000x128xf32, #tpu.memory_space<hbm>>) target(%dma_start3A_341 : memref<128x128xf32, #tpu.memory_space<vmem>>) offsets(%dma_start3A_344 : memref<128xi32, #tpu.memory_space<vmem>>) semaphore(%arg8 : memref<!tpu.dma_semaphore, #tpu.memory_space<semaphore_mem>>)
    %dma_wait3A_348 = arith.constant 12 : i32
    %dma_wait3A_349 = arith.constant 0 : i32
    %dma_wait3A_350 = arith.constant 0 : i32
    %dma_wait3A_351 = arith.constant 0 : i32
    %dma_wait3A_352 = tpu.memref_slice %arg6[%dma_wait3A_349, %dma_wait3A_350, %dma_wait3A_351] : memref<2x128x128xf32, #tpu.memory_space<vmem>> -> memref<1x128x128xf32, #tpu.memory_space<vmem>>
    %dma_wait3A_353 = tpu.memref_squeeze %dma_wait3A_352 : memref<1x128x128xf32, #tpu.memory_space<vmem>> -> memref<128x128xf32, #tpu.memory_space<vmem>>
    %dma_wait3A_354 = arith.constant 0 : i32
    %dma_wait3A_355 = tpu.memref_slice %arg5[%dma_wait3A_348, %dma_wait3A_354] : memref<16x128xi32, #tpu.memory_space<vmem>> -> memref<1x128xi32, #tpu.memory_space<vmem>>
    %dma_wait3A_356 = tpu.memref_squeeze %dma_wait3A_355 : memref<1x128xi32, #tpu.memory_space<vmem>> -> memref<128xi32, #tpu.memory_space<vmem>>
    %dma_wait3A_357 = arith.constant 0 : i32
    %dma_wait3A_358 = arith.constant 0 : i32
    %dma_wait3A_359 = tpu.memref_slice %arg2[%dma_wait3A_357, %dma_wait3A_358] : memref<400000x128xf32, #tpu.memory_space<hbm>> -> memref<400000x128xf32, #tpu.memory_space<hbm>>
    tpu.wait_indirect_dma semaphore(%arg7 : memref<!tpu.dma_semaphore, #tpu.memory_space<semaphore_mem>>) src(%dma_wait3A_359 : memref<400000x128xf32, #tpu.memory_space<hbm>>) dst(%dma_wait3A_353 : memref<128x128xf32, #tpu.memory_space<vmem>>)
    %add3A_360 = arith.constant 1536 : i32
    %add3A_361 = arith.addi %mul3A_2, %add3A_360 : i32
    %run_scoped3A_362 = arith.constant 0 : i32
    "tpu.region"() ({
      %run_scoped3A_432 = tpu.sem_alloc : memref<!tpu.dma_semaphore, #tpu.memory_space<semaphore_mem>>
      %dma_start3A_433 = arith.constant 0 : i32
      %dma_start3A_434 = arith.constant 0 : i32
      %dma_start3A_435 = tpu.memref_slice %arg6[%run_scoped3A_362, %dma_start3A_433, %dma_start3A_434] : memref<2x128x128xf32, #tpu.memory_space<vmem>> -> memref<1x128x128xf32, #tpu.memory_space<vmem>>
      %dma_start3A_436 = tpu.memref_squeeze %dma_start3A_435 : memref<1x128x128xf32, #tpu.memory_space<vmem>> -> memref<128x128xf32, #tpu.memory_space<vmem>>
      %dma_start3A_437 = arith.constant 0 : i32
      %dma_start3A_438 = tpu.memref_slice %arg4[%add3A_361, %dma_start3A_437] : memref<65536x128xf32, #tpu.memory_space<hbm>> -> memref<128x128xf32, #tpu.memory_space<hbm>>
      %dma_start3A_439 = arith.constant 0 : i32
      %dma_start3A_440 = tpu.memref_slice %arg4[%add3A_361, %dma_start3A_439] : memref<65536x128xf32, #tpu.memory_space<hbm>> -> memref<128x128xf32, #tpu.memory_space<hbm>>
      %dma_start3A_441 = arith.constant 0 : i32
      %dma_start3A_442 = arith.constant 0 : i32
      %dma_start3A_443 = tpu.memref_slice %arg6[%run_scoped3A_362, %dma_start3A_441, %dma_start3A_442] : memref<2x128x128xf32, #tpu.memory_space<vmem>> -> memref<1x128x128xf32, #tpu.memory_space<vmem>>
      %dma_start3A_444 = tpu.memref_squeeze %dma_start3A_443 : memref<1x128x128xf32, #tpu.memory_space<vmem>> -> memref<128x128xf32, #tpu.memory_space<vmem>>
      tpu.enqueue_dma source(%dma_start3A_444 : memref<128x128xf32, #tpu.memory_space<vmem>>) target(%dma_start3A_440 : memref<128x128xf32, #tpu.memory_space<hbm>>) target_semaphore(%run_scoped3A_432 : memref<!tpu.dma_semaphore, #tpu.memory_space<semaphore_mem>>)
      %dma_wait3A_445 = arith.constant 0 : i32
      %dma_wait3A_446 = arith.constant 0 : i32
      %dma_wait3A_447 = tpu.memref_slice %arg6[%run_scoped3A_362, %dma_wait3A_445, %dma_wait3A_446] : memref<2x128x128xf32, #tpu.memory_space<vmem>> -> memref<1x128x128xf32, #tpu.memory_space<vmem>>
      %dma_wait3A_448 = tpu.memref_squeeze %dma_wait3A_447 : memref<1x128x128xf32, #tpu.memory_space<vmem>> -> memref<128x128xf32, #tpu.memory_space<vmem>>
      %dma_wait3A_449 = arith.constant 0 : i32
      %dma_wait3A_450 = tpu.memref_slice %arg4[%add3A_361, %dma_wait3A_449] : memref<65536x128xf32, #tpu.memory_space<hbm>> -> memref<128x128xf32, #tpu.memory_space<hbm>>
      %dma_wait3A_451 = arith.constant 0 : i32
      %dma_wait3A_452 = tpu.memref_slice %arg4[%add3A_361, %dma_wait3A_451] : memref<65536x128xf32, #tpu.memory_space<hbm>> -> memref<128x128xf32, #tpu.memory_space<hbm>>
      %dma_wait3A_453 = arith.constant 0 : i32
      %dma_wait3A_454 = arith.constant 0 : i32
      %dma_wait3A_455 = tpu.memref_slice %arg6[%run_scoped3A_362, %dma_wait3A_453, %dma_wait3A_454] : memref<2x128x128xf32, #tpu.memory_space<vmem>> -> memref<1x128x128xf32, #tpu.memory_space<vmem>>
      %dma_wait3A_456 = tpu.memref_squeeze %dma_wait3A_455 : memref<1x128x128xf32, #tpu.memory_space<vmem>> -> memref<128x128xf32, #tpu.memory_space<vmem>>
      tpu.wait_dma2 semaphore(%run_scoped3A_432 : memref<!tpu.dma_semaphore, #tpu.memory_space<semaphore_mem>>) src(%dma_wait3A_456 : memref<128x128xf32, #tpu.memory_space<vmem>>) dst(%dma_wait3A_452 : memref<128x128xf32, #tpu.memory_space<hbm>>)
      tpu.yield
    }) : () -> ()
    %dma_start3A_363 = arith.constant 14 : i32
    %dma_start3A_364 = arith.constant 0 : i32
    %dma_start3A_365 = arith.constant 0 : i32
    %dma_start3A_366 = arith.constant 0 : i32
    %dma_start3A_367 = tpu.memref_slice %arg6[%dma_start3A_364, %dma_start3A_365, %dma_start3A_366] : memref<2x128x128xf32, #tpu.memory_space<vmem>> -> memref<1x128x128xf32, #tpu.memory_space<vmem>>
    %dma_start3A_368 = tpu.memref_squeeze %dma_start3A_367 : memref<1x128x128xf32, #tpu.memory_space<vmem>> -> memref<128x128xf32, #tpu.memory_space<vmem>>
    %dma_start3A_369 = arith.constant 0 : i32
    %dma_start3A_370 = tpu.memref_slice %arg5[%dma_start3A_363, %dma_start3A_369] : memref<16x128xi32, #tpu.memory_space<vmem>> -> memref<1x128xi32, #tpu.memory_space<vmem>>
    %dma_start3A_371 = tpu.memref_squeeze %dma_start3A_370 : memref<1x128xi32, #tpu.memory_space<vmem>> -> memref<128xi32, #tpu.memory_space<vmem>>
    %dma_start3A_372 = arith.constant 0 : i32
    %dma_start3A_373 = arith.constant 0 : i32
    %dma_start3A_374 = tpu.memref_slice %arg2[%dma_start3A_372, %dma_start3A_373] : memref<400000x128xf32, #tpu.memory_space<hbm>> -> memref<400000x128xf32, #tpu.memory_space<hbm>>
    tpu.enqueue_indirect_dma source(%dma_start3A_374 : memref<400000x128xf32, #tpu.memory_space<hbm>>) target(%dma_start3A_368 : memref<128x128xf32, #tpu.memory_space<vmem>>) offsets(%dma_start3A_371 : memref<128xi32, #tpu.memory_space<vmem>>) semaphore(%arg7 : memref<!tpu.dma_semaphore, #tpu.memory_space<semaphore_mem>>)
    %dma_wait3A_375 = arith.constant 13 : i32
    %dma_wait3A_376 = arith.constant 1 : i32
    %dma_wait3A_377 = arith.constant 0 : i32
    %dma_wait3A_378 = arith.constant 0 : i32
    %dma_wait3A_379 = tpu.memref_slice %arg6[%dma_wait3A_376, %dma_wait3A_377, %dma_wait3A_378] : memref<2x128x128xf32, #tpu.memory_space<vmem>> -> memref<1x128x128xf32, #tpu.memory_space<vmem>>
    %dma_wait3A_380 = tpu.memref_squeeze %dma_wait3A_379 : memref<1x128x128xf32, #tpu.memory_space<vmem>> -> memref<128x128xf32, #tpu.memory_space<vmem>>
    %dma_wait3A_381 = arith.constant 0 : i32
    %dma_wait3A_382 = tpu.memref_slice %arg5[%dma_wait3A_375, %dma_wait3A_381] : memref<16x128xi32, #tpu.memory_space<vmem>> -> memref<1x128xi32, #tpu.memory_space<vmem>>
    %dma_wait3A_383 = tpu.memref_squeeze %dma_wait3A_382 : memref<1x128xi32, #tpu.memory_space<vmem>> -> memref<128xi32, #tpu.memory_space<vmem>>
    %dma_wait3A_384 = arith.constant 0 : i32
    %dma_wait3A_385 = arith.constant 0 : i32
    %dma_wait3A_386 = tpu.memref_slice %arg2[%dma_wait3A_384, %dma_wait3A_385] : memref<400000x128xf32, #tpu.memory_space<hbm>> -> memref<400000x128xf32, #tpu.memory_space<hbm>>
    tpu.wait_indirect_dma semaphore(%arg8 : memref<!tpu.dma_semaphore, #tpu.memory_space<semaphore_mem>>) src(%dma_wait3A_386 : memref<400000x128xf32, #tpu.memory_space<hbm>>) dst(%dma_wait3A_380 : memref<128x128xf32, #tpu.memory_space<vmem>>)
    %add3A_387 = arith.constant 1664 : i32
    %add3A_388 = arith.addi %mul3A_2, %add3A_387 : i32
    %run_scoped3A_389 = arith.constant 1 : i32
    "tpu.region"() ({
      %run_scoped3A_432 = tpu.sem_alloc : memref<!tpu.dma_semaphore, #tpu.memory_space<semaphore_mem>>
      %dma_start3A_433 = arith.constant 0 : i32
      %dma_start3A_434 = arith.constant 0 : i32
      %dma_start3A_435 = tpu.memref_slice %arg6[%run_scoped3A_389, %dma_start3A_433, %dma_start3A_434] : memref<2x128x128xf32, #tpu.memory_space<vmem>> -> memref<1x128x128xf32, #tpu.memory_space<vmem>>
      %dma_start3A_436 = tpu.memref_squeeze %dma_start3A_435 : memref<1x128x128xf32, #tpu.memory_space<vmem>> -> memref<128x128xf32, #tpu.memory_space<vmem>>
      %dma_start3A_437 = arith.constant 0 : i32
      %dma_start3A_438 = tpu.memref_slice %arg4[%add3A_388, %dma_start3A_437] : memref<65536x128xf32, #tpu.memory_space<hbm>> -> memref<128x128xf32, #tpu.memory_space<hbm>>
      %dma_start3A_439 = arith.constant 0 : i32
      %dma_start3A_440 = tpu.memref_slice %arg4[%add3A_388, %dma_start3A_439] : memref<65536x128xf32, #tpu.memory_space<hbm>> -> memref<128x128xf32, #tpu.memory_space<hbm>>
      %dma_start3A_441 = arith.constant 0 : i32
      %dma_start3A_442 = arith.constant 0 : i32
      %dma_start3A_443 = tpu.memref_slice %arg6[%run_scoped3A_389, %dma_start3A_441, %dma_start3A_442] : memref<2x128x128xf32, #tpu.memory_space<vmem>> -> memref<1x128x128xf32, #tpu.memory_space<vmem>>
      %dma_start3A_444 = tpu.memref_squeeze %dma_start3A_443 : memref<1x128x128xf32, #tpu.memory_space<vmem>> -> memref<128x128xf32, #tpu.memory_space<vmem>>
      tpu.enqueue_dma source(%dma_start3A_444 : memref<128x128xf32, #tpu.memory_space<vmem>>) target(%dma_start3A_440 : memref<128x128xf32, #tpu.memory_space<hbm>>) target_semaphore(%run_scoped3A_432 : memref<!tpu.dma_semaphore, #tpu.memory_space<semaphore_mem>>)
      %dma_wait3A_445 = arith.constant 0 : i32
      %dma_wait3A_446 = arith.constant 0 : i32
      %dma_wait3A_447 = tpu.memref_slice %arg6[%run_scoped3A_389, %dma_wait3A_445, %dma_wait3A_446] : memref<2x128x128xf32, #tpu.memory_space<vmem>> -> memref<1x128x128xf32, #tpu.memory_space<vmem>>
      %dma_wait3A_448 = tpu.memref_squeeze %dma_wait3A_447 : memref<1x128x128xf32, #tpu.memory_space<vmem>> -> memref<128x128xf32, #tpu.memory_space<vmem>>
      %dma_wait3A_449 = arith.constant 0 : i32
      %dma_wait3A_450 = tpu.memref_slice %arg4[%add3A_388, %dma_wait3A_449] : memref<65536x128xf32, #tpu.memory_space<hbm>> -> memref<128x128xf32, #tpu.memory_space<hbm>>
      %dma_wait3A_451 = arith.constant 0 : i32
      %dma_wait3A_452 = tpu.memref_slice %arg4[%add3A_388, %dma_wait3A_451] : memref<65536x128xf32, #tpu.memory_space<hbm>> -> memref<128x128xf32, #tpu.memory_space<hbm>>
      %dma_wait3A_453 = arith.constant 0 : i32
      %dma_wait3A_454 = arith.constant 0 : i32
      %dma_wait3A_455 = tpu.memref_slice %arg6[%run_scoped3A_389, %dma_wait3A_453, %dma_wait3A_454] : memref<2x128x128xf32, #tpu.memory_space<vmem>> -> memref<1x128x128xf32, #tpu.memory_space<vmem>>
      %dma_wait3A_456 = tpu.memref_squeeze %dma_wait3A_455 : memref<1x128x128xf32, #tpu.memory_space<vmem>> -> memref<128x128xf32, #tpu.memory_space<vmem>>
      tpu.wait_dma2 semaphore(%run_scoped3A_432 : memref<!tpu.dma_semaphore, #tpu.memory_space<semaphore_mem>>) src(%dma_wait3A_456 : memref<128x128xf32, #tpu.memory_space<vmem>>) dst(%dma_wait3A_452 : memref<128x128xf32, #tpu.memory_space<hbm>>)
      tpu.yield
    }) : () -> ()
    %dma_start3A_390 = arith.constant 15 : i32
    %dma_start3A_391 = arith.constant 1 : i32
    %dma_start3A_392 = arith.constant 0 : i32
    %dma_start3A_393 = arith.constant 0 : i32
    %dma_start3A_394 = tpu.memref_slice %arg6[%dma_start3A_391, %dma_start3A_392, %dma_start3A_393] : memref<2x128x128xf32, #tpu.memory_space<vmem>> -> memref<1x128x128xf32, #tpu.memory_space<vmem>>
    %dma_start3A_395 = tpu.memref_squeeze %dma_start3A_394 : memref<1x128x128xf32, #tpu.memory_space<vmem>> -> memref<128x128xf32, #tpu.memory_space<vmem>>
    %dma_start3A_396 = arith.constant 0 : i32
    %dma_start3A_397 = tpu.memref_slice %arg5[%dma_start3A_390, %dma_start3A_396] : memref<16x128xi32, #tpu.memory_space<vmem>> -> memref<1x128xi32, #tpu.memory_space<vmem>>
    %dma_start3A_398 = tpu.memref_squeeze %dma_start3A_397 : memref<1x128xi32, #tpu.memory_space<vmem>> -> memref<128xi32, #tpu.memory_space<vmem>>
    %dma_start3A_399 = arith.constant 0 : i32
    %dma_start3A_400 = arith.constant 0 : i32
    %dma_start3A_401 = tpu.memref_slice %arg2[%dma_start3A_399, %dma_start3A_400] : memref<400000x128xf32, #tpu.memory_space<hbm>> -> memref<400000x128xf32, #tpu.memory_space<hbm>>
    tpu.enqueue_indirect_dma source(%dma_start3A_401 : memref<400000x128xf32, #tpu.memory_space<hbm>>) target(%dma_start3A_395 : memref<128x128xf32, #tpu.memory_space<vmem>>) offsets(%dma_start3A_398 : memref<128xi32, #tpu.memory_space<vmem>>) semaphore(%arg8 : memref<!tpu.dma_semaphore, #tpu.memory_space<semaphore_mem>>)
    %dma_wait3A_402 = arith.constant 14 : i32
    %dma_wait3A_403 = arith.constant 0 : i32
    %dma_wait3A_404 = arith.constant 0 : i32
    %dma_wait3A_405 = arith.constant 0 : i32
    %dma_wait3A_406 = tpu.memref_slice %arg6[%dma_wait3A_403, %dma_wait3A_404, %dma_wait3A_405] : memref<2x128x128xf32, #tpu.memory_space<vmem>> -> memref<1x128x128xf32, #tpu.memory_space<vmem>>
    %dma_wait3A_407 = tpu.memref_squeeze %dma_wait3A_406 : memref<1x128x128xf32, #tpu.memory_space<vmem>> -> memref<128x128xf32, #tpu.memory_space<vmem>>
    %dma_wait3A_408 = arith.constant 0 : i32
    %dma_wait3A_409 = tpu.memref_slice %arg5[%dma_wait3A_402, %dma_wait3A_408] : memref<16x128xi32, #tpu.memory_space<vmem>> -> memref<1x128xi32, #tpu.memory_space<vmem>>
    %dma_wait3A_410 = tpu.memref_squeeze %dma_wait3A_409 : memref<1x128xi32, #tpu.memory_space<vmem>> -> memref<128xi32, #tpu.memory_space<vmem>>
    %dma_wait3A_411 = arith.constant 0 : i32
    %dma_wait3A_412 = arith.constant 0 : i32
    %dma_wait3A_413 = tpu.memref_slice %arg2[%dma_wait3A_411, %dma_wait3A_412] : memref<400000x128xf32, #tpu.memory_space<hbm>> -> memref<400000x128xf32, #tpu.memory_space<hbm>>
    tpu.wait_indirect_dma semaphore(%arg7 : memref<!tpu.dma_semaphore, #tpu.memory_space<semaphore_mem>>) src(%dma_wait3A_413 : memref<400000x128xf32, #tpu.memory_space<hbm>>) dst(%dma_wait3A_407 : memref<128x128xf32, #tpu.memory_space<vmem>>)
    %add3A_414 = arith.constant 1792 : i32
    %add3A_415 = arith.addi %mul3A_2, %add3A_414 : i32
    %run_scoped3A_416 = arith.constant 0 : i32
    "tpu.region"() ({
      %run_scoped3A_432 = tpu.sem_alloc : memref<!tpu.dma_semaphore, #tpu.memory_space<semaphore_mem>>
      %dma_start3A_433 = arith.constant 0 : i32
      %dma_start3A_434 = arith.constant 0 : i32
      %dma_start3A_435 = tpu.memref_slice %arg6[%run_scoped3A_416, %dma_start3A_433, %dma_start3A_434] : memref<2x128x128xf32, #tpu.memory_space<vmem>> -> memref<1x128x128xf32, #tpu.memory_space<vmem>>
      %dma_start3A_436 = tpu.memref_squeeze %dma_start3A_435 : memref<1x128x128xf32, #tpu.memory_space<vmem>> -> memref<128x128xf32, #tpu.memory_space<vmem>>
      %dma_start3A_437 = arith.constant 0 : i32
      %dma_start3A_438 = tpu.memref_slice %arg4[%add3A_415, %dma_start3A_437] : memref<65536x128xf32, #tpu.memory_space<hbm>> -> memref<128x128xf32, #tpu.memory_space<hbm>>
      %dma_start3A_439 = arith.constant 0 : i32
      %dma_start3A_440 = tpu.memref_slice %arg4[%add3A_415, %dma_start3A_439] : memref<65536x128xf32, #tpu.memory_space<hbm>> -> memref<128x128xf32, #tpu.memory_space<hbm>>
      %dma_start3A_441 = arith.constant 0 : i32
      %dma_start3A_442 = arith.constant 0 : i32
      %dma_start3A_443 = tpu.memref_slice %arg6[%run_scoped3A_416, %dma_start3A_441, %dma_start3A_442] : memref<2x128x128xf32, #tpu.memory_space<vmem>> -> memref<1x128x128xf32, #tpu.memory_space<vmem>>
      %dma_start3A_444 = tpu.memref_squeeze %dma_start3A_443 : memref<1x128x128xf32, #tpu.memory_space<vmem>> -> memref<128x128xf32, #tpu.memory_space<vmem>>
      tpu.enqueue_dma source(%dma_start3A_444 : memref<128x128xf32, #tpu.memory_space<vmem>>) target(%dma_start3A_440 : memref<128x128xf32, #tpu.memory_space<hbm>>) target_semaphore(%run_scoped3A_432 : memref<!tpu.dma_semaphore, #tpu.memory_space<semaphore_mem>>)
      %dma_wait3A_445 = arith.constant 0 : i32
      %dma_wait3A_446 = arith.constant 0 : i32
      %dma_wait3A_447 = tpu.memref_slice %arg6[%run_scoped3A_416, %dma_wait3A_445, %dma_wait3A_446] : memref<2x128x128xf32, #tpu.memory_space<vmem>> -> memref<1x128x128xf32, #tpu.memory_space<vmem>>
      %dma_wait3A_448 = tpu.memref_squeeze %dma_wait3A_447 : memref<1x128x128xf32, #tpu.memory_space<vmem>> -> memref<128x128xf32, #tpu.memory_space<vmem>>
      %dma_wait3A_449 = arith.constant 0 : i32
      %dma_wait3A_450 = tpu.memref_slice %arg4[%add3A_415, %dma_wait3A_449] : memref<65536x128xf32, #tpu.memory_space<hbm>> -> memref<128x128xf32, #tpu.memory_space<hbm>>
      %dma_wait3A_451 = arith.constant 0 : i32
      %dma_wait3A_452 = tpu.memref_slice %arg4[%add3A_415, %dma_wait3A_451] : memref<65536x128xf32, #tpu.memory_space<hbm>> -> memref<128x128xf32, #tpu.memory_space<hbm>>
      %dma_wait3A_453 = arith.constant 0 : i32
      %dma_wait3A_454 = arith.constant 0 : i32
      %dma_wait3A_455 = tpu.memref_slice %arg6[%run_scoped3A_416, %dma_wait3A_453, %dma_wait3A_454] : memref<2x128x128xf32, #tpu.memory_space<vmem>> -> memref<1x128x128xf32, #tpu.memory_space<vmem>>
      %dma_wait3A_456 = tpu.memref_squeeze %dma_wait3A_455 : memref<1x128x128xf32, #tpu.memory_space<vmem>> -> memref<128x128xf32, #tpu.memory_space<vmem>>
      tpu.wait_dma2 semaphore(%run_scoped3A_432 : memref<!tpu.dma_semaphore, #tpu.memory_space<semaphore_mem>>) src(%dma_wait3A_456 : memref<128x128xf32, #tpu.memory_space<vmem>>) dst(%dma_wait3A_452 : memref<128x128xf32, #tpu.memory_space<hbm>>)
      tpu.yield
    }) : () -> ()
    %dma_wait3A_417 = arith.constant 15 : i32
    %dma_wait3A_418 = arith.constant 1 : i32
    %dma_wait3A_419 = arith.constant 0 : i32
    %dma_wait3A_420 = arith.constant 0 : i32
    %dma_wait3A_421 = tpu.memref_slice %arg6[%dma_wait3A_418, %dma_wait3A_419, %dma_wait3A_420] : memref<2x128x128xf32, #tpu.memory_space<vmem>> -> memref<1x128x128xf32, #tpu.memory_space<vmem>>
    %dma_wait3A_422 = tpu.memref_squeeze %dma_wait3A_421 : memref<1x128x128xf32, #tpu.memory_space<vmem>> -> memref<128x128xf32, #tpu.memory_space<vmem>>
    %dma_wait3A_423 = arith.constant 0 : i32
    %dma_wait3A_424 = tpu.memref_slice %arg5[%dma_wait3A_417, %dma_wait3A_423] : memref<16x128xi32, #tpu.memory_space<vmem>> -> memref<1x128xi32, #tpu.memory_space<vmem>>
    %dma_wait3A_425 = tpu.memref_squeeze %dma_wait3A_424 : memref<1x128xi32, #tpu.memory_space<vmem>> -> memref<128xi32, #tpu.memory_space<vmem>>
    %dma_wait3A_426 = arith.constant 0 : i32
    %dma_wait3A_427 = arith.constant 0 : i32
    %dma_wait3A_428 = tpu.memref_slice %arg2[%dma_wait3A_426, %dma_wait3A_427] : memref<400000x128xf32, #tpu.memory_space<hbm>> -> memref<400000x128xf32, #tpu.memory_space<hbm>>
    tpu.wait_indirect_dma semaphore(%arg8 : memref<!tpu.dma_semaphore, #tpu.memory_space<semaphore_mem>>) src(%dma_wait3A_428 : memref<400000x128xf32, #tpu.memory_space<hbm>>) dst(%dma_wait3A_422 : memref<128x128xf32, #tpu.memory_space<vmem>>)
    %add3A_429 = arith.constant 1920 : i32
    %add3A_430 = arith.addi %mul3A_2, %add3A_429 : i32
    %run_scoped3A_431 = arith.constant 1 : i32
    "tpu.region"() ({
      %run_scoped3A_432 = tpu.sem_alloc : memref<!tpu.dma_semaphore, #tpu.memory_space<semaphore_mem>>
      %dma_start3A_433 = arith.constant 0 : i32
      %dma_start3A_434 = arith.constant 0 : i32
      %dma_start3A_435 = tpu.memref_slice %arg6[%run_scoped3A_431, %dma_start3A_433, %dma_start3A_434] : memref<2x128x128xf32, #tpu.memory_space<vmem>> -> memref<1x128x128xf32, #tpu.memory_space<vmem>>
      %dma_start3A_436 = tpu.memref_squeeze %dma_start3A_435 : memref<1x128x128xf32, #tpu.memory_space<vmem>> -> memref<128x128xf32, #tpu.memory_space<vmem>>
      %dma_start3A_437 = arith.constant 0 : i32
      %dma_start3A_438 = tpu.memref_slice %arg4[%add3A_430, %dma_start3A_437] : memref<65536x128xf32, #tpu.memory_space<hbm>> -> memref<128x128xf32, #tpu.memory_space<hbm>>
      %dma_start3A_439 = arith.constant 0 : i32
      %dma_start3A_440 = tpu.memref_slice %arg4[%add3A_430, %dma_start3A_439] : memref<65536x128xf32, #tpu.memory_space<hbm>> -> memref<128x128xf32, #tpu.memory_space<hbm>>
      %dma_start3A_441 = arith.constant 0 : i32
      %dma_start3A_442 = arith.constant 0 : i32
      %dma_start3A_443 = tpu.memref_slice %arg6[%run_scoped3A_431, %dma_start3A_441, %dma_start3A_442] : memref<2x128x128xf32, #tpu.memory_space<vmem>> -> memref<1x128x128xf32, #tpu.memory_space<vmem>>
      %dma_start3A_444 = tpu.memref_squeeze %dma_start3A_443 : memref<1x128x128xf32, #tpu.memory_space<vmem>> -> memref<128x128xf32, #tpu.memory_space<vmem>>
      tpu.enqueue_dma source(%dma_start3A_444 : memref<128x128xf32, #tpu.memory_space<vmem>>) target(%dma_start3A_440 : memref<128x128xf32, #tpu.memory_space<hbm>>) target_semaphore(%run_scoped3A_432 : memref<!tpu.dma_semaphore, #tpu.memory_space<semaphore_mem>>)
      %dma_wait3A_445 = arith.constant 0 : i32
      %dma_wait3A_446 = arith.constant 0 : i32
      %dma_wait3A_447 = tpu.memref_slice %arg6[%run_scoped3A_431, %dma_wait3A_445, %dma_wait3A_446] : memref<2x128x128xf32, #tpu.memory_space<vmem>> -> memref<1x128x128xf32, #tpu.memory_space<vmem>>
      %dma_wait3A_448 = tpu.memref_squeeze %dma_wait3A_447 : memref<1x128x128xf32, #tpu.memory_space<vmem>> -> memref<128x128xf32, #tpu.memory_space<vmem>>
      %dma_wait3A_449 = arith.constant 0 : i32
      %dma_wait3A_450 = tpu.memref_slice %arg4[%add3A_430, %dma_wait3A_449] : memref<65536x128xf32, #tpu.memory_space<hbm>> -> memref<128x128xf32, #tpu.memory_space<hbm>>
      %dma_wait3A_451 = arith.constant 0 : i32
      %dma_wait3A_452 = tpu.memref_slice %arg4[%add3A_430, %dma_wait3A_451] : memref<65536x128xf32, #tpu.memory_space<hbm>> -> memref<128x128xf32, #tpu.memory_space<hbm>>
      %dma_wait3A_453 = arith.constant 0 : i32
      %dma_wait3A_454 = arith.constant 0 : i32
      %dma_wait3A_455 = tpu.memref_slice %arg6[%run_scoped3A_431, %dma_wait3A_453, %dma_wait3A_454] : memref<2x128x128xf32, #tpu.memory_space<vmem>> -> memref<1x128x128xf32, #tpu.memory_space<vmem>>
      %dma_wait3A_456 = tpu.memref_squeeze %dma_wait3A_455 : memref<1x128x128xf32, #tpu.memory_space<vmem>> -> memref<128x128xf32, #tpu.memory_space<vmem>>
      tpu.wait_dma2 semaphore(%run_scoped3A_432 : memref<!tpu.dma_semaphore, #tpu.memory_space<semaphore_mem>>) src(%dma_wait3A_456 : memref<128x128xf32, #tpu.memory_space<vmem>>) dst(%dma_wait3A_452 : memref<128x128xf32, #tpu.memory_space<hbm>>)
      tpu.yield
    }) : () -> ()
    return
  }
}

module attributes {stable_mosaic.version = 14 : i64} {
  func.func @_transpose_body(%arg0: i32, %arg1: memref<64x16000xf32, #tpu.memory_space<vmem>>, %arg2: memref<16000x128xf32, #tpu.memory_space<vmem>>) attributes {dimension_semantics = [#tpu.dimension_semantics<arbitrary>], iteration_bounds = array<i64: 25>, scalar_prefetch = 0 : i64, scratch_operands = 0 : i64, tpu.core_type = #tpu.core_type<tc>, window_params = [{transform_indices = @transform_0, window_bounds = array<i64: 64, 16000>}, {transform_indices = @transform_1, window_bounds = array<i64: 16000, 128>}]} {
    %get3A = arith.constant 0 : index
    %get3A_0 = arith.constant 0 : index
    %get3A_1 = vector.load %arg1[%get3A, %get3A_0] : memref<64x16000xf32, #tpu.memory_space<vmem>>, vector<64x16000xf32>
    %transpose3A = tpu.transpose %get3A_1, [1, 0] : vector<64x16000xf32> -> vector<16000x64xf32>
    %swap3A = arith.constant 0 : index
    %swap3A_2 = arith.constant 0 : index
    %swap3A_3 = vector.load %arg2[%swap3A, %swap3A_2] : memref<16000x128xf32, #tpu.memory_space<vmem>>, vector<16000x64xf32>
    tpu.vector_store %arg2[%swap3A, %swap3A_2], %transpose3A {strides = array<i32>} : memref<16000x128xf32, #tpu.memory_space<vmem>>, vector<16000x64xf32>,
    return
  }
  func.func @transform_0(%arg0: i32) -> (i32, i32) {
    %c0_i32 = arith.constant 0 : i32
    %c0_i32_0 = arith.constant 0 : i32
    return %c0_i32, %arg0 : i32, i32
  }
  func.func @transform_1(%arg0: i32) -> (i32, i32) {
    %c0_i32 = arith.constant 0 : i32
    %c0_i32_0 = arith.constant 0 : i32
    return %arg0, %c0_i32 : i32, i32
  }
}

module attributes {stable_mosaic.version = 14 : i64} {
  func.func @_mlp_body(%arg0: i32, %arg1: memref<2048x128xf32, #tpu.memory_space<vmem>>, %arg2: memref<2048x16xf32, #tpu.memory_space<vmem>>, %arg3: memref<2048x16xi32, #tpu.memory_space<vmem>>, %arg4: memref<74x512xbf16, #tpu.memory_space<vmem>>, %arg5: memref<512x1024xbf16, #tpu.memory_space<vmem>>, %arg6: memref<1x1024xf32, #tpu.memory_space<vmem>>, %arg7: memref<1024x1024xbf16, #tpu.memory_space<vmem>>, %arg8: memref<1x1024xf32, #tpu.memory_space<vmem>>, %arg9: memref<1x1024xf32, #tpu.memory_space<vmem>>, %arg10: memref<1x1024xf32, #tpu.memory_space<vmem>>, %arg11: memref<2048x1024xf32, #tpu.memory_space<vmem>>) attributes {dimension_semantics = [#tpu.dimension_semantics<arbitrary>], iteration_bounds = array<i64: 32>, scalar_prefetch = 0 : i64, scratch_operands = 0 : i64, tpu.core_type = #tpu.core_type<tc>, window_params = [{transform_indices = @transform_0, window_bounds = array<i64: 2048, 128>}, {transform_indices = @transform_1, window_bounds = array<i64: 2048, 16>}, {transform_indices = @transform_2, window_bounds = array<i64: 2048, 16>}, {pipeline_mode = #tpu.pipeline_mode<synchronous>, transform_indices = @transform_3, window_bounds = array<i64: 74, 512>}, {pipeline_mode = #tpu.pipeline_mode<synchronous>, transform_indices = @transform_4, window_bounds = array<i64: 512, 1024>}, {pipeline_mode = #tpu.pipeline_mode<synchronous>, transform_indices = @transform_5, window_bounds = array<i64: 1, 1024>}, {pipeline_mode = #tpu.pipeline_mode<synchronous>, transform_indices = @transform_6, window_bounds = array<i64: 1024, 1024>}, {pipeline_mode = #tpu.pipeline_mode<synchronous>, transform_indices = @transform_7, window_bounds = array<i64: 1, 1024>}, {pipeline_mode = #tpu.pipeline_mode<synchronous>, transform_indices = @transform_8, window_bounds = array<i64: 1, 1024>}, {pipeline_mode = #tpu.pipeline_mode<synchronous>, transform_indices = @transform_9, window_bounds = array<i64: 1, 1024>}, {transform_indices = @transform_10, window_bounds = array<i64: 2048, 1024>}]} {
    %get3A = arith.constant 0 : index
    %get3A_0 = arith.constant 0 : index
    %get3A_1 = vector.load %arg4[%get3A, %get3A_0] : memref<74x512xbf16, #tpu.memory_space<vmem>>, vector<74x512xbf16>
    %get3A_2 = arith.constant 0 : index
    %get3A_3 = arith.constant 0 : index
    %get3A_4 = vector.load %arg5[%get3A_2, %get3A_3] : memref<512x1024xbf16, #tpu.memory_space<vmem>>, vector<512x1024xbf16>
    %get3A_5 = arith.constant 0 : index
    %get3A_6 = arith.constant 0 : index
    %get3A_7 = vector.load %arg7[%get3A_5, %get3A_6] : memref<1024x1024xbf16, #tpu.memory_space<vmem>>, vector<1024x1024xbf16>
    %get3A_8 = arith.constant 0 : index
    %get3A_9 = arith.constant 0 : index
    %get3A_10 = vector.load %arg6[%get3A_8, %get3A_9] : memref<1x1024xf32, #tpu.memory_space<vmem>>, vector<1x1024xf32>
    %convert_element_type3A = arith.truncf %get3A_10 : vector<1x1024xf32> to vector<1x1024xbf16>
    %get3A_11 = arith.constant 0 : index
    %get3A_12 = arith.constant 0 : index
    %get3A_13 = vector.load %arg8[%get3A_11, %get3A_12] : memref<1x1024xf32, #tpu.memory_space<vmem>>, vector<1x1024xf32>
    %get3A_14 = arith.constant 0 : index
    %get3A_15 = arith.constant 0 : index
    %get3A_16 = vector.load %arg9[%get3A_14, %get3A_15] : memref<1x1024xf32, #tpu.memory_space<vmem>>, vector<1x1024xf32>
    %get3A_17 = arith.constant 0 : index
    %get3A_18 = arith.constant 0 : index
    %get3A_19 = vector.load %arg10[%get3A_17, %get3A_18] : memref<1x1024xf32, #tpu.memory_space<vmem>>, vector<1x1024xf32>
    %get3A_20 = arith.constant 0 : index
    %get3A_21 = arith.constant 0 : index
    %get3A_22 = vector.load %arg1[%get3A_20, %get3A_21] : memref<2048x128xf32, #tpu.memory_space<vmem>>, vector<256x64xf32>
    %convert_element_type3A_23 = arith.truncf %get3A_22 : vector<256x64xf32> to vector<256x64xbf16>
    %get3A_24 = arith.constant 0 : index
    %get3A_25 = arith.constant 0 : index
    %get3A_26 = vector.load %arg2[%get3A_24, %get3A_25] : memref<2048x16xf32, #tpu.memory_space<vmem>>, vector<256x4xf32>
    %convert_element_type3A_27 = arith.truncf %get3A_26 : vector<256x4xf32> to vector<256x4xbf16>
    %get3A_28 = arith.constant 0 : index
    %get3A_29 = arith.constant 0 : index
    %get3A_30 = vector.load %arg3[%get3A_28, %get3A_29] : memref<2048x16xi32, #tpu.memory_space<vmem>>, vector<256x3xi32>
    %slice3A = vector.extract_strided_slice %get3A_30 {offsets = [0, 0], sizes = [256, 1], strides = [1, 1]} : vector<256x3xi32> to vector<256x1xi32>
    %slice3A_31 = vector.extract_strided_slice %get3A_30 {offsets = [0, 1], sizes = [256, 1], strides = [1, 1]} : vector<256x3xi32> to vector<256x1xi32>
    %eq3A = arith.cmpi eq, %slice3A, %slice3A_31 : vector<256x1xi32>
    %convert_element_type3A_32 = arith.extui %eq3A : vector<256x1xi1> to vector<256x1xi32>
    %convert_element_type3A_33 = arith.sitofp %convert_element_type3A_32 : vector<256x1xi32> to vector<256x1xf32>
    %convert_element_type3A_34 = arith.truncf %convert_element_type3A_33 : vector<256x1xf32> to vector<256x1xbf16>
    %iota3A = tpu.iota {dimensions = array<i32: 1>} : vector<256x4xi32>
    %slice3A_35 = vector.extract_strided_slice %get3A_30 {offsets = [0, 2], sizes = [256, 1], strides = [1, 1]} : vector<256x3xi32> to vector<256x1xi32>
    %eq3A_36 = vector.broadcast %slice3A_35 : vector<256x1xi32> to vector<256x4xi32>
    %eq3A_37 = arith.cmpi eq, %eq3A_36, %iota3A : vector<256x4xi32>
    %convert_element_type3A_38 = arith.extui %eq3A_37 : vector<256x4xi1> to vector<256x4xi32>
    %convert_element_type3A_39 = arith.sitofp %convert_element_type3A_38 : vector<256x4xi32> to vector<256x4xf32>
    %convert_element_type3A_40 = arith.truncf %convert_element_type3A_39 : vector<256x4xf32> to vector<256x4xbf16>
    %broadcast_in_dim3A = arith.constant 1.000000e+00 : bf16
    %broadcast_in_dim3A_41 = vector.broadcast %broadcast_in_dim3A : bf16 to vector<256x1xbf16>
    %concatenate3A = tpu.concatenate %convert_element_type3A_27, %convert_element_type3A_34, %convert_element_type3A_40, %broadcast_in_dim3A_41 in 1 : vector<256x4xbf16>, vector<256x1xbf16>, vector<256x4xbf16>, vector<256x1xbf16> -> vector<256x10xbf16>
    %concatenate3A_42 = tpu.concatenate %convert_element_type3A_23, %concatenate3A in 1 : vector<256x64xbf16>, vector<256x10xbf16> -> vector<256x74xbf16>
    %dot_general3A = arith.constant dense<0.000000e+00> : vector<256x512xf32>
    %dot_general3A_43 = tpu.matmul %concatenate3A_42, %get3A_1, %dot_general3A {dimension_numbers = #tpu.dot_dimension_numbers<[1], [0], [0], [1], [0, 0, 1, 1], [], []>, transpose_lhs_hint = false} : vector<256x74xbf16>, vector<74x512xbf16>, vector<256x512xf32> -> vector<256x512xf32>
    %convert_element_type3A_44 = arith.truncf %dot_general3A_43 : vector<256x512xf32> to vector<256x512xbf16>
    %ge3A = arith.constant 0.000000e+00 : bf16
    %ge3A_45 = vector.broadcast %ge3A : bf16 to vector<256x512xbf16>
    %ge3A_46 = arith.cmpf oge, %convert_element_type3A_44, %ge3A_45 : vector<256x512xbf16>
    %mul3A = arith.constant 1.000980e-02 : bf16
    %mul3A_47 = vector.broadcast %mul3A : bf16 to vector<256x512xbf16>
    %mul3A_48 = arith.mulf %mul3A_47, %convert_element_type3A_44 : vector<256x512xbf16>
    %select_n3A = arith.select %ge3A_46, %convert_element_type3A_44, %mul3A_48 : vector<256x512xi1>, vector<256x512xbf16>
    %dot_general3A_49 = arith.constant dense<0.000000e+00> : vector<256x1024xf32>
    %dot_general3A_50 = tpu.matmul %select_n3A, %get3A_4, %dot_general3A_49 {dimension_numbers = #tpu.dot_dimension_numbers<[1], [0], [0], [1], [0, 0, 1, 1], [], []>, transpose_lhs_hint = false} : vector<256x512xbf16>, vector<512x1024xbf16>, vector<256x1024xf32> -> vector<256x1024xf32>
    %convert_element_type3A_51 = arith.truncf %dot_general3A_50 : vector<256x1024xf32> to vector<256x1024xbf16>
    %add3A = vector.broadcast %convert_element_type3A : vector<1x1024xbf16> to vector<256x1024xbf16>
    %add3A_52 = arith.addf %convert_element_type3A_51, %add3A : vector<256x1024xbf16>
    %ge3A_53 = arith.constant 0.000000e+00 : bf16
    %ge3A_54 = vector.broadcast %ge3A_53 : bf16 to vector<256x1024xbf16>
    %ge3A_55 = arith.cmpf oge, %add3A_52, %ge3A_54 : vector<256x1024xbf16>
    %mul3A_56 = arith.constant 1.000980e-02 : bf16
    %mul3A_57 = vector.broadcast %mul3A_56 : bf16 to vector<256x1024xbf16>
    %mul3A_58 = arith.mulf %mul3A_57, %add3A_52 : vector<256x1024xbf16>
    %select_n3A_59 = arith.select %ge3A_55, %add3A_52, %mul3A_58 : vector<256x1024xi1>, vector<256x1024xbf16>
    %dot_general3A_60 = arith.constant dense<0.000000e+00> : vector<256x1024xf32>
    %dot_general3A_61 = tpu.matmul %select_n3A_59, %get3A_7, %dot_general3A_60 {dimension_numbers = #tpu.dot_dimension_numbers<[1], [0], [0], [1], [0, 0, 1, 1], [], []>, transpose_lhs_hint = false} : vector<256x1024xbf16>, vector<1024x1024xbf16>, vector<256x1024xf32> -> vector<256x1024xf32>
    %add3A_62 = vector.broadcast %get3A_13 : vector<1x1024xf32> to vector<256x1024xf32>
    %add3A_63 = arith.addf %dot_general3A_61, %add3A_62 : vector<256x1024xf32>
    %reduce_sum3A = arith.constant dense<0.000000e+00> : vector<256xf32>
    %reduce_sum3A_64 = vector.multi_reduction <add>, %add3A_63, %reduce_sum3A [1] : vector<256x1024xf32> to vector<256xf32>
    %broadcast_in_dim3A_65 = vector.shape_cast %reduce_sum3A_64 : vector<256xf32> to vector<256x1xf32>
    %div3A = arith.constant 1.024000e+03 : f32
    %div3A_66 = vector.broadcast %div3A : f32 to vector<256x1xf32>
    %div3A_67 = arith.divf %broadcast_in_dim3A_65, %div3A_66 : vector<256x1xf32>
    %sub3A = vector.broadcast %div3A_67 : vector<256x1xf32> to vector<256x1024xf32>
    %sub3A_68 = arith.subf %add3A_63, %sub3A : vector<256x1024xf32>
    %mul3A_69 = arith.mulf %sub3A_68, %sub3A_68 : vector<256x1024xf32>
    %reduce_sum3A_70 = arith.constant dense<0.000000e+00> : vector<256xf32>
    %reduce_sum3A_71 = vector.multi_reduction <add>, %mul3A_69, %reduce_sum3A_70 [1] : vector<256x1024xf32> to vector<256xf32>
    %broadcast_in_dim3A_72 = vector.shape_cast %reduce_sum3A_71 : vector<256xf32> to vector<256x1xf32>
    %div3A_73 = arith.constant 1.024000e+03 : f32
    %div3A_74 = vector.broadcast %div3A_73 : f32 to vector<256x1xf32>
    %div3A_75 = arith.divf %broadcast_in_dim3A_72, %div3A_74 : vector<256x1xf32>
    %add3A_76 = arith.constant 1.000000e-15 : f32
    %add3A_77 = vector.broadcast %add3A_76 : f32 to vector<256x1xf32>
    %add3A_78 = arith.addf %div3A_75, %add3A_77 : vector<256x1xf32>
    %rsqrt3A = math.rsqrt %add3A_78 : vector<256x1xf32>
    %mul3A_79 = vector.broadcast %rsqrt3A : vector<256x1xf32> to vector<256x1024xf32>
    %mul3A_80 = arith.mulf %sub3A_68, %mul3A_79 : vector<256x1024xf32>
    %mul3A_81 = vector.broadcast %get3A_16 : vector<1x1024xf32> to vector<256x1024xf32>
    %mul3A_82 = arith.mulf %mul3A_80, %mul3A_81 : vector<256x1024xf32>
    %add3A_83 = vector.broadcast %get3A_19 : vector<1x1024xf32> to vector<256x1024xf32>
    %add3A_84 = arith.addf %mul3A_82, %add3A_83 : vector<256x1024xf32>
    %swap3A = arith.constant 0 : index
    %swap3A_85 = arith.constant 0 : index
    %swap3A_86 = vector.load %arg11[%swap3A, %swap3A_85] : memref<2048x1024xf32, #tpu.memory_space<vmem>>, vector<256x1024xf32>
    tpu.vector_store %arg11[%swap3A, %swap3A_85], %add3A_84 {strides = array<i32>} : memref<2048x1024xf32, #tpu.memory_space<vmem>>, vector<256x1024xf32>,
    %get3A_87 = arith.constant 256 : index
    %get3A_88 = arith.constant 0 : index
    %get3A_89 = vector.load %arg1[%get3A_87, %get3A_88] : memref<2048x128xf32, #tpu.memory_space<vmem>>, vector<256x64xf32>
    %convert_element_type3A_90 = arith.truncf %get3A_89 : vector<256x64xf32> to vector<256x64xbf16>
    %get3A_91 = arith.constant 256 : index
    %get3A_92 = arith.constant 0 : index
    %get3A_93 = vector.load %arg2[%get3A_91, %get3A_92] : memref<2048x16xf32, #tpu.memory_space<vmem>>, vector<256x4xf32>
    %convert_element_type3A_94 = arith.truncf %get3A_93 : vector<256x4xf32> to vector<256x4xbf16>
    %get3A_95 = arith.constant 256 : index
    %get3A_96 = arith.constant 0 : index
    %get3A_97 = vector.load %arg3[%get3A_95, %get3A_96] : memref<2048x16xi32, #tpu.memory_space<vmem>>, vector<256x3xi32>
    %slice3A_98 = vector.extract_strided_slice %get3A_97 {offsets = [0, 0], sizes = [256, 1], strides = [1, 1]} : vector<256x3xi32> to vector<256x1xi32>
    %slice3A_99 = vector.extract_strided_slice %get3A_97 {offsets = [0, 1], sizes = [256, 1], strides = [1, 1]} : vector<256x3xi32> to vector<256x1xi32>
    %eq3A_100 = arith.cmpi eq, %slice3A_98, %slice3A_99 : vector<256x1xi32>
    %convert_element_type3A_101 = arith.extui %eq3A_100 : vector<256x1xi1> to vector<256x1xi32>
    %convert_element_type3A_102 = arith.sitofp %convert_element_type3A_101 : vector<256x1xi32> to vector<256x1xf32>
    %convert_element_type3A_103 = arith.truncf %convert_element_type3A_102 : vector<256x1xf32> to vector<256x1xbf16>
    %iota3A_104 = tpu.iota {dimensions = array<i32: 1>} : vector<256x4xi32>
    %slice3A_105 = vector.extract_strided_slice %get3A_97 {offsets = [0, 2], sizes = [256, 1], strides = [1, 1]} : vector<256x3xi32> to vector<256x1xi32>
    %eq3A_106 = vector.broadcast %slice3A_105 : vector<256x1xi32> to vector<256x4xi32>
    %eq3A_107 = arith.cmpi eq, %eq3A_106, %iota3A_104 : vector<256x4xi32>
    %convert_element_type3A_108 = arith.extui %eq3A_107 : vector<256x4xi1> to vector<256x4xi32>
    %convert_element_type3A_109 = arith.sitofp %convert_element_type3A_108 : vector<256x4xi32> to vector<256x4xf32>
    %convert_element_type3A_110 = arith.truncf %convert_element_type3A_109 : vector<256x4xf32> to vector<256x4xbf16>
    %broadcast_in_dim3A_111 = arith.constant 1.000000e+00 : bf16
    %broadcast_in_dim3A_112 = vector.broadcast %broadcast_in_dim3A_111 : bf16 to vector<256x1xbf16>
    %concatenate3A_113 = tpu.concatenate %convert_element_type3A_94, %convert_element_type3A_103, %convert_element_type3A_110, %broadcast_in_dim3A_112 in 1 : vector<256x4xbf16>, vector<256x1xbf16>, vector<256x4xbf16>, vector<256x1xbf16> -> vector<256x10xbf16>
    %concatenate3A_114 = tpu.concatenate %convert_element_type3A_90, %concatenate3A_113 in 1 : vector<256x64xbf16>, vector<256x10xbf16> -> vector<256x74xbf16>
    %dot_general3A_115 = arith.constant dense<0.000000e+00> : vector<256x512xf32>
    %dot_general3A_116 = tpu.matmul %concatenate3A_114, %get3A_1, %dot_general3A_115 {dimension_numbers = #tpu.dot_dimension_numbers<[1], [0], [0], [1], [0, 0, 1, 1], [], []>, transpose_lhs_hint = false} : vector<256x74xbf16>, vector<74x512xbf16>, vector<256x512xf32> -> vector<256x512xf32>
    %convert_element_type3A_117 = arith.truncf %dot_general3A_116 : vector<256x512xf32> to vector<256x512xbf16>
    %ge3A_118 = arith.constant 0.000000e+00 : bf16
    %ge3A_119 = vector.broadcast %ge3A_118 : bf16 to vector<256x512xbf16>
    %ge3A_120 = arith.cmpf oge, %convert_element_type3A_117, %ge3A_119 : vector<256x512xbf16>
    %mul3A_121 = arith.constant 1.000980e-02 : bf16
    %mul3A_122 = vector.broadcast %mul3A_121 : bf16 to vector<256x512xbf16>
    %mul3A_123 = arith.mulf %mul3A_122, %convert_element_type3A_117 : vector<256x512xbf16>
    %select_n3A_124 = arith.select %ge3A_120, %convert_element_type3A_117, %mul3A_123 : vector<256x512xi1>, vector<256x512xbf16>
    %dot_general3A_125 = arith.constant dense<0.000000e+00> : vector<256x1024xf32>
    %dot_general3A_126 = tpu.matmul %select_n3A_124, %get3A_4, %dot_general3A_125 {dimension_numbers = #tpu.dot_dimension_numbers<[1], [0], [0], [1], [0, 0, 1, 1], [], []>, transpose_lhs_hint = false} : vector<256x512xbf16>, vector<512x1024xbf16>, vector<256x1024xf32> -> vector<256x1024xf32>
    %convert_element_type3A_127 = arith.truncf %dot_general3A_126 : vector<256x1024xf32> to vector<256x1024xbf16>
    %add3A_128 = vector.broadcast %convert_element_type3A : vector<1x1024xbf16> to vector<256x1024xbf16>
    %add3A_129 = arith.addf %convert_element_type3A_127, %add3A_128 : vector<256x1024xbf16>
    %ge3A_130 = arith.constant 0.000000e+00 : bf16
    %ge3A_131 = vector.broadcast %ge3A_130 : bf16 to vector<256x1024xbf16>
    %ge3A_132 = arith.cmpf oge, %add3A_129, %ge3A_131 : vector<256x1024xbf16>
    %mul3A_133 = arith.constant 1.000980e-02 : bf16
    %mul3A_134 = vector.broadcast %mul3A_133 : bf16 to vector<256x1024xbf16>
    %mul3A_135 = arith.mulf %mul3A_134, %add3A_129 : vector<256x1024xbf16>
    %select_n3A_136 = arith.select %ge3A_132, %add3A_129, %mul3A_135 : vector<256x1024xi1>, vector<256x1024xbf16>
    %dot_general3A_137 = arith.constant dense<0.000000e+00> : vector<256x1024xf32>
    %dot_general3A_138 = tpu.matmul %select_n3A_136, %get3A_7, %dot_general3A_137 {dimension_numbers = #tpu.dot_dimension_numbers<[1], [0], [0], [1], [0, 0, 1, 1], [], []>, transpose_lhs_hint = false} : vector<256x1024xbf16>, vector<1024x1024xbf16>, vector<256x1024xf32> -> vector<256x1024xf32>
    %add3A_139 = vector.broadcast %get3A_13 : vector<1x1024xf32> to vector<256x1024xf32>
    %add3A_140 = arith.addf %dot_general3A_138, %add3A_139 : vector<256x1024xf32>
    %reduce_sum3A_141 = arith.constant dense<0.000000e+00> : vector<256xf32>
    %reduce_sum3A_142 = vector.multi_reduction <add>, %add3A_140, %reduce_sum3A_141 [1] : vector<256x1024xf32> to vector<256xf32>
    %broadcast_in_dim3A_143 = vector.shape_cast %reduce_sum3A_142 : vector<256xf32> to vector<256x1xf32>
    %div3A_144 = arith.constant 1.024000e+03 : f32
    %div3A_145 = vector.broadcast %div3A_144 : f32 to vector<256x1xf32>
    %div3A_146 = arith.divf %broadcast_in_dim3A_143, %div3A_145 : vector<256x1xf32>
    %sub3A_147 = vector.broadcast %div3A_146 : vector<256x1xf32> to vector<256x1024xf32>
    %sub3A_148 = arith.subf %add3A_140, %sub3A_147 : vector<256x1024xf32>
    %mul3A_149 = arith.mulf %sub3A_148, %sub3A_148 : vector<256x1024xf32>
    %reduce_sum3A_150 = arith.constant dense<0.000000e+00> : vector<256xf32>
    %reduce_sum3A_151 = vector.multi_reduction <add>, %mul3A_149, %reduce_sum3A_150 [1] : vector<256x1024xf32> to vector<256xf32>
    %broadcast_in_dim3A_152 = vector.shape_cast %reduce_sum3A_151 : vector<256xf32> to vector<256x1xf32>
    %div3A_153 = arith.constant 1.024000e+03 : f32
    %div3A_154 = vector.broadcast %div3A_153 : f32 to vector<256x1xf32>
    %div3A_155 = arith.divf %broadcast_in_dim3A_152, %div3A_154 : vector<256x1xf32>
    %add3A_156 = arith.constant 1.000000e-15 : f32
    %add3A_157 = vector.broadcast %add3A_156 : f32 to vector<256x1xf32>
    %add3A_158 = arith.addf %div3A_155, %add3A_157 : vector<256x1xf32>
    %rsqrt3A_159 = math.rsqrt %add3A_158 : vector<256x1xf32>
    %mul3A_160 = vector.broadcast %rsqrt3A_159 : vector<256x1xf32> to vector<256x1024xf32>
    %mul3A_161 = arith.mulf %sub3A_148, %mul3A_160 : vector<256x1024xf32>
    %mul3A_162 = vector.broadcast %get3A_16 : vector<1x1024xf32> to vector<256x1024xf32>
    %mul3A_163 = arith.mulf %mul3A_161, %mul3A_162 : vector<256x1024xf32>
    %add3A_164 = vector.broadcast %get3A_19 : vector<1x1024xf32> to vector<256x1024xf32>
    %add3A_165 = arith.addf %mul3A_163, %add3A_164 : vector<256x1024xf32>
    %swap3A_166 = arith.constant 256 : index
    %swap3A_167 = arith.constant 0 : index
    %swap3A_168 = vector.load %arg11[%swap3A_166, %swap3A_167] : memref<2048x1024xf32, #tpu.memory_space<vmem>>, vector<256x1024xf32>
    tpu.vector_store %arg11[%swap3A_166, %swap3A_167], %add3A_165 {strides = array<i32>} : memref<2048x1024xf32, #tpu.memory_space<vmem>>, vector<256x1024xf32>,
    %get3A_169 = arith.constant 512 : index
    %get3A_170 = arith.constant 0 : index
    %get3A_171 = vector.load %arg1[%get3A_169, %get3A_170] : memref<2048x128xf32, #tpu.memory_space<vmem>>, vector<256x64xf32>
    %convert_element_type3A_172 = arith.truncf %get3A_171 : vector<256x64xf32> to vector<256x64xbf16>
    %get3A_173 = arith.constant 512 : index
    %get3A_174 = arith.constant 0 : index
    %get3A_175 = vector.load %arg2[%get3A_173, %get3A_174] : memref<2048x16xf32, #tpu.memory_space<vmem>>, vector<256x4xf32>
    %convert_element_type3A_176 = arith.truncf %get3A_175 : vector<256x4xf32> to vector<256x4xbf16>
    %get3A_177 = arith.constant 512 : index
    %get3A_178 = arith.constant 0 : index
    %get3A_179 = vector.load %arg3[%get3A_177, %get3A_178] : memref<2048x16xi32, #tpu.memory_space<vmem>>, vector<256x3xi32>
    %slice3A_180 = vector.extract_strided_slice %get3A_179 {offsets = [0, 0], sizes = [256, 1], strides = [1, 1]} : vector<256x3xi32> to vector<256x1xi32>
    %slice3A_181 = vector.extract_strided_slice %get3A_179 {offsets = [0, 1], sizes = [256, 1], strides = [1, 1]} : vector<256x3xi32> to vector<256x1xi32>
    %eq3A_182 = arith.cmpi eq, %slice3A_180, %slice3A_181 : vector<256x1xi32>
    %convert_element_type3A_183 = arith.extui %eq3A_182 : vector<256x1xi1> to vector<256x1xi32>
    %convert_element_type3A_184 = arith.sitofp %convert_element_type3A_183 : vector<256x1xi32> to vector<256x1xf32>
    %convert_element_type3A_185 = arith.truncf %convert_element_type3A_184 : vector<256x1xf32> to vector<256x1xbf16>
    %iota3A_186 = tpu.iota {dimensions = array<i32: 1>} : vector<256x4xi32>
    %slice3A_187 = vector.extract_strided_slice %get3A_179 {offsets = [0, 2], sizes = [256, 1], strides = [1, 1]} : vector<256x3xi32> to vector<256x1xi32>
    %eq3A_188 = vector.broadcast %slice3A_187 : vector<256x1xi32> to vector<256x4xi32>
    %eq3A_189 = arith.cmpi eq, %eq3A_188, %iota3A_186 : vector<256x4xi32>
    %convert_element_type3A_190 = arith.extui %eq3A_189 : vector<256x4xi1> to vector<256x4xi32>
    %convert_element_type3A_191 = arith.sitofp %convert_element_type3A_190 : vector<256x4xi32> to vector<256x4xf32>
    %convert_element_type3A_192 = arith.truncf %convert_element_type3A_191 : vector<256x4xf32> to vector<256x4xbf16>
    %broadcast_in_dim3A_193 = arith.constant 1.000000e+00 : bf16
    %broadcast_in_dim3A_194 = vector.broadcast %broadcast_in_dim3A_193 : bf16 to vector<256x1xbf16>
    %concatenate3A_195 = tpu.concatenate %convert_element_type3A_176, %convert_element_type3A_185, %convert_element_type3A_192, %broadcast_in_dim3A_194 in 1 : vector<256x4xbf16>, vector<256x1xbf16>, vector<256x4xbf16>, vector<256x1xbf16> -> vector<256x10xbf16>
    %concatenate3A_196 = tpu.concatenate %convert_element_type3A_172, %concatenate3A_195 in 1 : vector<256x64xbf16>, vector<256x10xbf16> -> vector<256x74xbf16>
    %dot_general3A_197 = arith.constant dense<0.000000e+00> : vector<256x512xf32>
    %dot_general3A_198 = tpu.matmul %concatenate3A_196, %get3A_1, %dot_general3A_197 {dimension_numbers = #tpu.dot_dimension_numbers<[1], [0], [0], [1], [0, 0, 1, 1], [], []>, transpose_lhs_hint = false} : vector<256x74xbf16>, vector<74x512xbf16>, vector<256x512xf32> -> vector<256x512xf32>
    %convert_element_type3A_199 = arith.truncf %dot_general3A_198 : vector<256x512xf32> to vector<256x512xbf16>
    %ge3A_200 = arith.constant 0.000000e+00 : bf16
    %ge3A_201 = vector.broadcast %ge3A_200 : bf16 to vector<256x512xbf16>
    %ge3A_202 = arith.cmpf oge, %convert_element_type3A_199, %ge3A_201 : vector<256x512xbf16>
    %mul3A_203 = arith.constant 1.000980e-02 : bf16
    %mul3A_204 = vector.broadcast %mul3A_203 : bf16 to vector<256x512xbf16>
    %mul3A_205 = arith.mulf %mul3A_204, %convert_element_type3A_199 : vector<256x512xbf16>
    %select_n3A_206 = arith.select %ge3A_202, %convert_element_type3A_199, %mul3A_205 : vector<256x512xi1>, vector<256x512xbf16>
    %dot_general3A_207 = arith.constant dense<0.000000e+00> : vector<256x1024xf32>
    %dot_general3A_208 = tpu.matmul %select_n3A_206, %get3A_4, %dot_general3A_207 {dimension_numbers = #tpu.dot_dimension_numbers<[1], [0], [0], [1], [0, 0, 1, 1], [], []>, transpose_lhs_hint = false} : vector<256x512xbf16>, vector<512x1024xbf16>, vector<256x1024xf32> -> vector<256x1024xf32>
    %convert_element_type3A_209 = arith.truncf %dot_general3A_208 : vector<256x1024xf32> to vector<256x1024xbf16>
    %add3A_210 = vector.broadcast %convert_element_type3A : vector<1x1024xbf16> to vector<256x1024xbf16>
    %add3A_211 = arith.addf %convert_element_type3A_209, %add3A_210 : vector<256x1024xbf16>
    %ge3A_212 = arith.constant 0.000000e+00 : bf16
    %ge3A_213 = vector.broadcast %ge3A_212 : bf16 to vector<256x1024xbf16>
    %ge3A_214 = arith.cmpf oge, %add3A_211, %ge3A_213 : vector<256x1024xbf16>
    %mul3A_215 = arith.constant 1.000980e-02 : bf16
    %mul3A_216 = vector.broadcast %mul3A_215 : bf16 to vector<256x1024xbf16>
    %mul3A_217 = arith.mulf %mul3A_216, %add3A_211 : vector<256x1024xbf16>
    %select_n3A_218 = arith.select %ge3A_214, %add3A_211, %mul3A_217 : vector<256x1024xi1>, vector<256x1024xbf16>
    %dot_general3A_219 = arith.constant dense<0.000000e+00> : vector<256x1024xf32>
    %dot_general3A_220 = tpu.matmul %select_n3A_218, %get3A_7, %dot_general3A_219 {dimension_numbers = #tpu.dot_dimension_numbers<[1], [0], [0], [1], [0, 0, 1, 1], [], []>, transpose_lhs_hint = false} : vector<256x1024xbf16>, vector<1024x1024xbf16>, vector<256x1024xf32> -> vector<256x1024xf32>
    %add3A_221 = vector.broadcast %get3A_13 : vector<1x1024xf32> to vector<256x1024xf32>
    %add3A_222 = arith.addf %dot_general3A_220, %add3A_221 : vector<256x1024xf32>
    %reduce_sum3A_223 = arith.constant dense<0.000000e+00> : vector<256xf32>
    %reduce_sum3A_224 = vector.multi_reduction <add>, %add3A_222, %reduce_sum3A_223 [1] : vector<256x1024xf32> to vector<256xf32>
    %broadcast_in_dim3A_225 = vector.shape_cast %reduce_sum3A_224 : vector<256xf32> to vector<256x1xf32>
    %div3A_226 = arith.constant 1.024000e+03 : f32
    %div3A_227 = vector.broadcast %div3A_226 : f32 to vector<256x1xf32>
    %div3A_228 = arith.divf %broadcast_in_dim3A_225, %div3A_227 : vector<256x1xf32>
    %sub3A_229 = vector.broadcast %div3A_228 : vector<256x1xf32> to vector<256x1024xf32>
    %sub3A_230 = arith.subf %add3A_222, %sub3A_229 : vector<256x1024xf32>
    %mul3A_231 = arith.mulf %sub3A_230, %sub3A_230 : vector<256x1024xf32>
    %reduce_sum3A_232 = arith.constant dense<0.000000e+00> : vector<256xf32>
    %reduce_sum3A_233 = vector.multi_reduction <add>, %mul3A_231, %reduce_sum3A_232 [1] : vector<256x1024xf32> to vector<256xf32>
    %broadcast_in_dim3A_234 = vector.shape_cast %reduce_sum3A_233 : vector<256xf32> to vector<256x1xf32>
    %div3A_235 = arith.constant 1.024000e+03 : f32
    %div3A_236 = vector.broadcast %div3A_235 : f32 to vector<256x1xf32>
    %div3A_237 = arith.divf %broadcast_in_dim3A_234, %div3A_236 : vector<256x1xf32>
    %add3A_238 = arith.constant 1.000000e-15 : f32
    %add3A_239 = vector.broadcast %add3A_238 : f32 to vector<256x1xf32>
    %add3A_240 = arith.addf %div3A_237, %add3A_239 : vector<256x1xf32>
    %rsqrt3A_241 = math.rsqrt %add3A_240 : vector<256x1xf32>
    %mul3A_242 = vector.broadcast %rsqrt3A_241 : vector<256x1xf32> to vector<256x1024xf32>
    %mul3A_243 = arith.mulf %sub3A_230, %mul3A_242 : vector<256x1024xf32>
    %mul3A_244 = vector.broadcast %get3A_16 : vector<1x1024xf32> to vector<256x1024xf32>
    %mul3A_245 = arith.mulf %mul3A_243, %mul3A_244 : vector<256x1024xf32>
    %add3A_246 = vector.broadcast %get3A_19 : vector<1x1024xf32> to vector<256x1024xf32>
    %add3A_247 = arith.addf %mul3A_245, %add3A_246 : vector<256x1024xf32>
    %swap3A_248 = arith.constant 512 : index
    %swap3A_249 = arith.constant 0 : index
    %swap3A_250 = vector.load %arg11[%swap3A_248, %swap3A_249] : memref<2048x1024xf32, #tpu.memory_space<vmem>>, vector<256x1024xf32>
    tpu.vector_store %arg11[%swap3A_248, %swap3A_249], %add3A_247 {strides = array<i32>} : memref<2048x1024xf32, #tpu.memory_space<vmem>>, vector<256x1024xf32>,
    %get3A_251 = arith.constant 768 : index
    %get3A_252 = arith.constant 0 : index
    %get3A_253 = vector.load %arg1[%get3A_251, %get3A_252] : memref<2048x128xf32, #tpu.memory_space<vmem>>, vector<256x64xf32>
    %convert_element_type3A_254 = arith.truncf %get3A_253 : vector<256x64xf32> to vector<256x64xbf16>
    %get3A_255 = arith.constant 768 : index
    %get3A_256 = arith.constant 0 : index
    %get3A_257 = vector.load %arg2[%get3A_255, %get3A_256] : memref<2048x16xf32, #tpu.memory_space<vmem>>, vector<256x4xf32>
    %convert_element_type3A_258 = arith.truncf %get3A_257 : vector<256x4xf32> to vector<256x4xbf16>
    %get3A_259 = arith.constant 768 : index
    %get3A_260 = arith.constant 0 : index
    %get3A_261 = vector.load %arg3[%get3A_259, %get3A_260] : memref<2048x16xi32, #tpu.memory_space<vmem>>, vector<256x3xi32>
    %slice3A_262 = vector.extract_strided_slice %get3A_261 {offsets = [0, 0], sizes = [256, 1], strides = [1, 1]} : vector<256x3xi32> to vector<256x1xi32>
    %slice3A_263 = vector.extract_strided_slice %get3A_261 {offsets = [0, 1], sizes = [256, 1], strides = [1, 1]} : vector<256x3xi32> to vector<256x1xi32>
    %eq3A_264 = arith.cmpi eq, %slice3A_262, %slice3A_263 : vector<256x1xi32>
    %convert_element_type3A_265 = arith.extui %eq3A_264 : vector<256x1xi1> to vector<256x1xi32>
    %convert_element_type3A_266 = arith.sitofp %convert_element_type3A_265 : vector<256x1xi32> to vector<256x1xf32>
    %convert_element_type3A_267 = arith.truncf %convert_element_type3A_266 : vector<256x1xf32> to vector<256x1xbf16>
    %iota3A_268 = tpu.iota {dimensions = array<i32: 1>} : vector<256x4xi32>
    %slice3A_269 = vector.extract_strided_slice %get3A_261 {offsets = [0, 2], sizes = [256, 1], strides = [1, 1]} : vector<256x3xi32> to vector<256x1xi32>
    %eq3A_270 = vector.broadcast %slice3A_269 : vector<256x1xi32> to vector<256x4xi32>
    %eq3A_271 = arith.cmpi eq, %eq3A_270, %iota3A_268 : vector<256x4xi32>
    %convert_element_type3A_272 = arith.extui %eq3A_271 : vector<256x4xi1> to vector<256x4xi32>
    %convert_element_type3A_273 = arith.sitofp %convert_element_type3A_272 : vector<256x4xi32> to vector<256x4xf32>
    %convert_element_type3A_274 = arith.truncf %convert_element_type3A_273 : vector<256x4xf32> to vector<256x4xbf16>
    %broadcast_in_dim3A_275 = arith.constant 1.000000e+00 : bf16
    %broadcast_in_dim3A_276 = vector.broadcast %broadcast_in_dim3A_275 : bf16 to vector<256x1xbf16>
    %concatenate3A_277 = tpu.concatenate %convert_element_type3A_258, %convert_element_type3A_267, %convert_element_type3A_274, %broadcast_in_dim3A_276 in 1 : vector<256x4xbf16>, vector<256x1xbf16>, vector<256x4xbf16>, vector<256x1xbf16> -> vector<256x10xbf16>
    %concatenate3A_278 = tpu.concatenate %convert_element_type3A_254, %concatenate3A_277 in 1 : vector<256x64xbf16>, vector<256x10xbf16> -> vector<256x74xbf16>
    %dot_general3A_279 = arith.constant dense<0.000000e+00> : vector<256x512xf32>
    %dot_general3A_280 = tpu.matmul %concatenate3A_278, %get3A_1, %dot_general3A_279 {dimension_numbers = #tpu.dot_dimension_numbers<[1], [0], [0], [1], [0, 0, 1, 1], [], []>, transpose_lhs_hint = false} : vector<256x74xbf16>, vector<74x512xbf16>, vector<256x512xf32> -> vector<256x512xf32>
    %convert_element_type3A_281 = arith.truncf %dot_general3A_280 : vector<256x512xf32> to vector<256x512xbf16>
    %ge3A_282 = arith.constant 0.000000e+00 : bf16
    %ge3A_283 = vector.broadcast %ge3A_282 : bf16 to vector<256x512xbf16>
    %ge3A_284 = arith.cmpf oge, %convert_element_type3A_281, %ge3A_283 : vector<256x512xbf16>
    %mul3A_285 = arith.constant 1.000980e-02 : bf16
    %mul3A_286 = vector.broadcast %mul3A_285 : bf16 to vector<256x512xbf16>
    %mul3A_287 = arith.mulf %mul3A_286, %convert_element_type3A_281 : vector<256x512xbf16>
    %select_n3A_288 = arith.select %ge3A_284, %convert_element_type3A_281, %mul3A_287 : vector<256x512xi1>, vector<256x512xbf16>
    %dot_general3A_289 = arith.constant dense<0.000000e+00> : vector<256x1024xf32>
    %dot_general3A_290 = tpu.matmul %select_n3A_288, %get3A_4, %dot_general3A_289 {dimension_numbers = #tpu.dot_dimension_numbers<[1], [0], [0], [1], [0, 0, 1, 1], [], []>, transpose_lhs_hint = false} : vector<256x512xbf16>, vector<512x1024xbf16>, vector<256x1024xf32> -> vector<256x1024xf32>
    %convert_element_type3A_291 = arith.truncf %dot_general3A_290 : vector<256x1024xf32> to vector<256x1024xbf16>
    %add3A_292 = vector.broadcast %convert_element_type3A : vector<1x1024xbf16> to vector<256x1024xbf16>
    %add3A_293 = arith.addf %convert_element_type3A_291, %add3A_292 : vector<256x1024xbf16>
    %ge3A_294 = arith.constant 0.000000e+00 : bf16
    %ge3A_295 = vector.broadcast %ge3A_294 : bf16 to vector<256x1024xbf16>
    %ge3A_296 = arith.cmpf oge, %add3A_293, %ge3A_295 : vector<256x1024xbf16>
    %mul3A_297 = arith.constant 1.000980e-02 : bf16
    %mul3A_298 = vector.broadcast %mul3A_297 : bf16 to vector<256x1024xbf16>
    %mul3A_299 = arith.mulf %mul3A_298, %add3A_293 : vector<256x1024xbf16>
    %select_n3A_300 = arith.select %ge3A_296, %add3A_293, %mul3A_299 : vector<256x1024xi1>, vector<256x1024xbf16>
    %dot_general3A_301 = arith.constant dense<0.000000e+00> : vector<256x1024xf32>
    %dot_general3A_302 = tpu.matmul %select_n3A_300, %get3A_7, %dot_general3A_301 {dimension_numbers = #tpu.dot_dimension_numbers<[1], [0], [0], [1], [0, 0, 1, 1], [], []>, transpose_lhs_hint = false} : vector<256x1024xbf16>, vector<1024x1024xbf16>, vector<256x1024xf32> -> vector<256x1024xf32>
    %add3A_303 = vector.broadcast %get3A_13 : vector<1x1024xf32> to vector<256x1024xf32>
    %add3A_304 = arith.addf %dot_general3A_302, %add3A_303 : vector<256x1024xf32>
    %reduce_sum3A_305 = arith.constant dense<0.000000e+00> : vector<256xf32>
    %reduce_sum3A_306 = vector.multi_reduction <add>, %add3A_304, %reduce_sum3A_305 [1] : vector<256x1024xf32> to vector<256xf32>
    %broadcast_in_dim3A_307 = vector.shape_cast %reduce_sum3A_306 : vector<256xf32> to vector<256x1xf32>
    %div3A_308 = arith.constant 1.024000e+03 : f32
    %div3A_309 = vector.broadcast %div3A_308 : f32 to vector<256x1xf32>
    %div3A_310 = arith.divf %broadcast_in_dim3A_307, %div3A_309 : vector<256x1xf32>
    %sub3A_311 = vector.broadcast %div3A_310 : vector<256x1xf32> to vector<256x1024xf32>
    %sub3A_312 = arith.subf %add3A_304, %sub3A_311 : vector<256x1024xf32>
    %mul3A_313 = arith.mulf %sub3A_312, %sub3A_312 : vector<256x1024xf32>
    %reduce_sum3A_314 = arith.constant dense<0.000000e+00> : vector<256xf32>
    %reduce_sum3A_315 = vector.multi_reduction <add>, %mul3A_313, %reduce_sum3A_314 [1] : vector<256x1024xf32> to vector<256xf32>
    %broadcast_in_dim3A_316 = vector.shape_cast %reduce_sum3A_315 : vector<256xf32> to vector<256x1xf32>
    %div3A_317 = arith.constant 1.024000e+03 : f32
    %div3A_318 = vector.broadcast %div3A_317 : f32 to vector<256x1xf32>
    %div3A_319 = arith.divf %broadcast_in_dim3A_316, %div3A_318 : vector<256x1xf32>
    %add3A_320 = arith.constant 1.000000e-15 : f32
    %add3A_321 = vector.broadcast %add3A_320 : f32 to vector<256x1xf32>
    %add3A_322 = arith.addf %div3A_319, %add3A_321 : vector<256x1xf32>
    %rsqrt3A_323 = math.rsqrt %add3A_322 : vector<256x1xf32>
    %mul3A_324 = vector.broadcast %rsqrt3A_323 : vector<256x1xf32> to vector<256x1024xf32>
    %mul3A_325 = arith.mulf %sub3A_312, %mul3A_324 : vector<256x1024xf32>
    %mul3A_326 = vector.broadcast %get3A_16 : vector<1x1024xf32> to vector<256x1024xf32>
    %mul3A_327 = arith.mulf %mul3A_325, %mul3A_326 : vector<256x1024xf32>
    %add3A_328 = vector.broadcast %get3A_19 : vector<1x1024xf32> to vector<256x1024xf32>
    %add3A_329 = arith.addf %mul3A_327, %add3A_328 : vector<256x1024xf32>
    %swap3A_330 = arith.constant 768 : index
    %swap3A_331 = arith.constant 0 : index
    %swap3A_332 = vector.load %arg11[%swap3A_330, %swap3A_331] : memref<2048x1024xf32, #tpu.memory_space<vmem>>, vector<256x1024xf32>
    tpu.vector_store %arg11[%swap3A_330, %swap3A_331], %add3A_329 {strides = array<i32>} : memref<2048x1024xf32, #tpu.memory_space<vmem>>, vector<256x1024xf32>,
    %get3A_333 = arith.constant 1024 : index
    %get3A_334 = arith.constant 0 : index
    %get3A_335 = vector.load %arg1[%get3A_333, %get3A_334] : memref<2048x128xf32, #tpu.memory_space<vmem>>, vector<256x64xf32>
    %convert_element_type3A_336 = arith.truncf %get3A_335 : vector<256x64xf32> to vector<256x64xbf16>
    %get3A_337 = arith.constant 1024 : index
    %get3A_338 = arith.constant 0 : index
    %get3A_339 = vector.load %arg2[%get3A_337, %get3A_338] : memref<2048x16xf32, #tpu.memory_space<vmem>>, vector<256x4xf32>
    %convert_element_type3A_340 = arith.truncf %get3A_339 : vector<256x4xf32> to vector<256x4xbf16>
    %get3A_341 = arith.constant 1024 : index
    %get3A_342 = arith.constant 0 : index
    %get3A_343 = vector.load %arg3[%get3A_341, %get3A_342] : memref<2048x16xi32, #tpu.memory_space<vmem>>, vector<256x3xi32>
    %slice3A_344 = vector.extract_strided_slice %get3A_343 {offsets = [0, 0], sizes = [256, 1], strides = [1, 1]} : vector<256x3xi32> to vector<256x1xi32>
    %slice3A_345 = vector.extract_strided_slice %get3A_343 {offsets = [0, 1], sizes = [256, 1], strides = [1, 1]} : vector<256x3xi32> to vector<256x1xi32>
    %eq3A_346 = arith.cmpi eq, %slice3A_344, %slice3A_345 : vector<256x1xi32>
    %convert_element_type3A_347 = arith.extui %eq3A_346 : vector<256x1xi1> to vector<256x1xi32>
    %convert_element_type3A_348 = arith.sitofp %convert_element_type3A_347 : vector<256x1xi32> to vector<256x1xf32>
    %convert_element_type3A_349 = arith.truncf %convert_element_type3A_348 : vector<256x1xf32> to vector<256x1xbf16>
    %iota3A_350 = tpu.iota {dimensions = array<i32: 1>} : vector<256x4xi32>
    %slice3A_351 = vector.extract_strided_slice %get3A_343 {offsets = [0, 2], sizes = [256, 1], strides = [1, 1]} : vector<256x3xi32> to vector<256x1xi32>
    %eq3A_352 = vector.broadcast %slice3A_351 : vector<256x1xi32> to vector<256x4xi32>
    %eq3A_353 = arith.cmpi eq, %eq3A_352, %iota3A_350 : vector<256x4xi32>
    %convert_element_type3A_354 = arith.extui %eq3A_353 : vector<256x4xi1> to vector<256x4xi32>
    %convert_element_type3A_355 = arith.sitofp %convert_element_type3A_354 : vector<256x4xi32> to vector<256x4xf32>
    %convert_element_type3A_356 = arith.truncf %convert_element_type3A_355 : vector<256x4xf32> to vector<256x4xbf16>
    %broadcast_in_dim3A_357 = arith.constant 1.000000e+00 : bf16
    %broadcast_in_dim3A_358 = vector.broadcast %broadcast_in_dim3A_357 : bf16 to vector<256x1xbf16>
    %concatenate3A_359 = tpu.concatenate %convert_element_type3A_340, %convert_element_type3A_349, %convert_element_type3A_356, %broadcast_in_dim3A_358 in 1 : vector<256x4xbf16>, vector<256x1xbf16>, vector<256x4xbf16>, vector<256x1xbf16> -> vector<256x10xbf16>
    %concatenate3A_360 = tpu.concatenate %convert_element_type3A_336, %concatenate3A_359 in 1 : vector<256x64xbf16>, vector<256x10xbf16> -> vector<256x74xbf16>
    %dot_general3A_361 = arith.constant dense<0.000000e+00> : vector<256x512xf32>
    %dot_general3A_362 = tpu.matmul %concatenate3A_360, %get3A_1, %dot_general3A_361 {dimension_numbers = #tpu.dot_dimension_numbers<[1], [0], [0], [1], [0, 0, 1, 1], [], []>, transpose_lhs_hint = false} : vector<256x74xbf16>, vector<74x512xbf16>, vector<256x512xf32> -> vector<256x512xf32>
    %convert_element_type3A_363 = arith.truncf %dot_general3A_362 : vector<256x512xf32> to vector<256x512xbf16>
    %ge3A_364 = arith.constant 0.000000e+00 : bf16
    %ge3A_365 = vector.broadcast %ge3A_364 : bf16 to vector<256x512xbf16>
    %ge3A_366 = arith.cmpf oge, %convert_element_type3A_363, %ge3A_365 : vector<256x512xbf16>
    %mul3A_367 = arith.constant 1.000980e-02 : bf16
    %mul3A_368 = vector.broadcast %mul3A_367 : bf16 to vector<256x512xbf16>
    %mul3A_369 = arith.mulf %mul3A_368, %convert_element_type3A_363 : vector<256x512xbf16>
    %select_n3A_370 = arith.select %ge3A_366, %convert_element_type3A_363, %mul3A_369 : vector<256x512xi1>, vector<256x512xbf16>
    %dot_general3A_371 = arith.constant dense<0.000000e+00> : vector<256x1024xf32>
    %dot_general3A_372 = tpu.matmul %select_n3A_370, %get3A_4, %dot_general3A_371 {dimension_numbers = #tpu.dot_dimension_numbers<[1], [0], [0], [1], [0, 0, 1, 1], [], []>, transpose_lhs_hint = false} : vector<256x512xbf16>, vector<512x1024xbf16>, vector<256x1024xf32> -> vector<256x1024xf32>
    %convert_element_type3A_373 = arith.truncf %dot_general3A_372 : vector<256x1024xf32> to vector<256x1024xbf16>
    %add3A_374 = vector.broadcast %convert_element_type3A : vector<1x1024xbf16> to vector<256x1024xbf16>
    %add3A_375 = arith.addf %convert_element_type3A_373, %add3A_374 : vector<256x1024xbf16>
    %ge3A_376 = arith.constant 0.000000e+00 : bf16
    %ge3A_377 = vector.broadcast %ge3A_376 : bf16 to vector<256x1024xbf16>
    %ge3A_378 = arith.cmpf oge, %add3A_375, %ge3A_377 : vector<256x1024xbf16>
    %mul3A_379 = arith.constant 1.000980e-02 : bf16
    %mul3A_380 = vector.broadcast %mul3A_379 : bf16 to vector<256x1024xbf16>
    %mul3A_381 = arith.mulf %mul3A_380, %add3A_375 : vector<256x1024xbf16>
    %select_n3A_382 = arith.select %ge3A_378, %add3A_375, %mul3A_381 : vector<256x1024xi1>, vector<256x1024xbf16>
    %dot_general3A_383 = arith.constant dense<0.000000e+00> : vector<256x1024xf32>
    %dot_general3A_384 = tpu.matmul %select_n3A_382, %get3A_7, %dot_general3A_383 {dimension_numbers = #tpu.dot_dimension_numbers<[1], [0], [0], [1], [0, 0, 1, 1], [], []>, transpose_lhs_hint = false} : vector<256x1024xbf16>, vector<1024x1024xbf16>, vector<256x1024xf32> -> vector<256x1024xf32>
    %add3A_385 = vector.broadcast %get3A_13 : vector<1x1024xf32> to vector<256x1024xf32>
    %add3A_386 = arith.addf %dot_general3A_384, %add3A_385 : vector<256x1024xf32>
    %reduce_sum3A_387 = arith.constant dense<0.000000e+00> : vector<256xf32>
    %reduce_sum3A_388 = vector.multi_reduction <add>, %add3A_386, %reduce_sum3A_387 [1] : vector<256x1024xf32> to vector<256xf32>
    %broadcast_in_dim3A_389 = vector.shape_cast %reduce_sum3A_388 : vector<256xf32> to vector<256x1xf32>
    %div3A_390 = arith.constant 1.024000e+03 : f32
    %div3A_391 = vector.broadcast %div3A_390 : f32 to vector<256x1xf32>
    %div3A_392 = arith.divf %broadcast_in_dim3A_389, %div3A_391 : vector<256x1xf32>
    %sub3A_393 = vector.broadcast %div3A_392 : vector<256x1xf32> to vector<256x1024xf32>
    %sub3A_394 = arith.subf %add3A_386, %sub3A_393 : vector<256x1024xf32>
    %mul3A_395 = arith.mulf %sub3A_394, %sub3A_394 : vector<256x1024xf32>
    %reduce_sum3A_396 = arith.constant dense<0.000000e+00> : vector<256xf32>
    %reduce_sum3A_397 = vector.multi_reduction <add>, %mul3A_395, %reduce_sum3A_396 [1] : vector<256x1024xf32> to vector<256xf32>
    %broadcast_in_dim3A_398 = vector.shape_cast %reduce_sum3A_397 : vector<256xf32> to vector<256x1xf32>
    %div3A_399 = arith.constant 1.024000e+03 : f32
    %div3A_400 = vector.broadcast %div3A_399 : f32 to vector<256x1xf32>
    %div3A_401 = arith.divf %broadcast_in_dim3A_398, %div3A_400 : vector<256x1xf32>
    %add3A_402 = arith.constant 1.000000e-15 : f32
    %add3A_403 = vector.broadcast %add3A_402 : f32 to vector<256x1xf32>
    %add3A_404 = arith.addf %div3A_401, %add3A_403 : vector<256x1xf32>
    %rsqrt3A_405 = math.rsqrt %add3A_404 : vector<256x1xf32>
    %mul3A_406 = vector.broadcast %rsqrt3A_405 : vector<256x1xf32> to vector<256x1024xf32>
    %mul3A_407 = arith.mulf %sub3A_394, %mul3A_406 : vector<256x1024xf32>
    %mul3A_408 = vector.broadcast %get3A_16 : vector<1x1024xf32> to vector<256x1024xf32>
    %mul3A_409 = arith.mulf %mul3A_407, %mul3A_408 : vector<256x1024xf32>
    %add3A_410 = vector.broadcast %get3A_19 : vector<1x1024xf32> to vector<256x1024xf32>
    %add3A_411 = arith.addf %mul3A_409, %add3A_410 : vector<256x1024xf32>
    %swap3A_412 = arith.constant 1024 : index
    %swap3A_413 = arith.constant 0 : index
    %swap3A_414 = vector.load %arg11[%swap3A_412, %swap3A_413] : memref<2048x1024xf32, #tpu.memory_space<vmem>>, vector<256x1024xf32>
    tpu.vector_store %arg11[%swap3A_412, %swap3A_413], %add3A_411 {strides = array<i32>} : memref<2048x1024xf32, #tpu.memory_space<vmem>>, vector<256x1024xf32>,
    %get3A_415 = arith.constant 1280 : index
    %get3A_416 = arith.constant 0 : index
    %get3A_417 = vector.load %arg1[%get3A_415, %get3A_416] : memref<2048x128xf32, #tpu.memory_space<vmem>>, vector<256x64xf32>
    %convert_element_type3A_418 = arith.truncf %get3A_417 : vector<256x64xf32> to vector<256x64xbf16>
    %get3A_419 = arith.constant 1280 : index
    %get3A_420 = arith.constant 0 : index
    %get3A_421 = vector.load %arg2[%get3A_419, %get3A_420] : memref<2048x16xf32, #tpu.memory_space<vmem>>, vector<256x4xf32>
    %convert_element_type3A_422 = arith.truncf %get3A_421 : vector<256x4xf32> to vector<256x4xbf16>
    %get3A_423 = arith.constant 1280 : index
    %get3A_424 = arith.constant 0 : index
    %get3A_425 = vector.load %arg3[%get3A_423, %get3A_424] : memref<2048x16xi32, #tpu.memory_space<vmem>>, vector<256x3xi32>
    %slice3A_426 = vector.extract_strided_slice %get3A_425 {offsets = [0, 0], sizes = [256, 1], strides = [1, 1]} : vector<256x3xi32> to vector<256x1xi32>
    %slice3A_427 = vector.extract_strided_slice %get3A_425 {offsets = [0, 1], sizes = [256, 1], strides = [1, 1]} : vector<256x3xi32> to vector<256x1xi32>
    %eq3A_428 = arith.cmpi eq, %slice3A_426, %slice3A_427 : vector<256x1xi32>
    %convert_element_type3A_429 = arith.extui %eq3A_428 : vector<256x1xi1> to vector<256x1xi32>
    %convert_element_type3A_430 = arith.sitofp %convert_element_type3A_429 : vector<256x1xi32> to vector<256x1xf32>
    %convert_element_type3A_431 = arith.truncf %convert_element_type3A_430 : vector<256x1xf32> to vector<256x1xbf16>
    %iota3A_432 = tpu.iota {dimensions = array<i32: 1>} : vector<256x4xi32>
    %slice3A_433 = vector.extract_strided_slice %get3A_425 {offsets = [0, 2], sizes = [256, 1], strides = [1, 1]} : vector<256x3xi32> to vector<256x1xi32>
    %eq3A_434 = vector.broadcast %slice3A_433 : vector<256x1xi32> to vector<256x4xi32>
    %eq3A_435 = arith.cmpi eq, %eq3A_434, %iota3A_432 : vector<256x4xi32>
    %convert_element_type3A_436 = arith.extui %eq3A_435 : vector<256x4xi1> to vector<256x4xi32>
    %convert_element_type3A_437 = arith.sitofp %convert_element_type3A_436 : vector<256x4xi32> to vector<256x4xf32>
    %convert_element_type3A_438 = arith.truncf %convert_element_type3A_437 : vector<256x4xf32> to vector<256x4xbf16>
    %broadcast_in_dim3A_439 = arith.constant 1.000000e+00 : bf16
    %broadcast_in_dim3A_440 = vector.broadcast %broadcast_in_dim3A_439 : bf16 to vector<256x1xbf16>
    %concatenate3A_441 = tpu.concatenate %convert_element_type3A_422, %convert_element_type3A_431, %convert_element_type3A_438, %broadcast_in_dim3A_440 in 1 : vector<256x4xbf16>, vector<256x1xbf16>, vector<256x4xbf16>, vector<256x1xbf16> -> vector<256x10xbf16>
    %concatenate3A_442 = tpu.concatenate %convert_element_type3A_418, %concatenate3A_441 in 1 : vector<256x64xbf16>, vector<256x10xbf16> -> vector<256x74xbf16>
    %dot_general3A_443 = arith.constant dense<0.000000e+00> : vector<256x512xf32>
    %dot_general3A_444 = tpu.matmul %concatenate3A_442, %get3A_1, %dot_general3A_443 {dimension_numbers = #tpu.dot_dimension_numbers<[1], [0], [0], [1], [0, 0, 1, 1], [], []>, transpose_lhs_hint = false} : vector<256x74xbf16>, vector<74x512xbf16>, vector<256x512xf32> -> vector<256x512xf32>
    %convert_element_type3A_445 = arith.truncf %dot_general3A_444 : vector<256x512xf32> to vector<256x512xbf16>
    %ge3A_446 = arith.constant 0.000000e+00 : bf16
    %ge3A_447 = vector.broadcast %ge3A_446 : bf16 to vector<256x512xbf16>
    %ge3A_448 = arith.cmpf oge, %convert_element_type3A_445, %ge3A_447 : vector<256x512xbf16>
    %mul3A_449 = arith.constant 1.000980e-02 : bf16
    %mul3A_450 = vector.broadcast %mul3A_449 : bf16 to vector<256x512xbf16>
    %mul3A_451 = arith.mulf %mul3A_450, %convert_element_type3A_445 : vector<256x512xbf16>
    %select_n3A_452 = arith.select %ge3A_448, %convert_element_type3A_445, %mul3A_451 : vector<256x512xi1>, vector<256x512xbf16>
    %dot_general3A_453 = arith.constant dense<0.000000e+00> : vector<256x1024xf32>
    %dot_general3A_454 = tpu.matmul %select_n3A_452, %get3A_4, %dot_general3A_453 {dimension_numbers = #tpu.dot_dimension_numbers<[1], [0], [0], [1], [0, 0, 1, 1], [], []>, transpose_lhs_hint = false} : vector<256x512xbf16>, vector<512x1024xbf16>, vector<256x1024xf32> -> vector<256x1024xf32>
    %convert_element_type3A_455 = arith.truncf %dot_general3A_454 : vector<256x1024xf32> to vector<256x1024xbf16>
    %add3A_456 = vector.broadcast %convert_element_type3A : vector<1x1024xbf16> to vector<256x1024xbf16>
    %add3A_457 = arith.addf %convert_element_type3A_455, %add3A_456 : vector<256x1024xbf16>
    %ge3A_458 = arith.constant 0.000000e+00 : bf16
    %ge3A_459 = vector.broadcast %ge3A_458 : bf16 to vector<256x1024xbf16>
    %ge3A_460 = arith.cmpf oge, %add3A_457, %ge3A_459 : vector<256x1024xbf16>
    %mul3A_461 = arith.constant 1.000980e-02 : bf16
    %mul3A_462 = vector.broadcast %mul3A_461 : bf16 to vector<256x1024xbf16>
    %mul3A_463 = arith.mulf %mul3A_462, %add3A_457 : vector<256x1024xbf16>
    %select_n3A_464 = arith.select %ge3A_460, %add3A_457, %mul3A_463 : vector<256x1024xi1>, vector<256x1024xbf16>
    %dot_general3A_465 = arith.constant dense<0.000000e+00> : vector<256x1024xf32>
    %dot_general3A_466 = tpu.matmul %select_n3A_464, %get3A_7, %dot_general3A_465 {dimension_numbers = #tpu.dot_dimension_numbers<[1], [0], [0], [1], [0, 0, 1, 1], [], []>, transpose_lhs_hint = false} : vector<256x1024xbf16>, vector<1024x1024xbf16>, vector<256x1024xf32> -> vector<256x1024xf32>
    %add3A_467 = vector.broadcast %get3A_13 : vector<1x1024xf32> to vector<256x1024xf32>
    %add3A_468 = arith.addf %dot_general3A_466, %add3A_467 : vector<256x1024xf32>
    %reduce_sum3A_469 = arith.constant dense<0.000000e+00> : vector<256xf32>
    %reduce_sum3A_470 = vector.multi_reduction <add>, %add3A_468, %reduce_sum3A_469 [1] : vector<256x1024xf32> to vector<256xf32>
    %broadcast_in_dim3A_471 = vector.shape_cast %reduce_sum3A_470 : vector<256xf32> to vector<256x1xf32>
    %div3A_472 = arith.constant 1.024000e+03 : f32
    %div3A_473 = vector.broadcast %div3A_472 : f32 to vector<256x1xf32>
    %div3A_474 = arith.divf %broadcast_in_dim3A_471, %div3A_473 : vector<256x1xf32>
    %sub3A_475 = vector.broadcast %div3A_474 : vector<256x1xf32> to vector<256x1024xf32>
    %sub3A_476 = arith.subf %add3A_468, %sub3A_475 : vector<256x1024xf32>
    %mul3A_477 = arith.mulf %sub3A_476, %sub3A_476 : vector<256x1024xf32>
    %reduce_sum3A_478 = arith.constant dense<0.000000e+00> : vector<256xf32>
    %reduce_sum3A_479 = vector.multi_reduction <add>, %mul3A_477, %reduce_sum3A_478 [1] : vector<256x1024xf32> to vector<256xf32>
    %broadcast_in_dim3A_480 = vector.shape_cast %reduce_sum3A_479 : vector<256xf32> to vector<256x1xf32>
    %div3A_481 = arith.constant 1.024000e+03 : f32
    %div3A_482 = vector.broadcast %div3A_481 : f32 to vector<256x1xf32>
    %div3A_483 = arith.divf %broadcast_in_dim3A_480, %div3A_482 : vector<256x1xf32>
    %add3A_484 = arith.constant 1.000000e-15 : f32
    %add3A_485 = vector.broadcast %add3A_484 : f32 to vector<256x1xf32>
    %add3A_486 = arith.addf %div3A_483, %add3A_485 : vector<256x1xf32>
    %rsqrt3A_487 = math.rsqrt %add3A_486 : vector<256x1xf32>
    %mul3A_488 = vector.broadcast %rsqrt3A_487 : vector<256x1xf32> to vector<256x1024xf32>
    %mul3A_489 = arith.mulf %sub3A_476, %mul3A_488 : vector<256x1024xf32>
    %mul3A_490 = vector.broadcast %get3A_16 : vector<1x1024xf32> to vector<256x1024xf32>
    %mul3A_491 = arith.mulf %mul3A_489, %mul3A_490 : vector<256x1024xf32>
    %add3A_492 = vector.broadcast %get3A_19 : vector<1x1024xf32> to vector<256x1024xf32>
    %add3A_493 = arith.addf %mul3A_491, %add3A_492 : vector<256x1024xf32>
    %swap3A_494 = arith.constant 1280 : index
    %swap3A_495 = arith.constant 0 : index
    %swap3A_496 = vector.load %arg11[%swap3A_494, %swap3A_495] : memref<2048x1024xf32, #tpu.memory_space<vmem>>, vector<256x1024xf32>
    tpu.vector_store %arg11[%swap3A_494, %swap3A_495], %add3A_493 {strides = array<i32>} : memref<2048x1024xf32, #tpu.memory_space<vmem>>, vector<256x1024xf32>,
    %get3A_497 = arith.constant 1536 : index
    %get3A_498 = arith.constant 0 : index
    %get3A_499 = vector.load %arg1[%get3A_497, %get3A_498] : memref<2048x128xf32, #tpu.memory_space<vmem>>, vector<256x64xf32>
    %convert_element_type3A_500 = arith.truncf %get3A_499 : vector<256x64xf32> to vector<256x64xbf16>
    %get3A_501 = arith.constant 1536 : index
    %get3A_502 = arith.constant 0 : index
    %get3A_503 = vector.load %arg2[%get3A_501, %get3A_502] : memref<2048x16xf32, #tpu.memory_space<vmem>>, vector<256x4xf32>
    %convert_element_type3A_504 = arith.truncf %get3A_503 : vector<256x4xf32> to vector<256x4xbf16>
    %get3A_505 = arith.constant 1536 : index
    %get3A_506 = arith.constant 0 : index
    %get3A_507 = vector.load %arg3[%get3A_505, %get3A_506] : memref<2048x16xi32, #tpu.memory_space<vmem>>, vector<256x3xi32>
    %slice3A_508 = vector.extract_strided_slice %get3A_507 {offsets = [0, 0], sizes = [256, 1], strides = [1, 1]} : vector<256x3xi32> to vector<256x1xi32>
    %slice3A_509 = vector.extract_strided_slice %get3A_507 {offsets = [0, 1], sizes = [256, 1], strides = [1, 1]} : vector<256x3xi32> to vector<256x1xi32>
    %eq3A_510 = arith.cmpi eq, %slice3A_508, %slice3A_509 : vector<256x1xi32>
    %convert_element_type3A_511 = arith.extui %eq3A_510 : vector<256x1xi1> to vector<256x1xi32>
    %convert_element_type3A_512 = arith.sitofp %convert_element_type3A_511 : vector<256x1xi32> to vector<256x1xf32>
    %convert_element_type3A_513 = arith.truncf %convert_element_type3A_512 : vector<256x1xf32> to vector<256x1xbf16>
    %iota3A_514 = tpu.iota {dimensions = array<i32: 1>} : vector<256x4xi32>
    %slice3A_515 = vector.extract_strided_slice %get3A_507 {offsets = [0, 2], sizes = [256, 1], strides = [1, 1]} : vector<256x3xi32> to vector<256x1xi32>
    %eq3A_516 = vector.broadcast %slice3A_515 : vector<256x1xi32> to vector<256x4xi32>
    %eq3A_517 = arith.cmpi eq, %eq3A_516, %iota3A_514 : vector<256x4xi32>
    %convert_element_type3A_518 = arith.extui %eq3A_517 : vector<256x4xi1> to vector<256x4xi32>
    %convert_element_type3A_519 = arith.sitofp %convert_element_type3A_518 : vector<256x4xi32> to vector<256x4xf32>
    %convert_element_type3A_520 = arith.truncf %convert_element_type3A_519 : vector<256x4xf32> to vector<256x4xbf16>
    %broadcast_in_dim3A_521 = arith.constant 1.000000e+00 : bf16
    %broadcast_in_dim3A_522 = vector.broadcast %broadcast_in_dim3A_521 : bf16 to vector<256x1xbf16>
    %concatenate3A_523 = tpu.concatenate %convert_element_type3A_504, %convert_element_type3A_513, %convert_element_type3A_520, %broadcast_in_dim3A_522 in 1 : vector<256x4xbf16>, vector<256x1xbf16>, vector<256x4xbf16>, vector<256x1xbf16> -> vector<256x10xbf16>
    %concatenate3A_524 = tpu.concatenate %convert_element_type3A_500, %concatenate3A_523 in 1 : vector<256x64xbf16>, vector<256x10xbf16> -> vector<256x74xbf16>
    %dot_general3A_525 = arith.constant dense<0.000000e+00> : vector<256x512xf32>
    %dot_general3A_526 = tpu.matmul %concatenate3A_524, %get3A_1, %dot_general3A_525 {dimension_numbers = #tpu.dot_dimension_numbers<[1], [0], [0], [1], [0, 0, 1, 1], [], []>, transpose_lhs_hint = false} : vector<256x74xbf16>, vector<74x512xbf16>, vector<256x512xf32> -> vector<256x512xf32>
    %convert_element_type3A_527 = arith.truncf %dot_general3A_526 : vector<256x512xf32> to vector<256x512xbf16>
    %ge3A_528 = arith.constant 0.000000e+00 : bf16
    %ge3A_529 = vector.broadcast %ge3A_528 : bf16 to vector<256x512xbf16>
    %ge3A_530 = arith.cmpf oge, %convert_element_type3A_527, %ge3A_529 : vector<256x512xbf16>
    %mul3A_531 = arith.constant 1.000980e-02 : bf16
    %mul3A_532 = vector.broadcast %mul3A_531 : bf16 to vector<256x512xbf16>
    %mul3A_533 = arith.mulf %mul3A_532, %convert_element_type3A_527 : vector<256x512xbf16>
    %select_n3A_534 = arith.select %ge3A_530, %convert_element_type3A_527, %mul3A_533 : vector<256x512xi1>, vector<256x512xbf16>
    %dot_general3A_535 = arith.constant dense<0.000000e+00> : vector<256x1024xf32>
    %dot_general3A_536 = tpu.matmul %select_n3A_534, %get3A_4, %dot_general3A_535 {dimension_numbers = #tpu.dot_dimension_numbers<[1], [0], [0], [1], [0, 0, 1, 1], [], []>, transpose_lhs_hint = false} : vector<256x512xbf16>, vector<512x1024xbf16>, vector<256x1024xf32> -> vector<256x1024xf32>
    %convert_element_type3A_537 = arith.truncf %dot_general3A_536 : vector<256x1024xf32> to vector<256x1024xbf16>
    %add3A_538 = vector.broadcast %convert_element_type3A : vector<1x1024xbf16> to vector<256x1024xbf16>
    %add3A_539 = arith.addf %convert_element_type3A_537, %add3A_538 : vector<256x1024xbf16>
    %ge3A_540 = arith.constant 0.000000e+00 : bf16
    %ge3A_541 = vector.broadcast %ge3A_540 : bf16 to vector<256x1024xbf16>
    %ge3A_542 = arith.cmpf oge, %add3A_539, %ge3A_541 : vector<256x1024xbf16>
    %mul3A_543 = arith.constant 1.000980e-02 : bf16
    %mul3A_544 = vector.broadcast %mul3A_543 : bf16 to vector<256x1024xbf16>
    %mul3A_545 = arith.mulf %mul3A_544, %add3A_539 : vector<256x1024xbf16>
    %select_n3A_546 = arith.select %ge3A_542, %add3A_539, %mul3A_545 : vector<256x1024xi1>, vector<256x1024xbf16>
    %dot_general3A_547 = arith.constant dense<0.000000e+00> : vector<256x1024xf32>
    %dot_general3A_548 = tpu.matmul %select_n3A_546, %get3A_7, %dot_general3A_547 {dimension_numbers = #tpu.dot_dimension_numbers<[1], [0], [0], [1], [0, 0, 1, 1], [], []>, transpose_lhs_hint = false} : vector<256x1024xbf16>, vector<1024x1024xbf16>, vector<256x1024xf32> -> vector<256x1024xf32>
    %add3A_549 = vector.broadcast %get3A_13 : vector<1x1024xf32> to vector<256x1024xf32>
    %add3A_550 = arith.addf %dot_general3A_548, %add3A_549 : vector<256x1024xf32>
    %reduce_sum3A_551 = arith.constant dense<0.000000e+00> : vector<256xf32>
    %reduce_sum3A_552 = vector.multi_reduction <add>, %add3A_550, %reduce_sum3A_551 [1] : vector<256x1024xf32> to vector<256xf32>
    %broadcast_in_dim3A_553 = vector.shape_cast %reduce_sum3A_552 : vector<256xf32> to vector<256x1xf32>
    %div3A_554 = arith.constant 1.024000e+03 : f32
    %div3A_555 = vector.broadcast %div3A_554 : f32 to vector<256x1xf32>
    %div3A_556 = arith.divf %broadcast_in_dim3A_553, %div3A_555 : vector<256x1xf32>
    %sub3A_557 = vector.broadcast %div3A_556 : vector<256x1xf32> to vector<256x1024xf32>
    %sub3A_558 = arith.subf %add3A_550, %sub3A_557 : vector<256x1024xf32>
    %mul3A_559 = arith.mulf %sub3A_558, %sub3A_558 : vector<256x1024xf32>
    %reduce_sum3A_560 = arith.constant dense<0.000000e+00> : vector<256xf32>
    %reduce_sum3A_561 = vector.multi_reduction <add>, %mul3A_559, %reduce_sum3A_560 [1] : vector<256x1024xf32> to vector<256xf32>
    %broadcast_in_dim3A_562 = vector.shape_cast %reduce_sum3A_561 : vector<256xf32> to vector<256x1xf32>
    %div3A_563 = arith.constant 1.024000e+03 : f32
    %div3A_564 = vector.broadcast %div3A_563 : f32 to vector<256x1xf32>
    %div3A_565 = arith.divf %broadcast_in_dim3A_562, %div3A_564 : vector<256x1xf32>
    %add3A_566 = arith.constant 1.000000e-15 : f32
    %add3A_567 = vector.broadcast %add3A_566 : f32 to vector<256x1xf32>
    %add3A_568 = arith.addf %div3A_565, %add3A_567 : vector<256x1xf32>
    %rsqrt3A_569 = math.rsqrt %add3A_568 : vector<256x1xf32>
    %mul3A_570 = vector.broadcast %rsqrt3A_569 : vector<256x1xf32> to vector<256x1024xf32>
    %mul3A_571 = arith.mulf %sub3A_558, %mul3A_570 : vector<256x1024xf32>
    %mul3A_572 = vector.broadcast %get3A_16 : vector<1x1024xf32> to vector<256x1024xf32>
    %mul3A_573 = arith.mulf %mul3A_571, %mul3A_572 : vector<256x1024xf32>
    %add3A_574 = vector.broadcast %get3A_19 : vector<1x1024xf32> to vector<256x1024xf32>
    %add3A_575 = arith.addf %mul3A_573, %add3A_574 : vector<256x1024xf32>
    %swap3A_576 = arith.constant 1536 : index
    %swap3A_577 = arith.constant 0 : index
    %swap3A_578 = vector.load %arg11[%swap3A_576, %swap3A_577] : memref<2048x1024xf32, #tpu.memory_space<vmem>>, vector<256x1024xf32>
    tpu.vector_store %arg11[%swap3A_576, %swap3A_577], %add3A_575 {strides = array<i32>} : memref<2048x1024xf32, #tpu.memory_space<vmem>>, vector<256x1024xf32>,
    %get3A_579 = arith.constant 1792 : index
    %get3A_580 = arith.constant 0 : index
    %get3A_581 = vector.load %arg1[%get3A_579, %get3A_580] : memref<2048x128xf32, #tpu.memory_space<vmem>>, vector<256x64xf32>
    %convert_element_type3A_582 = arith.truncf %get3A_581 : vector<256x64xf32> to vector<256x64xbf16>
    %get3A_583 = arith.constant 1792 : index
    %get3A_584 = arith.constant 0 : index
    %get3A_585 = vector.load %arg2[%get3A_583, %get3A_584] : memref<2048x16xf32, #tpu.memory_space<vmem>>, vector<256x4xf32>
    %convert_element_type3A_586 = arith.truncf %get3A_585 : vector<256x4xf32> to vector<256x4xbf16>
    %get3A_587 = arith.constant 1792 : index
    %get3A_588 = arith.constant 0 : index
    %get3A_589 = vector.load %arg3[%get3A_587, %get3A_588] : memref<2048x16xi32, #tpu.memory_space<vmem>>, vector<256x3xi32>
    %slice3A_590 = vector.extract_strided_slice %get3A_589 {offsets = [0, 0], sizes = [256, 1], strides = [1, 1]} : vector<256x3xi32> to vector<256x1xi32>
    %slice3A_591 = vector.extract_strided_slice %get3A_589 {offsets = [0, 1], sizes = [256, 1], strides = [1, 1]} : vector<256x3xi32> to vector<256x1xi32>
    %eq3A_592 = arith.cmpi eq, %slice3A_590, %slice3A_591 : vector<256x1xi32>
    %convert_element_type3A_593 = arith.extui %eq3A_592 : vector<256x1xi1> to vector<256x1xi32>
    %convert_element_type3A_594 = arith.sitofp %convert_element_type3A_593 : vector<256x1xi32> to vector<256x1xf32>
    %convert_element_type3A_595 = arith.truncf %convert_element_type3A_594 : vector<256x1xf32> to vector<256x1xbf16>
    %iota3A_596 = tpu.iota {dimensions = array<i32: 1>} : vector<256x4xi32>
    %slice3A_597 = vector.extract_strided_slice %get3A_589 {offsets = [0, 2], sizes = [256, 1], strides = [1, 1]} : vector<256x3xi32> to vector<256x1xi32>
    %eq3A_598 = vector.broadcast %slice3A_597 : vector<256x1xi32> to vector<256x4xi32>
    %eq3A_599 = arith.cmpi eq, %eq3A_598, %iota3A_596 : vector<256x4xi32>
    %convert_element_type3A_600 = arith.extui %eq3A_599 : vector<256x4xi1> to vector<256x4xi32>
    %convert_element_type3A_601 = arith.sitofp %convert_element_type3A_600 : vector<256x4xi32> to vector<256x4xf32>
    %convert_element_type3A_602 = arith.truncf %convert_element_type3A_601 : vector<256x4xf32> to vector<256x4xbf16>
    %broadcast_in_dim3A_603 = arith.constant 1.000000e+00 : bf16
    %broadcast_in_dim3A_604 = vector.broadcast %broadcast_in_dim3A_603 : bf16 to vector<256x1xbf16>
    %concatenate3A_605 = tpu.concatenate %convert_element_type3A_586, %convert_element_type3A_595, %convert_element_type3A_602, %broadcast_in_dim3A_604 in 1 : vector<256x4xbf16>, vector<256x1xbf16>, vector<256x4xbf16>, vector<256x1xbf16> -> vector<256x10xbf16>
    %concatenate3A_606 = tpu.concatenate %convert_element_type3A_582, %concatenate3A_605 in 1 : vector<256x64xbf16>, vector<256x10xbf16> -> vector<256x74xbf16>
    %dot_general3A_607 = arith.constant dense<0.000000e+00> : vector<256x512xf32>
    %dot_general3A_608 = tpu.matmul %concatenate3A_606, %get3A_1, %dot_general3A_607 {dimension_numbers = #tpu.dot_dimension_numbers<[1], [0], [0], [1], [0, 0, 1, 1], [], []>, transpose_lhs_hint = false} : vector<256x74xbf16>, vector<74x512xbf16>, vector<256x512xf32> -> vector<256x512xf32>
    %convert_element_type3A_609 = arith.truncf %dot_general3A_608 : vector<256x512xf32> to vector<256x512xbf16>
    %ge3A_610 = arith.constant 0.000000e+00 : bf16
    %ge3A_611 = vector.broadcast %ge3A_610 : bf16 to vector<256x512xbf16>
    %ge3A_612 = arith.cmpf oge, %convert_element_type3A_609, %ge3A_611 : vector<256x512xbf16>
    %mul3A_613 = arith.constant 1.000980e-02 : bf16
    %mul3A_614 = vector.broadcast %mul3A_613 : bf16 to vector<256x512xbf16>
    %mul3A_615 = arith.mulf %mul3A_614, %convert_element_type3A_609 : vector<256x512xbf16>
    %select_n3A_616 = arith.select %ge3A_612, %convert_element_type3A_609, %mul3A_615 : vector<256x512xi1>, vector<256x512xbf16>
    %dot_general3A_617 = arith.constant dense<0.000000e+00> : vector<256x1024xf32>
    %dot_general3A_618 = tpu.matmul %select_n3A_616, %get3A_4, %dot_general3A_617 {dimension_numbers = #tpu.dot_dimension_numbers<[1], [0], [0], [1], [0, 0, 1, 1], [], []>, transpose_lhs_hint = false} : vector<256x512xbf16>, vector<512x1024xbf16>, vector<256x1024xf32> -> vector<256x1024xf32>
    %convert_element_type3A_619 = arith.truncf %dot_general3A_618 : vector<256x1024xf32> to vector<256x1024xbf16>
    %add3A_620 = vector.broadcast %convert_element_type3A : vector<1x1024xbf16> to vector<256x1024xbf16>
    %add3A_621 = arith.addf %convert_element_type3A_619, %add3A_620 : vector<256x1024xbf16>
    %ge3A_622 = arith.constant 0.000000e+00 : bf16
    %ge3A_623 = vector.broadcast %ge3A_622 : bf16 to vector<256x1024xbf16>
    %ge3A_624 = arith.cmpf oge, %add3A_621, %ge3A_623 : vector<256x1024xbf16>
    %mul3A_625 = arith.constant 1.000980e-02 : bf16
    %mul3A_626 = vector.broadcast %mul3A_625 : bf16 to vector<256x1024xbf16>
    %mul3A_627 = arith.mulf %mul3A_626, %add3A_621 : vector<256x1024xbf16>
    %select_n3A_628 = arith.select %ge3A_624, %add3A_621, %mul3A_627 : vector<256x1024xi1>, vector<256x1024xbf16>
    %dot_general3A_629 = arith.constant dense<0.000000e+00> : vector<256x1024xf32>
    %dot_general3A_630 = tpu.matmul %select_n3A_628, %get3A_7, %dot_general3A_629 {dimension_numbers = #tpu.dot_dimension_numbers<[1], [0], [0], [1], [0, 0, 1, 1], [], []>, transpose_lhs_hint = false} : vector<256x1024xbf16>, vector<1024x1024xbf16>, vector<256x1024xf32> -> vector<256x1024xf32>
    %add3A_631 = vector.broadcast %get3A_13 : vector<1x1024xf32> to vector<256x1024xf32>
    %add3A_632 = arith.addf %dot_general3A_630, %add3A_631 : vector<256x1024xf32>
    %reduce_sum3A_633 = arith.constant dense<0.000000e+00> : vector<256xf32>
    %reduce_sum3A_634 = vector.multi_reduction <add>, %add3A_632, %reduce_sum3A_633 [1] : vector<256x1024xf32> to vector<256xf32>
    %broadcast_in_dim3A_635 = vector.shape_cast %reduce_sum3A_634 : vector<256xf32> to vector<256x1xf32>
    %div3A_636 = arith.constant 1.024000e+03 : f32
    %div3A_637 = vector.broadcast %div3A_636 : f32 to vector<256x1xf32>
    %div3A_638 = arith.divf %broadcast_in_dim3A_635, %div3A_637 : vector<256x1xf32>
    %sub3A_639 = vector.broadcast %div3A_638 : vector<256x1xf32> to vector<256x1024xf32>
    %sub3A_640 = arith.subf %add3A_632, %sub3A_639 : vector<256x1024xf32>
    %mul3A_641 = arith.mulf %sub3A_640, %sub3A_640 : vector<256x1024xf32>
    %reduce_sum3A_642 = arith.constant dense<0.000000e+00> : vector<256xf32>
    %reduce_sum3A_643 = vector.multi_reduction <add>, %mul3A_641, %reduce_sum3A_642 [1] : vector<256x1024xf32> to vector<256xf32>
    %broadcast_in_dim3A_644 = vector.shape_cast %reduce_sum3A_643 : vector<256xf32> to vector<256x1xf32>
    %div3A_645 = arith.constant 1.024000e+03 : f32
    %div3A_646 = vector.broadcast %div3A_645 : f32 to vector<256x1xf32>
    %div3A_647 = arith.divf %broadcast_in_dim3A_644, %div3A_646 : vector<256x1xf32>
    %add3A_648 = arith.constant 1.000000e-15 : f32
    %add3A_649 = vector.broadcast %add3A_648 : f32 to vector<256x1xf32>
    %add3A_650 = arith.addf %div3A_647, %add3A_649 : vector<256x1xf32>
    %rsqrt3A_651 = math.rsqrt %add3A_650 : vector<256x1xf32>
    %mul3A_652 = vector.broadcast %rsqrt3A_651 : vector<256x1xf32> to vector<256x1024xf32>
    %mul3A_653 = arith.mulf %sub3A_640, %mul3A_652 : vector<256x1024xf32>
    %mul3A_654 = vector.broadcast %get3A_16 : vector<1x1024xf32> to vector<256x1024xf32>
    %mul3A_655 = arith.mulf %mul3A_653, %mul3A_654 : vector<256x1024xf32>
    %add3A_656 = vector.broadcast %get3A_19 : vector<1x1024xf32> to vector<256x1024xf32>
    %add3A_657 = arith.addf %mul3A_655, %add3A_656 : vector<256x1024xf32>
    %swap3A_658 = arith.constant 1792 : index
    %swap3A_659 = arith.constant 0 : index
    %swap3A_660 = vector.load %arg11[%swap3A_658, %swap3A_659] : memref<2048x1024xf32, #tpu.memory_space<vmem>>, vector<256x1024xf32>
    tpu.vector_store %arg11[%swap3A_658, %swap3A_659], %add3A_657 {strides = array<i32>} : memref<2048x1024xf32, #tpu.memory_space<vmem>>, vector<256x1024xf32>,
    return
  }
  func.func @transform_0(%arg0: i32) -> (i32, i32) {
    %c0_i32 = arith.constant 0 : i32
    %c0_i32_0 = arith.constant 0 : i32
    return %arg0, %c0_i32 : i32, i32
  }
  func.func @transform_1(%arg0: i32) -> (i32, i32) {
    %c0_i32 = arith.constant 0 : i32
    %c0_i32_0 = arith.constant 0 : i32
    return %arg0, %c0_i32 : i32, i32
  }
  func.func @transform_2(%arg0: i32) -> (i32, i32) {
    %c0_i32 = arith.constant 0 : i32
    %c0_i32_0 = arith.constant 0 : i32
    return %arg0, %c0_i32 : i32, i32
  }
  func.func @transform_3(%arg0: i32) -> (i32, i32) {
    %c0_i32 = arith.constant 0 : i32
    %c0_i32_0 = arith.constant 0 : i32
    %c0_i32_1 = arith.constant 0 : i32
    return %c0_i32, %c0_i32_0 : i32, i32
  }
  func.func @transform_4(%arg0: i32) -> (i32, i32) {
    %c0_i32 = arith.constant 0 : i32
    %c0_i32_0 = arith.constant 0 : i32
    %c0_i32_1 = arith.constant 0 : i32
    return %c0_i32, %c0_i32_0 : i32, i32
  }
  func.func @transform_5(%arg0: i32) -> (i32, i32) {
    %c0_i32 = arith.constant 0 : i32
    %c0_i32_0 = arith.constant 0 : i32
    %c0_i32_1 = arith.constant 0 : i32
    return %c0_i32, %c0_i32_0 : i32, i32
  }
  func.func @transform_6(%arg0: i32) -> (i32, i32) {
    %c0_i32 = arith.constant 0 : i32
    %c0_i32_0 = arith.constant 0 : i32
    %c0_i32_1 = arith.constant 0 : i32
    return %c0_i32, %c0_i32_0 : i32, i32
  }
  func.func @transform_7(%arg0: i32) -> (i32, i32) {
    %c0_i32 = arith.constant 0 : i32
    %c0_i32_0 = arith.constant 0 : i32
    %c0_i32_1 = arith.constant 0 : i32
    return %c0_i32, %c0_i32_0 : i32, i32
  }
  func.func @transform_8(%arg0: i32) -> (i32, i32) {
    %c0_i32 = arith.constant 0 : i32
    %c0_i32_0 = arith.constant 0 : i32
    %c0_i32_1 = arith.constant 0 : i32
    return %c0_i32, %c0_i32_0 : i32, i32
  }
  func.func @transform_9(%arg0: i32) -> (i32, i32) {
    %c0_i32 = arith.constant 0 : i32
    %c0_i32_0 = arith.constant 0 : i32
    %c0_i32_1 = arith.constant 0 : i32
    return %c0_i32, %c0_i32_0 : i32, i32
  }
  func.func @transform_10(%arg0: i32) -> (i32, i32) {
    %c0_i32 = arith.constant 0 : i32
    %c0_i32_0 = arith.constant 0 : i32
    return %arg0, %c0_i32 : i32, i32
  }
}

</mosaic_0001>

<sc_bundles>
// kernel: kernel.5.cloned.1.call-start
scs
__scs_entry_jumppad:
0x0: {  	(pc) =	sbr.rel $0x88, $3  }
0x1: {  	(tag) =	ssettag $0x0;
	lr =	simm.s32 $0x1  }
0x2: {  	[smem:$0x3F90] =	sst lr;
	_ =	strace $0xD0000000  }
0x3: {  	_ = 	snop  }
0x4: {  	_ = 	snop  }
0x5: {  	_ = 	snop  }
0x6: {  	_ = 	snop  }
0x7: {  	_ = 	snop  }
__scs_overlays_trampoline_lowered:
0x8: {  	[smem:$0x3F9F] =	sst s0  }
0x9: {  	[smem:$0x3FA0] =	sst s1  }
0xa: {  	[smem:$0x3FA1] =	sst s2  }
0xb: {  	[smem:$0x3FA2] =	sst s3  }
0xc: {  	[smem:$0x3FA3] =	sst s4  }
0xd: {  	[smem:$0x3FA4] =	sst s5  }
0xe: {  	[smem:$0x3FA5] =	sst s6  }
0xf: {  	[smem:$0x3FA6] =	sst s7  }
0x10: {  	[smem:$0x3FA7] =	sst s8  }
0x11: {  	[smem:$0x3FA8] =	sst s9;
	s0 =	simm.s32 @!p0 $0x0  }
0x12: {  	s1 =	sld [smem:$0x3F8E];
	s0 =	simm.s32 @p0 $0x1  }
0x13: {  	[smem:$0x3FA9] =	sst s0;
	s0 =	simm.s32 @!p1 $0x0  }
0x14: {  	s2 =	sld [smem:$0x3F8D];
	s0 =	simm.s32 @p1 $0x1  }
0x15: {  	[smem:$0x3FAA] =	sst s0;
	s0 =	simm.s32 @!p2 $0x0  }
0x16: {  	s3 =	sld [smem:$0x3FDB];
	s0 =	simm.s32 @p2 $0x1  }
0x17: {  	s4 =	simm.s32 $0x1BF5;
	[smem:$0x3FAC] =	sst s0  }
0x18: {  	s0 =	sld [smem:$0x3F8F];
	_ =	swait.ge [sflag:s4], $0x0  }
0x19: {  	s7 =	sld [smem:$0x3F90]  }
0x1a: {  	s8 =	sadd.s32 $0xFFFFE003, lr  }
0x1b: {  	s9 =	sadd.s32 $0xFFFFFEF7, lr;
	s5 =	simm.s32 $0xFFFFFFFF;
	p2 =	slt.u32 s8, $0xFFFFF086  }
0x1c: {  	p1 =	slt.u32 s9, $0xF7A;
	s5 =	simm.s32 @!p2 $0x0  }
0x1d: {  	s5 =	simm.s32 @p1 $0x1;
	p0 =	seq.s32 s7, s2  }
0x1e: {  	s7 =	smul.u32 @!p0 $0xF7A, s2;
	p2 =	seq.s32 @!p0 s5, $0x0  }
0x1f: {  	s9 =	smul.u32 $0xF7A, s1;
	s8 =	simm.s32 @!p0 $0x1BF5;
	p2 =	por !p2, p0  }
0x20: {  	[sflag:s8] =	ssyncset.s32 @!p0 $0xFFFFF086;
	s6 =	sadd.s32 @!p0 s3, s7;
	s7 =	simm.s32 @!p0 $0x108  }
0x21: {  	s3 =	sadd.s32 s3, s9;
	s6 =	sadd.s32 @!p0 $0x88, s6;
	s7 =	simm.s32 @p2 $0x1082  }
0x22: {  	[simem:s7], [sflag:s8] =	dma.local @!p0 [hbm:s6], $0xF7A  }
0x23: {  	s9 =	sor.u32 $0xD0000000, s2;
	s6 =	simm.s32 $0x108;
	_ =	swait.ge @!p0 [sflag:s8], $0x0  }
0x24: {  	s3 =	sadd.s32 $0x88, s3;
	s6 =	simm.s32 @!p1 $0x1082;
	[sflag:s4] =	ssyncset.s32 $0xFFFFF086  }
0x25: {  	[simem:s6], [sflag:s4] =	dma.local [hbm:s3], $0xF7A  }
0x26: {  	[smem:$0x3F90] =	sst s1;
	(tag) =	ssettag s2;
	_ =	strace s9  }
0x27: {  	s1 =	sld [smem:$0x3FA0]  }
0x28: {  	s2 =	sld [smem:$0x3FA1]  }
0x29: {  	s4 =	sld [smem:$0x3FA3]  }
0x2a: {  	p0 =	seq.s32 s5, $0x0;
	s5 =	sld [smem:$0x3FA4]  }
0x2b: {  	s6 =	sld [smem:$0x3FA5]  }
0x2c: {  	s7 =	sld [smem:$0x3FA6]  }
0x2d: {  	s3 =	simm.s32 $0x108;
	s8 =	sld [smem:$0x3FA7]  }
0x2e: {  	s3 =	simm.s32 @!p0 $0x1082;
	s9 =	sld [smem:$0x3FA8]  }
0x2f: {  	lr =	sadd.s32 s0, s3;
	s0 =	sld [smem:$0x3F9F]  }
0x30: {  	s3 =	sld [smem:$0x3FA2]  }
0x31: {  	[smem:$0x3FAB] =	sst s10  }
0x32: {  	s10 =	sld [smem:$0x3FA9];
	_ =	sdelay $0x3  }
0x33: {  	p0 =	seq.s32 s10, $0x1;
	s10 =	sld [smem:$0x3FAB];
	_ =	sdelay $0x3  }
0x34: {  	[smem:$0x3FAB] =	sst s10  }
0x35: {  	s10 =	sld [smem:$0x3FAA];
	_ =	sdelay $0x3  }
0x36: {  	p1 =	seq.s32 s10, $0x1;
	s10 =	sld [smem:$0x3FAB];
	_ =	sdelay $0x3  }
0x37: {  	[smem:$0x3FAB] =	sst s10  }
0x38: {  	s10 =	sld [smem:$0x3FAC]  }
0x39: {  	_ = 	snop;
	(pc) =	sbr.ind lr, $3  }
0x3a: {  	_ = 	snop  }
0x3b: {  	_ = 	snop  }
0x3c: {  	p2 =	seq.s32 s10, $0x1;
	s10 =	sld [smem:$0x3FAB]  }
0x3d: {  	_ =	shalt  }
0x3e: {  	_ =	shalt  }
0x3f: {  	_ =	shalt  }
0x40: {  	_ =	shalt  }
0x41: {  	_ =	shalt  }
0x42: {  	_ =	shalt  }
0x43: {  	_ =	shalt  }
0x44: {  	_ =	shalt  }
0x45: {  	_ =	shalt  }
0x46: {  	_ =	shalt  }
0x47: {  	_ =	shalt  }
0x48: {  	_ =	shalt  }
0x49: {  	_ =	shalt  }
0x4a: {  	_ =	shalt  }
0x4b: {  	_ =	shalt  }
0x4c: {  	_ =	shalt  }
0x4d: {  	_ =	shalt  }
0x4e: {  	_ =	shalt  }
0x4f: {  	_ =	shalt  }
0x50: {  	_ =	shalt  }
0x51: {  	_ =	shalt  }
0x52: {  	_ =	shalt  }
0x53: {  	_ =	shalt  }
0x54: {  	_ =	shalt  }
0x55: {  	_ =	shalt  }
0x56: {  	_ =	shalt  }
0x57: {  	_ =	shalt  }
0x58: {  	_ =	shalt  }
0x59: {  	_ =	shalt  }
0x5a: {  	_ =	shalt  }
0x5b: {  	_ =	shalt  }
0x5c: {  	_ =	shalt  }
0x5d: {  	_ =	shalt  }
0x5e: {  	_ =	shalt  }
0x5f: {  	_ =	shalt  }
0x60: {  	_ =	shalt  }
0x61: {  	_ =	shalt  }
0x62: {  	_ =	shalt  }
0x63: {  	_ =	shalt  }
0x64: {  	_ =	shalt  }
0x65: {  	_ =	shalt  }
0x66: {  	_ =	shalt  }
0x67: {  	_ =	shalt  }
0x68: {  	_ =	shalt  }
0x69: {  	_ =	shalt  }
0x6a: {  	_ =	shalt  }
0x6b: {  	_ =	shalt  }
0x6c: {  	_ =	shalt  }
0x6d: {  	_ =	shalt  }
0x6e: {  	_ =	shalt  }
0x6f: {  	_ =	shalt  }
0x70: {  	_ =	shalt  }
0x71: {  	_ =	shalt  }
0x72: {  	_ =	shalt  }
0x73: {  	_ =	shalt  }
0x74: {  	_ =	shalt  }
0x75: {  	_ =	shalt  }
0x76: {  	_ =	shalt  }
0x77: {  	_ =	shalt  }
0x78: {  	_ =	shalt  }
0x79: {  	_ =	shalt  }
0x7a: {  	_ =	shalt  }
0x7b: {  	_ =	shalt  }
0x7c: {  	_ =	shalt  }
0x7d: {  	_ =	shalt  }
0x7e: {  	_ =	shalt  }
0x7f: {  	_ =	shalt  }
0x80: {  	_ =	shalt  }
0x81: {  	_ =	shalt  }
0x82: {  	_ =	shalt  }
0x83: {  	_ =	shalt  }
0x84: {  	_ =	shalt  }
0x85: {  	_ =	shalt  }
0x86: {  	_ =	shalt  }
0x87: {  	_ =	shalt  }
.Lfunc_end0:
.L_simem_size_0:
called_computation_lowered:
.L_overlay_start_0:
0x88: {  	s2 =	sld [smem:$0x3FD9]  }
0x89: {  	s3 =	sld [smem:$0x3FFE];
	_ =	sdelay $0x1  }
0x8a: {  	s1 =	srdreg.scid  }
0x8b: {  	s0 =	sand.u32 $0x1, s1  }
0x8c: {  	s17 =	sshll.u32 s0, $0xA;
	s2 =	sadd.s32 s3, s2  }
0x8d: {  	s2 =	sadd.s32 s2, s17  }
0x8e: {  	[smem:$0x3FB7] =	sst s2  }
0x8f: {  	_ = 	snop  }
0x90: {  	s2 =	sld [smem:$0x3FD0];
	(tm) =	ssettm $0x1  }
0x91: {  	s18 =	sld [smem:$0x3FFB];
	_ =	sdelay $0x3  }
0x92: {  	_ =	strace s18  }
0x93: {  	s3 =	sld [smem:$0x3FFC];
	_ =	sdelay $0x3  }
0x94: {  	_ =	strace s3  }
0x95: {  	s3 =	sld [smem:$0x3FFD];
	_ =	sdelay $0x3  }
0x96: {  	_ =	strace s3  }
0x97: {  	_ =	strace $0x8FFFFFFF  }
0x98: {  	s19 =	sld [smem:$0x3FDB];
	_ =	sdelay $0x1  }
0x99: {  	s4 =	simm.s32 $_scs_section_size  }
0x9a: {  	s5 =	simm.s32 $_size__tile_overlayer_lowered;
	s6 =	simm.s32 $_tile_overlayer_lowered  }
0x9b: {  	s22 =	simm.s32 $0x1BFF;
	s21 =	sshll.u32 s6, $0x1;
	s3 =	sadd.s32 s4, s19  }
0x9c: {  	s7 =	simm.s32 $0x0;
	s20 =	sshll.u32 s5, $0x1;
	s5 =	sadd.s32 s21, s3  }
0x9d: {  	[timem:s7], [sflag:s22] =	dma.local [hbm:s5], s20  }
0x9e: {  	_ =	swait.ge [sflag:s22], s20  }
0x9f: {  	s4 =	ssub.s32 $0x0, s20;
	[sflag:s22] =	ssyncset.done $0x0  }
0xa0: {  	[sflag:s22] =	ssyncadd.s32 s4;
	_ =	sdelay $0x1  }
0xa1: {  	s23 =	simm.s32 $0x1B8B  }
0xa2: {  	_ =	swait.ge [sflag:s23], $0x1  }
0xa3: {  	[sflag:s23] =	ssyncset.done $0x0  }
0xa4: {  	s25 =	simm.s32 $0x1B8E;
	s24 =	sld [smem:$0x3FFE];
	[sflag:s23] =	ssyncadd.s32 $0xFFFFFFFF  }
0xa5: {  	s26 =	simm.s32 $execute0_lowered;
	[smem:$0x3FD2] =	sst s25  }
0xa6: {  	s5 =	sshll.u32 s26, $0x1;
	_ =	strace $0x80000046;
	[dreg:$0x1] =	wrdreg $0xFFFFFFFF  }
0xa7: {  	s28 =	simm.s32 $_size_execute0_lowered;
	s3 =	sadd.s32 s3, s5;
	[dreg:$0x0] =	wrdreg $0x0  }
0xa8: {  	s5 =	sshll.u32 s28, $0x1;
	[dreg:$0x2] =	wrdreg s3  }
0xa9: {  	[dreg:$0x3] =	wrdreg s5  }
0xaa: {  	[dreg:$0x4] =	wrdreg $0xC0  }
0xab: {  	_ =	task [dreg:s7], $0x5FFFF  }
0xac: {  	[dreg:$0x1] =	wrdreg $0xFFFFFFFF  }
0xad: {  	[dreg:$0x0] =	wrdreg $0x60  }
0xae: {  	[dreg:$0x2] =	wrdreg s2  }
0xaf: {  	[dreg:$0x3] =	wrdreg s24  }
0xb0: {  	[dreg:$0x4] =	wrdreg $0x9  }
0xb1: {  	_ =	task.clear_ibuf [dreg:s7], $0x5FFFF;
	_ =	strace $0x90000046  }
0xb2: {  	s29 =	simm.s32 $0x9;
	_ =	strace $0x80000048  }
0xb3: {  	_ =	swait.ge [sflag:s29], $0x1  }
0xb4: {  	[sflag:s29] =	ssyncadd.s32 $0xFFFFFFFF  }
0xb5: {  	_ =	strace $0x90000048  }
0xb6: {  	_ =	sfence  }
0xb7: {  	s30 =	sld [smem:$0x0];
	_ =	sdelay $0x2  }
0xb8: {  	s31 =	sshll.u32 s1, $0xD;
	s1 =	sshrl.u32 s1, $0x2  }
0xb9: {  	s3 =	sand.u32 $0x4000, s31;
	s1 =	sadd.s32 s1, s30  }
0xba: {  	s0 =	sor.u32 s3, s0;
	s1 =	sshll.u32 s1, $0x11  }
0xbb: {  	s0 =	sor.u32 s1, s0  }
0xbc: {  	s0 =	sadd.s32 $0x8F2B, s0  }
0xbd: {  	[sflag:s0] =	ssyncadd.remote.s32 $0x1  }
0xbe: {  	_ =	sfence.sel $0xFFFF  }
0xbf: {  	[dreg:$0x0] =	wrdreg $0xFFFFFFFF;
	(pc) =	sbr.abs _section_cstart, $3  }
0xc0: {  	[dreg:$0x1] =	wrdreg $0xFFFFFFFF  }
0xc1: {  	_ =	task.clear_ibuf [dreg:s7], $0x2FFFF;
	_ =	strace $0x9FFFFFFF  }
0xc2: {  	(tm) =	ssettm $0x7FFFFFFF  }
0xc3: {  	_ =	shalt  }
tec
execute0_lowered:
.L_overlay_start_1:
0x0: {  	(tag) =	ssettag $0x1  }
0x1: {  	s1 =	srdreg.scid  }
0x2: {  	s0 =	stileid.u32;
	s1 =	sand.u32 $0x1, s1  }
0x3: {  	s3 =	sshll.u32 s0, $0xC;
	s4 =	sshll.u32 s1, $0xB  }
0x4: {  	s2 =	rddreg [dreg:$0x0];
	s4 =	sor.u32 s4, s3  }
0x5: {  	s5 =	rddreg [dreg:$0x1];
	s6 =	sshrl.u32 s4, $0x3  }
0x6: {  	s3 =	simm.s32 $0x0;
	s4 =	sshll.u32 s4, $0x4;
	s6 =	sadd.s32 s6, s5  }
0x7: {  	[smem:$0x7FF] =	sst s3;
	s31 =	sadd.s32 s4, s5;
	s16 =	sadd.s32 $0x2200, s6  }
0x8: {  	_ =	strace $0x80000047;
	s17 =	sadd.s32 $0x4200, s31;
	[dreg:$0x3] =	wrdreg s16  }
0x9: {  	s18 =	sadd.s32 $0x4A00, s31;
	[dreg:$0x4] =	wrdreg s17  }
0xa: {  	s19 =	sadd.s32 $0x5200, s31;
	[dreg:$0x5] =	wrdreg s18  }
0xb: {  	s20 =	sadd.s32 $0x5A00, s31;
	[dreg:$0x6] =	wrdreg s19  }
0xc: {  	s21 =	sadd.s32 $0x6200, s31;
	[dreg:$0x7] =	wrdreg s20  }
0xd: {  	s22 =	sadd.s32 $0x6A00, s31;
	[dreg:$0x8] =	wrdreg s21  }
0xe: {  	s23 =	sadd.s32 $0x7200, s31;
	[dreg:$0x9] =	wrdreg s22  }
0xf: {  	s24 =	sadd.s32 $0x7A00, s31;
	[dreg:$0xa] =	wrdreg s23  }
0x10: {  	s26 =	sadd.s32 $0x8200, s31;
	[dreg:$0xb] =	wrdreg s24  }
0x11: {  	[dreg:$0xc] =	wrdreg s26  }
0x12: {  	s4 =	simm.s32 $0x3;
	s25 =	rddreg [dreg:$0x3]  }
0x13: {  	[tilespmem:s3], [sflag:$0x3] =	stream.linear.gather [hbm4b:s25+s3], $0x800, $0x38;
	[tilespmem:$0x8800] =	vst v63  }
0x14: {  	_ =	swait.ge [sflag:s4], $0x800  }
0x15: {  	[sflag:s4] =	ssyncset.done $0x0  }
0x16: {  	s5 =	simm.s32 $0x80;
	s6 =	simm.s32 $0x800;
	[sflag:s4] =	ssyncadd.s32 $0xFFFFF800  }
0x17: {  	[tilespmem:s6], [sflag:$0x1] =	stream.indirect.gather [hbm4b:s2+s5], $0x80, s3, s5, $0xb8;
	[tilespmem:$0x8800] =	vst v63  }
0x18: {  	s7 =	simm.s32 $0x4800;
	s8 =	simm.s32 $0x1  }
0x19: {  	[tilespmem:s7], [sflag:$0x2] =	stream.indirect.gather [hbm4b:s2+s5], $0x80, s5, s5, $0xb8;
	[tilespmem:$0x8800] =	vst v63  }
0x1a: {  	_ =	swait.ge [sflag:s8], $0x4000  }
0x1b: {  	[sflag:s8] =	ssyncset.done $0x0  }
0x1c: {  	s9 =	rddreg [dreg:$0x4];
	[sflag:s8] =	ssyncadd.s32 $0xFFFFC000  }
0x1d: {  	[hbm4b:s9+s3] =	stream.linear.scatter [tilespmem:s6], [sflag:$0x3], $0x4000, $0x38;
	[tilespmem:$0x8800] =	vst v63  }
0x1e: {  	_ =	swait.ge [sflag:s4], $0x4000  }
0x1f: {  	[sflag:s4] =	ssyncset.done $0x0  }
0x20: {  	s10 =	simm.s32 $0x2;
	s9 =	simm.s32 $0x100;
	[sflag:s4] =	ssyncadd.s32 $0xFFFFC000  }
0x21: {  	[tilespmem:s6], [sflag:$0x1] =	stream.indirect.gather [hbm4b:s2+s5], $0x80, s9, s5, $0xb8;
	[tilespmem:$0x8800] =	vst v63  }
0x22: {  	_ =	swait.ge [sflag:s10], $0x4000  }
0x23: {  	[sflag:s10] =	ssyncset.done $0x0  }
0x24: {  	s11 =	rddreg [dreg:$0x5];
	[sflag:s10] =	ssyncadd.s32 $0xFFFFC000  }
0x25: {  	[hbm4b:s11+s3] =	stream.linear.scatter [tilespmem:s7], [sflag:$0x3], $0x4000, $0x38;
	[tilespmem:$0x8800] =	vst v63  }
0x26: {  	_ =	swait.ge [sflag:s4], $0x4000  }
0x27: {  	[sflag:s4] =	ssyncset.done $0x0  }
0x28: {  	s11 =	simm.s32 $0x180;
	[sflag:s4] =	ssyncadd.s32 $0xFFFFC000  }
0x29: {  	[tilespmem:s7], [sflag:$0x2] =	stream.indirect.gather [hbm4b:s2+s5], $0x80, s11, s5, $0xb8;
	[tilespmem:$0x8800] =	vst v63  }
0x2a: {  	_ =	swait.ge [sflag:s8], $0x4000  }
0x2b: {  	[sflag:s8] =	ssyncset.done $0x0  }
0x2c: {  	s12 =	rddreg [dreg:$0x6];
	[sflag:s8] =	ssyncadd.s32 $0xFFFFC000  }
0x2d: {  	[hbm4b:s12+s3] =	stream.linear.scatter [tilespmem:s6], [sflag:$0x3], $0x4000, $0x38;
	[tilespmem:$0x8800] =	vst v63  }
0x2e: {  	_ =	swait.ge [sflag:s4], $0x4000  }
0x2f: {  	[sflag:s4] =	ssyncset.done $0x0  }
0x30: {  	s12 =	simm.s32 $0x200;
	[sflag:s4] =	ssyncadd.s32 $0xFFFFC000  }
0x31: {  	[tilespmem:s6], [sflag:$0x1] =	stream.indirect.gather [hbm4b:s2+s5], $0x80, s12, s5, $0xb8;
	[tilespmem:$0x8800] =	vst v63  }
0x32: {  	_ =	swait.ge [sflag:s10], $0x4000  }
0x33: {  	[sflag:s10] =	ssyncset.done $0x0  }
0x34: {  	s13 =	rddreg [dreg:$0x7];
	[sflag:s10] =	ssyncadd.s32 $0xFFFFC000  }
0x35: {  	[hbm4b:s13+s3] =	stream.linear.scatter [tilespmem:s7], [sflag:$0x3], $0x4000, $0x38;
	[tilespmem:$0x8800] =	vst v63  }
0x36: {  	_ =	swait.ge [sflag:s4], $0x4000  }
0x37: {  	[sflag:s4] =	ssyncset.done $0x0  }
0x38: {  	s13 =	simm.s32 $0x280;
	[sflag:s4] =	ssyncadd.s32 $0xFFFFC000  }
0x39: {  	[tilespmem:s7], [sflag:$0x2] =	stream.indirect.gather [hbm4b:s2+s5], $0x80, s13, s5, $0xb8;
	[tilespmem:$0x8800] =	vst v63  }
0x3a: {  	_ =	swait.ge [sflag:s8], $0x4000  }
0x3b: {  	[sflag:s8] =	ssyncset.done $0x0  }
0x3c: {  	s14 =	rddreg [dreg:$0x8];
	[sflag:s8] =	ssyncadd.s32 $0xFFFFC000  }
0x3d: {  	[hbm4b:s14+s3] =	stream.linear.scatter [tilespmem:s6], [sflag:$0x3], $0x4000, $0x38;
	[tilespmem:$0x8800] =	vst v63  }
0x3e: {  	_ =	swait.ge [sflag:s4], $0x4000  }
0x3f: {  	[sflag:s4] =	ssyncset.done $0x0  }
0x40: {  	s14 =	simm.s32 $0x300;
	[sflag:s4] =	ssyncadd.s32 $0xFFFFC000  }
0x41: {  	[tilespmem:s6], [sflag:$0x1] =	stream.indirect.gather [hbm4b:s2+s5], $0x80, s14, s5, $0xb8;
	[tilespmem:$0x8800] =	vst v63  }
0x42: {  	_ =	swait.ge [sflag:s10], $0x4000  }
0x43: {  	[sflag:s10] =	ssyncset.done $0x0  }
0x44: {  	s15 =	rddreg [dreg:$0x9];
	[sflag:s10] =	ssyncadd.s32 $0xFFFFC000  }
0x45: {  	[hbm4b:s15+s3] =	stream.linear.scatter [tilespmem:s7], [sflag:$0x3], $0x4000, $0x38;
	[tilespmem:$0x8800] =	vst v63  }
0x46: {  	_ =	swait.ge [sflag:s4], $0x4000  }
0x47: {  	[sflag:s4] =	ssyncset.done $0x0  }
0x48: {  	s15 =	simm.s32 $0x380;
	[sflag:s4] =	ssyncadd.s32 $0xFFFFC000  }
0x49: {  	[tilespmem:s7], [sflag:$0x2] =	stream.indirect.gather [hbm4b:s2+s5], $0x80, s15, s5, $0xb8;
	[tilespmem:$0x8800] =	vst v63  }
0x4a: {  	_ =	swait.ge [sflag:s8], $0x4000  }
0x4b: {  	[sflag:s8] =	ssyncset.done $0x0  }
0x4c: {  	s16 =	rddreg [dreg:$0xa];
	[sflag:s8] =	ssyncadd.s32 $0xFFFFC000  }
0x4d: {  	[hbm4b:s16+s3] =	stream.linear.scatter [tilespmem:s6], [sflag:$0x3], $0x4000, $0x38;
	[tilespmem:$0x8800] =	vst v63  }
0x4e: {  	_ =	swait.ge [sflag:s4], $0x4000  }
0x4f: {  	[sflag:s4] =	ssyncset.done $0x0  }
0x50: {  	s16 =	simm.s32 $0x400;
	[sflag:s4] =	ssyncadd.s32 $0xFFFFC000  }
0x51: {  	[tilespmem:s6], [sflag:$0x1] =	stream.indirect.gather [hbm4b:s2+s5], $0x80, s16, s5, $0xb8;
	[tilespmem:$0x8800] =	vst v63  }
0x52: {  	_ =	swait.ge [sflag:s10], $0x4000  }
0x53: {  	[sflag:s10] =	ssyncset.done $0x0  }
0x54: {  	s17 =	rddreg [dreg:$0xb];
	[sflag:s10] =	ssyncadd.s32 $0xFFFFC000  }
0x55: {  	[hbm4b:s17+s3] =	stream.linear.scatter [tilespmem:s7], [sflag:$0x3], $0x4000, $0x38;
	[tilespmem:$0x8800] =	vst v63  }
0x56: {  	_ =	swait.ge [sflag:s4], $0x4000  }
0x57: {  	[sflag:s4] =	ssyncset.done $0x0  }
0x58: {  	s17 =	simm.s32 $0x480;
	[sflag:s4] =	ssyncadd.s32 $0xFFFFC000  }
0x59: {  	[tilespmem:s7], [sflag:$0x2] =	stream.indirect.gather [hbm4b:s2+s5], $0x80, s17, s5, $0xb8;
	[tilespmem:$0x8800] =	vst v63  }
0x5a: {  	_ =	swait.ge [sflag:s8], $0x4000  }
0x5b: {  	[sflag:s8] =	ssyncset.done $0x0  }
0x5c: {  	s18 =	rddreg [dreg:$0xc];
	[sflag:s8] =	ssyncadd.s32 $0xFFFFC000  }
0x5d: {  	[hbm4b:s18+s3] =	stream.linear.scatter [tilespmem:s6], [sflag:$0x3], $0x4000, $0x38;
	[tilespmem:$0x8800] =	vst v63  }
0x5e: {  	_ =	swait.ge [sflag:s4], $0x4000  }
0x5f: {  	[sflag:s4] =	ssyncset.done $0x0  }
0x60: {  	s18 =	simm.s32 $0x500;
	[sflag:s4] =	ssyncadd.s32 $0xFFFFC000  }
0x61: {  	[tilespmem:s6], [sflag:$0x1] =	stream.indirect.gather [hbm4b:s2+s5], $0x80, s18, s5, $0xb8;
	[tilespmem:$0x8800] =	vst v63  }
0x62: {  	_ =	swait.ge [sflag:s10], $0x4000  }
0x63: {  	[sflag:s10] =	ssyncset.done $0x0  }
0x64: {  	s19 =	sadd.s32 $0x8A00, s31;
	[sflag:s10] =	ssyncadd.s32 $0xFFFFC000  }
0x65: {  	[hbm4b:s19+s3] =	stream.linear.scatter [tilespmem:s7], [sflag:$0x3], $0x4000, $0x38;
	[tilespmem:$0x8800] =	vst v63  }
0x66: {  	_ =	swait.ge [sflag:s4], $0x4000  }
0x67: {  	[sflag:s4] =	ssyncset.done $0x0  }
0x68: {  	s20 =	simm.s32 $0x580;
	[sflag:s4] =	ssyncadd.s32 $0xFFFFC000  }
0x69: {  	[tilespmem:s7], [sflag:$0x2] =	stream.indirect.gather [hbm4b:s2+s5], $0x80, s20, s5, $0xb8;
	[tilespmem:$0x8800] =	vst v63  }
0x6a: {  	_ =	swait.ge [sflag:s8], $0x4000  }
0x6b: {  	[sflag:s8] =	ssyncset.done $0x0  }
0x6c: {  	s21 =	sadd.s32 $0x9200, s31;
	[sflag:s8] =	ssyncadd.s32 $0xFFFFC000  }
0x6d: {  	[hbm4b:s21+s3] =	stream.linear.scatter [tilespmem:s6], [sflag:$0x3], $0x4000, $0x38;
	[tilespmem:$0x8800] =	vst v63  }
0x6e: {  	_ =	swait.ge [sflag:s4], $0x4000  }
0x6f: {  	[sflag:s4] =	ssyncset.done $0x0  }
0x70: {  	s22 =	simm.s32 $0x600;
	[sflag:s4] =	ssyncadd.s32 $0xFFFFC000  }
0x71: {  	[tilespmem:s6], [sflag:$0x1] =	stream.indirect.gather [hbm4b:s2+s5], $0x80, s22, s5, $0xb8;
	[tilespmem:$0x8800] =	vst v63  }
0x72: {  	_ =	swait.ge [sflag:s10], $0x4000  }
0x73: {  	[sflag:s10] =	ssyncset.done $0x0  }
0x74: {  	s23 =	sadd.s32 $0x9A00, s31;
	[sflag:s10] =	ssyncadd.s32 $0xFFFFC000  }
0x75: {  	[hbm4b:s23+s3] =	stream.linear.scatter [tilespmem:s7], [sflag:$0x3], $0x4000, $0x38;
	[tilespmem:$0x8800] =	vst v63  }
0x76: {  	_ =	swait.ge [sflag:s4], $0x4000  }
0x77: {  	[sflag:s4] =	ssyncset.done $0x0  }
0x78: {  	s24 =	simm.s32 $0x680;
	[sflag:s4] =	ssyncadd.s32 $0xFFFFC000  }
0x79: {  	[tilespmem:s7], [sflag:$0x2] =	stream.indirect.gather [hbm4b:s2+s5], $0x80, s24, s5, $0xb8;
	[tilespmem:$0x8800] =	vst v63  }
0x7a: {  	_ =	swait.ge [sflag:s8], $0x4000  }
0x7b: {  	[sflag:s8] =	ssyncset.done $0x0  }
0x7c: {  	s25 =	sadd.s32 $0xA200, s31;
	[sflag:s8] =	ssyncadd.s32 $0xFFFFC000  }
0x7d: {  	[hbm4b:s25+s3] =	stream.linear.scatter [tilespmem:s6], [sflag:$0x3], $0x4000, $0x38;
	[tilespmem:$0x8800] =	vst v63  }
0x7e: {  	_ =	swait.ge [sflag:s4], $0x4000  }
0x7f: {  	[sflag:s4] =	ssyncset.done $0x0  }
0x80: {  	s26 =	simm.s32 $0x700;
	[sflag:s4] =	ssyncadd.s32 $0xFFFFC000  }
0x81: {  	[tilespmem:s6], [sflag:$0x1] =	stream.indirect.gather [hbm4b:s2+s5], $0x80, s26, s5, $0xb8;
	[tilespmem:$0x8800] =	vst v63  }
0x82: {  	_ =	swait.ge [sflag:s10], $0x4000  }
0x83: {  	[sflag:s10] =	ssyncset.done $0x0  }
0x84: {  	s28 =	sadd.s32 $0xAA00, s31;
	[sflag:s10] =	ssyncadd.s32 $0xFFFFC000  }
0x85: {  	[hbm4b:s28+s3] =	stream.linear.scatter [tilespmem:s7], [sflag:$0x3], $0x4000, $0x38;
	[tilespmem:$0x8800] =	vst v63  }
0x86: {  	_ =	swait.ge [sflag:s4], $0x4000  }
0x87: {  	[sflag:s4] =	ssyncset.done $0x0  }
0x88: {  	s29 =	simm.s32 $0x780;
	[sflag:s4] =	ssyncadd.s32 $0xFFFFC000  }
0x89: {  	[tilespmem:s7], [sflag:$0x2] =	stream.indirect.gather [hbm4b:s2+s5], $0x80, s29, s5, $0xb8;
	[tilespmem:$0x8800] =	vst v63  }
0x8a: {  	_ =	swait.ge [sflag:s8], $0x4000  }
0x8b: {  	s1 =	ssub.s32 $0x2, s1;
	[sflag:s8] =	ssyncset.done $0x0  }
0x8c: {  	s0 =	sshrl.u32 s1, $0x1;
	s30 =	sadd.s32 $0xB200, s31;
	[sflag:s8] =	ssyncadd.s32 $0xFFFFC000  }
0x8d: {  	[hbm4b:s30+s3] =	stream.linear.scatter [tilespmem:s6], [sflag:$0x3], $0x4000, $0x38;
	[tilespmem:$0x8800] =	vst v63  }
0x8e: {  	s0 =	ssub.s32 s1, s0;
	_ =	swait.ge [sflag:s4], $0x4000  }
0x8f: {  	s0 =	smax.u32 s0, $0x1;
	[sflag:s4] =	ssyncset.done $0x0  }
0x90: {  	p0 =	sne.s32 s0, $0x1;
	[sflag:s4] =	ssyncadd.s32 $0xFFFFC000  }
.Ltmp0:
0x91: {  	_ =	swait.ge [sflag:s10], $0x4000;
	(pc) =	sbr.rel @!p0 .LBB2_2-.Ltmp0, $4  }
0x92: {  	[sflag:s10] =	ssyncset.done $0x0  }
0x93: {  	s31 =	sadd.s32 $0xBA00, s31;
	[sflag:s10] =	ssyncadd.s32 $0xFFFFC000  }
0x94: {  	[hbm4b:s31+s3] =	stream.linear.scatter [tilespmem:s7], [sflag:$0x3], $0x4000, $0x38;
	[tilespmem:$0x8800] =	vst v63  }
0x95: {  	s1 =	sadd.s32 $0xFFFFFFFF, s0;
	_ =	swait.ge [sflag:s4], $0x4000  }
.LBB2_1:
0x96: {  	[sflag:s4] =	ssyncset.done $0x0  }
0x97: {  	s0 =	rddreg [dreg:$0x3];
	[sflag:s4] =	ssyncadd.s32 $0xFFFFC000  }
0x98: {  	[tilespmem:s3], [sflag:$0x3] =	stream.linear.gather [hbm4b:s0+s3], $0x800, $0x38;
	[tilespmem:$0x8800] =	vst v63  }
0x99: {  	_ =	swait.ge [sflag:s4], $0x800  }
0x9a: {  	[sflag:s4] =	ssyncset.done $0x0  }
0x9b: {  	[sflag:s4] =	ssyncadd.s32 $0xFFFFF800  }
0x9c: {  	[tilespmem:s6], [sflag:$0x1] =	stream.indirect.gather [hbm4b:s2+s5], $0x80, s3, s5, $0xb8;
	[tilespmem:$0x8800] =	vst v63  }
0x9d: {  	_ = 	snop  }
0x9e: {  	[tilespmem:s7], [sflag:$0x2] =	stream.indirect.gather [hbm4b:s2+s5], $0x80, s5, s5, $0xb8;
	[tilespmem:$0x8800] =	vst v63  }
0x9f: {  	_ =	swait.ge [sflag:s8], $0x4000  }
0xa0: {  	[sflag:s8] =	ssyncset.done $0x0  }
0xa1: {  	s0 =	rddreg [dreg:$0x4];
	[sflag:s8] =	ssyncadd.s32 $0xFFFFC000  }
0xa2: {  	[hbm4b:s0+s3] =	stream.linear.scatter [tilespmem:s6], [sflag:$0x3], $0x4000, $0x38;
	[tilespmem:$0x8800] =	vst v63  }
0xa3: {  	_ =	swait.ge [sflag:s4], $0x4000  }
0xa4: {  	[sflag:s4] =	ssyncset.done $0x0  }
0xa5: {  	[sflag:s4] =	ssyncadd.s32 $0xFFFFC000  }
0xa6: {  	[tilespmem:s6], [sflag:$0x1] =	stream.indirect.gather [hbm4b:s2+s5], $0x80, s9, s5, $0xb8;
	[tilespmem:$0x8800] =	vst v63  }
0xa7: {  	_ =	swait.ge [sflag:s10], $0x4000  }
0xa8: {  	[sflag:s10] =	ssyncset.done $0x0  }
0xa9: {  	s0 =	rddreg [dreg:$0x5];
	[sflag:s10] =	ssyncadd.s32 $0xFFFFC000  }
0xaa: {  	[hbm4b:s0+s3] =	stream.linear.scatter [tilespmem:s7], [sflag:$0x3], $0x4000, $0x38;
	[tilespmem:$0x8800] =	vst v63  }
0xab: {  	_ =	swait.ge [sflag:s4], $0x4000  }
0xac: {  	[sflag:s4] =	ssyncset.done $0x0  }
0xad: {  	[sflag:s4] =	ssyncadd.s32 $0xFFFFC000  }
0xae: {  	[tilespmem:s7], [sflag:$0x2] =	stream.indirect.gather [hbm4b:s2+s5], $0x80, s11, s5, $0xb8;
	[tilespmem:$0x8800] =	vst v63  }
0xaf: {  	_ =	swait.ge [sflag:s8], $0x4000  }
0xb0: {  	[sflag:s8] =	ssyncset.done $0x0  }
0xb1: {  	s0 =	rddreg [dreg:$0x6];
	[sflag:s8] =	ssyncadd.s32 $0xFFFFC000  }
0xb2: {  	[hbm4b:s0+s3] =	stream.linear.scatter [tilespmem:s6], [sflag:$0x3], $0x4000, $0x38;
	[tilespmem:$0x8800] =	vst v63  }
0xb3: {  	_ =	swait.ge [sflag:s4], $0x4000  }
0xb4: {  	[sflag:s4] =	ssyncset.done $0x0  }
0xb5: {  	[sflag:s4] =	ssyncadd.s32 $0xFFFFC000  }
0xb6: {  	[tilespmem:s6], [sflag:$0x1] =	stream.indirect.gather [hbm4b:s2+s5], $0x80, s12, s5, $0xb8;
	[tilespmem:$0x8800] =	vst v63  }
0xb7: {  	_ =	swait.ge [sflag:s10], $0x4000  }
0xb8: {  	[sflag:s10] =	ssyncset.done $0x0  }
0xb9: {  	s0 =	rddreg [dreg:$0x7];
	[sflag:s10] =	ssyncadd.s32 $0xFFFFC000  }
0xba: {  	[hbm4b:s0+s3] =	stream.linear.scatter [tilespmem:s7], [sflag:$0x3], $0x4000, $0x38;
	[tilespmem:$0x8800] =	vst v63  }
0xbb: {  	_ =	swait.ge [sflag:s4], $0x4000  }
0xbc: {  	[sflag:s4] =	ssyncset.done $0x0  }
0xbd: {  	[sflag:s4] =	ssyncadd.s32 $0xFFFFC000  }
0xbe: {  	[tilespmem:s7], [sflag:$0x2] =	stream.indirect.gather [hbm4b:s2+s5], $0x80, s13, s5, $0xb8;
	[tilespmem:$0x8800] =	vst v63  }
0xbf: {  	_ =	swait.ge [sflag:s8], $0x4000  }
0xc0: {  	[sflag:s8] =	ssyncset.done $0x0  }
0xc1: {  	s0 =	rddreg [dreg:$0x8];
	[sflag:s8] =	ssyncadd.s32 $0xFFFFC000  }
0xc2: {  	[hbm4b:s0+s3] =	stream.linear.scatter [tilespmem:s6], [sflag:$0x3], $0x4000, $0x38;
	[tilespmem:$0x8800] =	vst v63  }
0xc3: {  	_ =	swait.ge [sflag:s4], $0x4000  }
0xc4: {  	[sflag:s4] =	ssyncset.done $0x0  }
0xc5: {  	[sflag:s4] =	ssyncadd.s32 $0xFFFFC000  }
0xc6: {  	[tilespmem:s6], [sflag:$0x1] =	stream.indirect.gather [hbm4b:s2+s5], $0x80, s14, s5, $0xb8;
	[tilespmem:$0x8800] =	vst v63  }
0xc7: {  	_ =	swait.ge [sflag:s10], $0x4000  }
0xc8: {  	[sflag:s10] =	ssyncset.done $0x0  }
0xc9: {  	s0 =	rddreg [dreg:$0x9];
	[sflag:s10] =	ssyncadd.s32 $0xFFFFC000  }
0xca: {  	[hbm4b:s0+s3] =	stream.linear.scatter [tilespmem:s7], [sflag:$0x3], $0x4000, $0x38;
	[tilespmem:$0x8800] =	vst v63  }
0xcb: {  	_ =	swait.ge [sflag:s4], $0x4000  }
0xcc: {  	[sflag:s4] =	ssyncset.done $0x0  }
0xcd: {  	[sflag:s4] =	ssyncadd.s32 $0xFFFFC000  }
0xce: {  	[tilespmem:s7], [sflag:$0x2] =	stream.indirect.gather [hbm4b:s2+s5], $0x80, s15, s5, $0xb8;
	[tilespmem:$0x8800] =	vst v63  }
0xcf: {  	_ =	swait.ge [sflag:s8], $0x4000  }
0xd0: {  	[sflag:s8] =	ssyncset.done $0x0  }
0xd1: {  	s0 =	rddreg [dreg:$0xa];
	[sflag:s8] =	ssyncadd.s32 $0xFFFFC000  }
0xd2: {  	[hbm4b:s0+s3] =	stream.linear.scatter [tilespmem:s6], [sflag:$0x3], $0x4000, $0x38;
	[tilespmem:$0x8800] =	vst v63  }
0xd3: {  	_ =	swait.ge [sflag:s4], $0x4000  }
0xd4: {  	[sflag:s4] =	ssyncset.done $0x0  }
0xd5: {  	[sflag:s4] =	ssyncadd.s32 $0xFFFFC000  }
0xd6: {  	[tilespmem:s6], [sflag:$0x1] =	stream.indirect.gather [hbm4b:s2+s5], $0x80, s16, s5, $0xb8;
	[tilespmem:$0x8800] =	vst v63  }
0xd7: {  	_ =	swait.ge [sflag:s10], $0x4000  }
0xd8: {  	[sflag:s10] =	ssyncset.done $0x0  }
0xd9: {  	s0 =	rddreg [dreg:$0xb];
	[sflag:s10] =	ssyncadd.s32 $0xFFFFC000  }
0xda: {  	[hbm4b:s0+s3] =	stream.linear.scatter [tilespmem:s7], [sflag:$0x3], $0x4000, $0x38;
	[tilespmem:$0x8800] =	vst v63  }
0xdb: {  	_ =	swait.ge [sflag:s4], $0x4000  }
0xdc: {  	[sflag:s4] =	ssyncset.done $0x0  }
0xdd: {  	[sflag:s4] =	ssyncadd.s32 $0xFFFFC000  }
0xde: {  	[tilespmem:s7], [sflag:$0x2] =	stream.indirect.gather [hbm4b:s2+s5], $0x80, s17, s5, $0xb8;
	[tilespmem:$0x8800] =	vst v63  }
0xdf: {  	_ =	swait.ge [sflag:s8], $0x4000  }
0xe0: {  	[sflag:s8] =	ssyncset.done $0x0  }
0xe1: {  	s0 =	rddreg [dreg:$0xc];
	[sflag:s8] =	ssyncadd.s32 $0xFFFFC000  }
0xe2: {  	[hbm4b:s0+s3] =	stream.linear.scatter [tilespmem:s6], [sflag:$0x3], $0x4000, $0x38;
	[tilespmem:$0x8800] =	vst v63  }
0xe3: {  	_ =	swait.ge [sflag:s4], $0x4000  }
0xe4: {  	[sflag:s4] =	ssyncset.done $0x0  }
0xe5: {  	[sflag:s4] =	ssyncadd.s32 $0xFFFFC000  }
0xe6: {  	[tilespmem:s6], [sflag:$0x1] =	stream.indirect.gather [hbm4b:s2+s5], $0x80, s18, s5, $0xb8;
	[tilespmem:$0x8800] =	vst v63  }
0xe7: {  	_ =	swait.ge [sflag:s10], $0x4000  }
0xe8: {  	[sflag:s10] =	ssyncset.done $0x0  }
0xe9: {  	[sflag:s10] =	ssyncadd.s32 $0xFFFFC000  }
0xea: {  	[hbm4b:s19+s3] =	stream.linear.scatter [tilespmem:s7], [sflag:$0x3], $0x4000, $0x38;
	[tilespmem:$0x8800] =	vst v63  }
0xeb: {  	_ =	swait.ge [sflag:s4], $0x4000  }
0xec: {  	[sflag:s4] =	ssyncset.done $0x0  }
0xed: {  	[sflag:s4] =	ssyncadd.s32 $0xFFFFC000  }
0xee: {  	[tilespmem:s7], [sflag:$0x2] =	stream.indirect.gather [hbm4b:s2+s5], $0x80, s20, s5, $0xb8;
	[tilespmem:$0x8800] =	vst v63  }
0xef: {  	_ =	swait.ge [sflag:s8], $0x4000  }
0xf0: {  	[sflag:s8] =	ssyncset.done $0x0  }
0xf1: {  	[sflag:s8] =	ssyncadd.s32 $0xFFFFC000  }
0xf2: {  	[hbm4b:s21+s3] =	stream.linear.scatter [tilespmem:s6], [sflag:$0x3], $0x4000, $0x38;
	[tilespmem:$0x8800] =	vst v63  }
0xf3: {  	_ =	swait.ge [sflag:s4], $0x4000  }
0xf4: {  	[sflag:s4] =	ssyncset.done $0x0  }
0xf5: {  	[sflag:s4] =	ssyncadd.s32 $0xFFFFC000  }
0xf6: {  	[tilespmem:s6], [sflag:$0x1] =	stream.indirect.gather [hbm4b:s2+s5], $0x80, s22, s5, $0xb8;
	[tilespmem:$0x8800] =	vst v63  }
0xf7: {  	_ =	swait.ge [sflag:s10], $0x4000  }
0xf8: {  	[sflag:s10] =	ssyncset.done $0x0  }
0xf9: {  	[sflag:s10] =	ssyncadd.s32 $0xFFFFC000  }
0xfa: {  	[hbm4b:s23+s3] =	stream.linear.scatter [tilespmem:s7], [sflag:$0x3], $0x4000, $0x38;
	[tilespmem:$0x8800] =	vst v63  }
0xfb: {  	_ =	swait.ge [sflag:s4], $0x4000  }
0xfc: {  	[sflag:s4] =	ssyncset.done $0x0  }
0xfd: {  	[sflag:s4] =	ssyncadd.s32 $0xFFFFC000  }
0xfe: {  	[tilespmem:s7], [sflag:$0x2] =	stream.indirect.gather [hbm4b:s2+s5], $0x80, s24, s5, $0xb8;
	[tilespmem:$0x8800] =	vst v63  }
0xff: {  	_ =	swait.ge [sflag:s8], $0x4000  }
0x100: {  	[sflag:s8] =	ssyncset.done $0x0  }
0x101: {  	[sflag:s8] =	ssyncadd.s32 $0xFFFFC000  }
0x102: {  	[hbm4b:s25+s3] =	stream.linear.scatter [tilespmem:s6], [sflag:$0x3], $0x4000, $0x38;
	[tilespmem:$0x8800] =	vst v63  }
0x103: {  	_ =	swait.ge [sflag:s4], $0x4000  }
0x104: {  	[sflag:s4] =	ssyncset.done $0x0  }
0x105: {  	[sflag:s4] =	ssyncadd.s32 $0xFFFFC000  }
0x106: {  	[tilespmem:s6], [sflag:$0x1] =	stream.indirect.gather [hbm4b:s2+s5], $0x80, s26, s5, $0xb8;
	[tilespmem:$0x8800] =	vst v63  }
0x107: {  	_ =	swait.ge [sflag:s10], $0x4000  }
0x108: {  	[sflag:s10] =	ssyncset.done $0x0  }
0x109: {  	[sflag:s10] =	ssyncadd.s32 $0xFFFFC000  }
0x10a: {  	[hbm4b:s28+s3] =	stream.linear.scatter [tilespmem:s7], [sflag:$0x3], $0x4000, $0x38;
	[tilespmem:$0x8800] =	vst v63  }
0x10b: {  	_ =	swait.ge [sflag:s4], $0x4000  }
0x10c: {  	[sflag:s4] =	ssyncset.done $0x0  }
0x10d: {  	[sflag:s4] =	ssyncadd.s32 $0xFFFFC000  }
0x10e: {  	[tilespmem:s7], [sflag:$0x2] =	stream.indirect.gather [hbm4b:s2+s5], $0x80, s29, s5, $0xb8;
	[tilespmem:$0x8800] =	vst v63  }
0x10f: {  	_ =	swait.ge [sflag:s8], $0x4000  }
0x110: {  	[sflag:s8] =	ssyncset.done $0x0  }
0x111: {  	[sflag:s8] =	ssyncadd.s32 $0xFFFFC000  }
0x112: {  	[hbm4b:s30+s3] =	stream.linear.scatter [tilespmem:s6], [sflag:$0x3], $0x4000, $0x38;
	[tilespmem:$0x8800] =	vst v63  }
0x113: {  	_ =	swait.ge [sflag:s4], $0x4000  }
0x114: {  	[sflag:s4] =	ssyncset.done $0x0  }
0x115: {  	p0 =	sne.s32 s1, $0x1;
	[sflag:s4] =	ssyncadd.s32 $0xFFFFC000  }
.Ltmp1:
0x116: {  	_ =	swait.ge [sflag:s10], $0x4000;
	(pc) =	sbr.rel @p0 .LBB2_1-.Ltmp1, $4  }
0x117: {  	[sflag:s10] =	ssyncset.done $0x0  }
0x118: {  	[sflag:s10] =	ssyncadd.s32 $0xFFFFC000  }
0x119: {  	[hbm4b:s31+s3] =	stream.linear.scatter [tilespmem:s7], [sflag:$0x3], $0x4000, $0x38;
	[tilespmem:$0x8800] =	vst v63  }
0x11a: {  	s1 =	sadd.s32 $0xFFFFFFFF, s1;
	_ =	swait.ge [sflag:s4], $0x4000  }
.LBB2_2:
0x11b: {  	[sflag:s4] =	ssyncset.done $0x0  }
0x11c: {  	[sflag:s4] =	ssyncadd.s32 $0xFFFFC000  }
0x11d: {  	_ =	sfence.sel $0x180000  }
0x11e: {  	[bflag:$0x0] =	sbarrier.arrive $0xFFFF  }
0x11f: {  	_ =	strace $0x90000047  }
0x120: {  	s0 =	stileid.u32;
	[bflag:$0x2] =	sbarrier.arrive $0xFFFF  }
0x121: {  	p0 =	sne.s32 s0, $0x0;
	s0 =	rddreg [dreg:$0x2]  }
0x122: {  	s0 =	sadd.s32 @!p0 $0x100000, s0  }
0x123: {  	[sflag:s0] =	ssyncadd.tile.s32 @!p0 $0x1;
	_ =	shalt  }
.Lfunc_end2:
_tile_overlayer_lowered:
.L_overlay_start_2:
0x124: {  	(tag) =	ssettag $0x2  }
0x125: {  	s0 =	rddreg [dreg:$0x0];
	s2 =	stileid.u32  }
0x126: {  	s1 =	rddreg [dreg:$0x1];
	p0 =	sne.s32 s2, $0x0  }
0x127: {  	s3 =	rddreg [dreg:$0x2];
	[bflag:$0x3] =	sbarrier.arrive $0xFFFF;
	s2 =	simm.s32 @!p0 $0x1C03  }
0x128: {  	[timem:s3], [sflag:s2] =	dma.local @!p0 [hbm:s0], s1  }
0x129: {  	s0 =	simm.s32 @!p0 $0x3  }
0x12a: {  	_ =	swait.ge @!p0 [sflag:s0], s1  }
0x12b: {  	s1 =	ssub.s32 @!p0 $0x0, s1;
	[sflag:s0] =	ssyncset.done @!p0 $0x0  }
0x12c: {  	[sflag:s0] =	ssyncadd.s32 @!p0 s1  }
0x12d: {  	[bflag:$0x3] =	sbarrier.arrive $0xFFFF  }
0x12e: {  	_ =	shalt  }

</sc_bundles>
